<compile_context>
chip_gen: v7x
topology: tpu7x:2x2x1
jax: 0.10.2.dev20260603
libtpu: 0.0.44.dev20260713+nightly
codegen_flags: <defaults>
</compile_context>

<pallas_src>
import functools

import jax
import jax.numpy as jnp
from jax.experimental import pallas as pl
from jax.experimental.pallas import tpu as pltpu
from jax.experimental.pallas import tpu_sc as plsc

B = 64
D = 2048
S = 65536
K = 64

ENC_BLK = 1024
ROW_BLK = 8

NC = 2
NS = 16
NW = NC * NS
RPW = B // NW
DCH = 16
NCH = K // DCH
DV = D // 16


def _encode_block(x_ref, bdec_ref, w_ref, benc_ref, z_ref):
    xc = x_ref[...] - bdec_ref[...]
    z_ref[...] = (
        jnp.dot(xc, w_ref[...], preferred_element_type=jnp.float32)
        + benc_ref[...]
    )


NSEG = 512
SEGK = 6
NCAND = NSEG * SEGK


def _topk_block(z_ref, tv_ref, ti_ref, f_ref):
    zr = jnp.maximum(z_ref[...], 0.0)
    z3 = zr.reshape(ROW_BLK, NSEG, 128)
    col3 = (jax.lax.broadcasted_iota(jnp.int32, (ROW_BLK, NSEG, 128), 1)
            * 128
            + jax.lax.broadcasted_iota(jnp.int32, (ROW_BLK, NSEG, 128), 2))

    work = z3
    cvs, cis = [], []
    for _ in range(SEGK):
        m = jnp.max(work, axis=2, keepdims=True)
        cand = jnp.where(work == m, col3, jnp.int32(S))
        am = jnp.min(cand, axis=2, keepdims=True)
        cvs.append(jnp.squeeze(m, 2))
        cis.append(jnp.squeeze(am, 2))
        work = jnp.where(cand == am, -1.0, work)

    candV = jnp.concatenate(cvs, axis=1)
    candI = jnp.concatenate(cis, axis=1)
    kcol = jax.lax.broadcasted_iota(jnp.int32, (ROW_BLK, K), 1)

    def body(k, carry):
        cv, tv, ti = carry
        m = jnp.max(cv, axis=1, keepdims=True)
        cand = jnp.where(cv == m, candI, jnp.int32(S))
        amin = jnp.min(cand, axis=1, keepdims=True)
        sel = kcol == k
        tv = jnp.where(sel, m, tv)
        ti = jnp.where(sel, amin, ti)
        cv = jnp.where(candI == amin, -1.0, cv)
        return (cv, tv, ti)

    _, tv, ti = jax.lax.fori_loop(
        0, K, body,
        (candV,
         jnp.zeros((ROW_BLK, K), jnp.float32),
         jnp.zeros((ROW_BLK, K), jnp.int32)),
    )
    tv_ref[...] = tv
    ti_ref[...] = ti
    thr = tv[:, K - 1:K]
    cutoff = jnp.max(jnp.where(tv == thr, ti, -1), axis=1, keepdims=True)
    col = jax.lax.broadcasted_iota(jnp.int32, (ROW_BLK, S), 1)
    f_ref[...] = jnp.where(
        (zr > thr) | ((zr == thr) & (col <= cutoff)), zr, 0.0)


def _sc_decode_body(ti_hbm, tv_hbm, wdec_hbm, bdec_hbm, out_hbm,
                    idx_v, tvv_v, rows_v, acc_v, sem):
    wid = jax.lax.axis_index("s") * NC + jax.lax.axis_index("c")
    for rr in range(RPW):
        r = wid * RPW + rr
        pltpu.sync_copy(bdec_hbm, acc_v)
        pltpu.sync_copy(tv_hbm.at[r], tvv_v)
        for c in range(NCH):
            pltpu.sync_copy(ti_hbm.at[r, c], idx_v)
            pltpu.async_copy(wdec_hbm.at[idx_v], rows_v, sem).wait()
            ws = [tvv_v[c * DCH + j, :] for j in range(DCH)]

            def dbody(d, _):
                sl = pl.ds(d * 16, 16)
                av = acc_v[sl]
                for j in range(DCH):
                    av = av + ws[j] * rows_v[j, sl]
                acc_v[sl] = av
                return 0

            jax.lax.fori_loop(0, DV, dbody, 0)
        pltpu.sync_copy(acc_v, out_hbm.at[r])


_sc_decode = functools.partial(
    pl.kernel,
    mesh=plsc.VectorSubcoreMesh(core_axis_name="c", subcore_axis_name="s"),
    out_type=jax.ShapeDtypeStruct((B, D), jnp.float32),
    scratch_types=[
        pltpu.VMEM((DCH,), jnp.int32),
        pltpu.VMEM((K, 16), jnp.float32),
        pltpu.VMEM((DCH, D), jnp.float32),
        pltpu.VMEM((D,), jnp.float32),
        pltpu.SemaphoreType.DMA,
    ],
)(_sc_decode_body)


def kernel(x, W_enc, b_enc, W_dec, b_dec):
    bdec2 = b_dec.reshape(1, D)
    benc2 = b_enc.reshape(1, S)

    z = pl.pallas_call(
        _encode_block,
        grid=(S // ENC_BLK,),
        in_specs=[
            pl.BlockSpec((B, D), lambda j: (0, 0)),
            pl.BlockSpec((1, D), lambda j: (0, 0)),
            pl.BlockSpec((D, ENC_BLK), lambda j: (0, j)),
            pl.BlockSpec((1, ENC_BLK), lambda j: (0, j)),
        ],
        out_specs=pl.BlockSpec((B, ENC_BLK), lambda j: (0, j)),
        out_shape=jax.ShapeDtypeStruct((B, S), jnp.float32),
    )(x, bdec2, W_enc, benc2)

    tv, ti, f = pl.pallas_call(
        _topk_block,
        grid=(B // ROW_BLK,),
        in_specs=[pl.BlockSpec((ROW_BLK, S), lambda i: (i, 0))],
        out_specs=[
            pl.BlockSpec((ROW_BLK, K), lambda i: (i, 0)),
            pl.BlockSpec((ROW_BLK, K), lambda i: (i, 0)),
            pl.BlockSpec((ROW_BLK, S), lambda i: (i, 0)),
        ],
        out_shape=[
            jax.ShapeDtypeStruct((B, K), jnp.float32),
            jax.ShapeDtypeStruct((B, K), jnp.int32),
            jax.ShapeDtypeStruct((B, S), jnp.float32),
        ],
    )(z)

    tvx = jnp.broadcast_to(tv[:, :, None], (B, K, 16))
    x_hat = _sc_decode(ti.reshape(B, NCH, DCH), tvx, W_dec, b_dec)

    return (x_hat, f, ti, z)

# --- scband reference (transcript-rebuilt; emitter-appended) ---
"""Pipeline reference for scband-top-ksae-24343874633902 (READ-ONLY COPY).

The authoritative reference and input builder live on the scoring server;
editing this copy changes nothing except your own understanding.
"""

import jax, jax.numpy as jnp
import numpy as np

B = 64
D_MODEL = 2048
D_SAE = 65536
K = 64

def setup_inputs(seed: int = 0) -> dict:
    key = jax.random.key(seed)
    k1, k2, k3 = jax.random.split(key, 3)
    x = jax.random.normal(k1, (B, D_MODEL), dtype=jnp.float32)
    # kaiming_uniform_ with a=sqrt(5): bound = sqrt(6 / ((1 + 5) * fan_in)) = 1/sqrt(fan_in)
    bound_enc = 1.0 / np.sqrt(D_MODEL)
    W_enc = jax.random.uniform(k2, (D_MODEL, D_SAE), minval=-bound_enc, maxval=bound_enc, dtype=jnp.float32)
    bound_dec = 1.0 / np.sqrt(D_SAE)
    W_dec = jax.random.uniform(k3, (D_SAE, D_MODEL), minval=-bound_dec, maxval=bound_dec, dtype=jnp.float32)
    # set_decoder_norm: unit-normalize decoder rows (feature directions)
    W_dec = W_dec / jnp.linalg.norm(W_dec, axis=1, keepdims=True)
    b_enc = jnp.zeros((D_SAE,), dtype=jnp.float32)
    b_dec = jnp.zeros((D_MODEL,), dtype=jnp.float32)
    return {"x": x, "W_enc": W_enc, "b_enc": b_enc, "W_dec": W_dec, "b_dec": b_dec}

def reference(x, W_enc, b_enc, W_dec, b_dec):
    # encode
    x_centered = x - b_dec
    z = x_centered @ W_enc + b_enc
    # activate: relu then top-k selection, scatter back into dense sparse-code tensor
    z_relu = jax.nn.relu(z)
    topk_values, topk_indices = jax.lax.top_k(z_relu, K)
    rows = jnp.arange(x.shape[0])[:, None]
    f = jnp.zeros_like(z_relu).at[rows, topk_indices].set(topk_values)
    # decode
    x_hat = f @ W_dec + b_dec
    return (x_hat, f, topk_indices, z)

if __name__ == "__main__":
    import jax
    _d = setup_inputs()
    print(jax.jit(kernel)(*tuple(_d.values())))

</pallas_src>

<mosaic_0001>
#map = affine_map<(d0, d1) -> (0, 0, 0)>
#map1 = affine_map<(d0, d1) -> (0, 0)>
#map2 = affine_map<(d0, d1) -> (0)>
module attributes {stable_mosaic.version = 14 : i64} {
  func.func @_sc_decode_body(%arg0: i32, %arg1: i32, %arg2: memref<64x4x16xi32, #tpu.memory_space<hbm>>, %arg3: memref<64x64x16xf32, #tpu.memory_space<hbm>>, %arg4: memref<65536x2048xf32, #tpu.memory_space<hbm>>, %arg5: memref<2048xf32, #tpu.memory_space<hbm>>, %arg6: memref<64x2048xf32, #tpu.memory_space<hbm>>, %arg7: memref<16xi32, #tpu.memory_space<vmem>>, %arg8: memref<64x16xf32, #tpu.memory_space<vmem>>, %arg9: memref<16x2048xf32, #tpu.memory_space<vmem>>, %arg10: memref<2048xf32, #tpu.memory_space<vmem>>, %arg11: memref<!tpu.dma_semaphore, #tpu.memory_space<semaphore_mem>>) attributes {dimension_semantics = [#tpu.dimension_semantics<core_parallel>, #tpu.dimension_semantics<subcore_parallel>], iteration_bounds = array<i64: 2, 16>, scalar_prefetch = 0 : i64, scratch_operands = 5 : i64, tpu.core_type = #tpu.core_type<sc_vector_subcore>, window_params = [{transform_indices = #map}, {transform_indices = #map}, {transform_indices = #map1}, {transform_indices = #map2}, {transform_indices = #map1}]} {
    %mul3A = arith.constant 2 : i32
    %mul3A_0 = arith.muli %arg1, %mul3A : i32
    %add3A = arith.addi %mul3A_0, %arg0 : i32
    %mul3A_1 = arith.constant 2 : i32
    %mul3A_2 = arith.muli %add3A, %mul3A_1 : i32
    %add3A_3 = arith.constant 0 : i32
    %add3A_4 = arith.addi %mul3A_2, %add3A_3 : i32
    "tpu.region"() ({
      %run_scoped3A_756 = tpu.sem_alloc : memref<!tpu.dma_semaphore, #tpu.memory_space<semaphore_mem>>
      tpu.enqueue_dma source(%arg5 : memref<2048xf32, #tpu.memory_space<hbm>>) target(%arg10 : memref<2048xf32, #tpu.memory_space<vmem>>) target_semaphore(%run_scoped3A_756 : memref<!tpu.dma_semaphore, #tpu.memory_space<semaphore_mem>>)
      tpu.wait_dma2 semaphore(%run_scoped3A_756 : memref<!tpu.dma_semaphore, #tpu.memory_space<semaphore_mem>>) src(%arg5 : memref<2048xf32, #tpu.memory_space<hbm>>) dst(%arg10 : memref<2048xf32, #tpu.memory_space<vmem>>)
      tpu.yield
    }) : () -> ()
    "tpu.region"() ({
      %run_scoped3A_756 = tpu.sem_alloc : memref<!tpu.dma_semaphore, #tpu.memory_space<semaphore_mem>>
      %dma_start3A_757 = arith.constant 0 : i32
      %dma_start3A_758 = arith.constant 0 : i32
      %dma_start3A_759 = tpu.memref_slice %arg3[%add3A_4, %dma_start3A_757, %dma_start3A_758] : memref<64x64x16xf32, #tpu.memory_space<hbm>> -> memref<1x64x16xf32, #tpu.memory_space<hbm>>
      %dma_start3A_760 = tpu.memref_squeeze %dma_start3A_759 : memref<1x64x16xf32, #tpu.memory_space<hbm>> -> memref<64x16xf32, #tpu.memory_space<hbm>>
      %dma_start3A_761 = arith.constant 0 : i32
      %dma_start3A_762 = arith.constant 0 : i32
      %dma_start3A_763 = tpu.memref_slice %arg3[%add3A_4, %dma_start3A_761, %dma_start3A_762] : memref<64x64x16xf32, #tpu.memory_space<hbm>> -> memref<1x64x16xf32, #tpu.memory_space<hbm>>
      %dma_start3A_764 = tpu.memref_squeeze %dma_start3A_763 : memref<1x64x16xf32, #tpu.memory_space<hbm>> -> memref<64x16xf32, #tpu.memory_space<hbm>>
      tpu.enqueue_dma source(%dma_start3A_764 : memref<64x16xf32, #tpu.memory_space<hbm>>) target(%arg8 : memref<64x16xf32, #tpu.memory_space<vmem>>) target_semaphore(%run_scoped3A_756 : memref<!tpu.dma_semaphore, #tpu.memory_space<semaphore_mem>>)
      %dma_wait3A_765 = arith.constant 0 : i32
      %dma_wait3A_766 = arith.constant 0 : i32
      %dma_wait3A_767 = tpu.memref_slice %arg3[%add3A_4, %dma_wait3A_765, %dma_wait3A_766] : memref<64x64x16xf32, #tpu.memory_space<hbm>> -> memref<1x64x16xf32, #tpu.memory_space<hbm>>
      %dma_wait3A_768 = tpu.memref_squeeze %dma_wait3A_767 : memref<1x64x16xf32, #tpu.memory_space<hbm>> -> memref<64x16xf32, #tpu.memory_space<hbm>>
      %dma_wait3A_769 = arith.constant 0 : i32
      %dma_wait3A_770 = arith.constant 0 : i32
      %dma_wait3A_771 = tpu.memref_slice %arg3[%add3A_4, %dma_wait3A_769, %dma_wait3A_770] : memref<64x64x16xf32, #tpu.memory_space<hbm>> -> memref<1x64x16xf32, #tpu.memory_space<hbm>>
      %dma_wait3A_772 = tpu.memref_squeeze %dma_wait3A_771 : memref<1x64x16xf32, #tpu.memory_space<hbm>> -> memref<64x16xf32, #tpu.memory_space<hbm>>
      tpu.wait_dma2 semaphore(%run_scoped3A_756 : memref<!tpu.dma_semaphore, #tpu.memory_space<semaphore_mem>>) src(%dma_wait3A_772 : memref<64x16xf32, #tpu.memory_space<hbm>>) dst(%arg8 : memref<64x16xf32, #tpu.memory_space<vmem>>)
      tpu.yield
    }) : () -> ()
    %run_scoped3A = arith.constant 0 : i32
    "tpu.region"() ({
      %run_scoped3A_756 = tpu.sem_alloc : memref<!tpu.dma_semaphore, #tpu.memory_space<semaphore_mem>>
      %dma_start3A_757 = arith.constant 0 : i32
      %dma_start3A_758 = tpu.memref_slice %arg2[%add3A_4, %run_scoped3A, %dma_start3A_757] : memref<64x4x16xi32, #tpu.memory_space<hbm>> -> memref<1x1x16xi32, #tpu.memory_space<hbm>>
      %dma_start3A_759 = tpu.memref_squeeze %dma_start3A_758 : memref<1x1x16xi32, #tpu.memory_space<hbm>> -> memref<16xi32, #tpu.memory_space<hbm>>
      %dma_start3A_760 = arith.constant 0 : i32
      %dma_start3A_761 = tpu.memref_slice %arg2[%add3A_4, %run_scoped3A, %dma_start3A_760] : memref<64x4x16xi32, #tpu.memory_space<hbm>> -> memref<1x1x16xi32, #tpu.memory_space<hbm>>
      %dma_start3A_762 = tpu.memref_squeeze %dma_start3A_761 : memref<1x1x16xi32, #tpu.memory_space<hbm>> -> memref<16xi32, #tpu.memory_space<hbm>>
      tpu.enqueue_dma source(%dma_start3A_762 : memref<16xi32, #tpu.memory_space<hbm>>) target(%arg7 : memref<16xi32, #tpu.memory_space<vmem>>) target_semaphore(%run_scoped3A_756 : memref<!tpu.dma_semaphore, #tpu.memory_space<semaphore_mem>>)
      %dma_wait3A_763 = arith.constant 0 : i32
      %dma_wait3A_764 = tpu.memref_slice %arg2[%add3A_4, %run_scoped3A, %dma_wait3A_763] : memref<64x4x16xi32, #tpu.memory_space<hbm>> -> memref<1x1x16xi32, #tpu.memory_space<hbm>>
      %dma_wait3A_765 = tpu.memref_squeeze %dma_wait3A_764 : memref<1x1x16xi32, #tpu.memory_space<hbm>> -> memref<16xi32, #tpu.memory_space<hbm>>
      %dma_wait3A_766 = arith.constant 0 : i32
      %dma_wait3A_767 = tpu.memref_slice %arg2[%add3A_4, %run_scoped3A, %dma_wait3A_766] : memref<64x4x16xi32, #tpu.memory_space<hbm>> -> memref<1x1x16xi32, #tpu.memory_space<hbm>>
      %dma_wait3A_768 = tpu.memref_squeeze %dma_wait3A_767 : memref<1x1x16xi32, #tpu.memory_space<hbm>> -> memref<16xi32, #tpu.memory_space<hbm>>
      tpu.wait_dma2 semaphore(%run_scoped3A_756 : memref<!tpu.dma_semaphore, #tpu.memory_space<semaphore_mem>>) src(%dma_wait3A_768 : memref<16xi32, #tpu.memory_space<hbm>>) dst(%arg7 : memref<16xi32, #tpu.memory_space<vmem>>)
      tpu.yield
    }) : () -> ()
    %dma_start3A = arith.constant 0 : i32
    %dma_start3A_5 = arith.constant 0 : i32
    %dma_start3A_6 = tpu.memref_slice %arg4[%dma_start3A, %dma_start3A_5] : memref<65536x2048xf32, #tpu.memory_space<hbm>> -> memref<65536x2048xf32, #tpu.memory_space<hbm>>
    tpu.enqueue_indirect_dma source(%dma_start3A_6 : memref<65536x2048xf32, #tpu.memory_space<hbm>>) target(%arg9 : memref<16x2048xf32, #tpu.memory_space<vmem>>) offsets(%arg7 : memref<16xi32, #tpu.memory_space<vmem>>) semaphore(%arg11 : memref<!tpu.dma_semaphore, #tpu.memory_space<semaphore_mem>>)
    %dma_wait3A = arith.constant 0 : i32
    %dma_wait3A_7 = arith.constant 0 : i32
    %dma_wait3A_8 = tpu.memref_slice %arg4[%dma_wait3A, %dma_wait3A_7] : memref<65536x2048xf32, #tpu.memory_space<hbm>> -> memref<65536x2048xf32, #tpu.memory_space<hbm>>
    tpu.wait_indirect_dma semaphore(%arg11 : memref<!tpu.dma_semaphore, #tpu.memory_space<semaphore_mem>>) src(%dma_wait3A_8 : memref<65536x2048xf32, #tpu.memory_space<hbm>>) dst(%arg9 : memref<16x2048xf32, #tpu.memory_space<vmem>>)
    %get3A = arith.constant 0 : i32
    %get3A_9 = arith.index_cast %get3A : i32 to index
    %get3A_10 = arith.constant 0 : index
    %get3A_11 = tpu.vector_load %arg8[%get3A_9, %get3A_10] {strides = array<i32>} : memref<64x16xf32, #tpu.memory_space<vmem>>, vector<1x16xf32>,
    %get3A_12 = vector.shape_cast %get3A_11 : vector<1x16xf32> to vector<16xf32>
    %get3A_13 = arith.constant 1 : i32
    %get3A_14 = arith.index_cast %get3A_13 : i32 to index
    %get3A_15 = arith.constant 0 : index
    %get3A_16 = tpu.vector_load %arg8[%get3A_14, %get3A_15] {strides = array<i32>} : memref<64x16xf32, #tpu.memory_space<vmem>>, vector<1x16xf32>,
    %get3A_17 = vector.shape_cast %get3A_16 : vector<1x16xf32> to vector<16xf32>
    %get3A_18 = arith.constant 2 : i32
    %get3A_19 = arith.index_cast %get3A_18 : i32 to index
    %get3A_20 = arith.constant 0 : index
    %get3A_21 = tpu.vector_load %arg8[%get3A_19, %get3A_20] {strides = array<i32>} : memref<64x16xf32, #tpu.memory_space<vmem>>, vector<1x16xf32>,
    %get3A_22 = vector.shape_cast %get3A_21 : vector<1x16xf32> to vector<16xf32>
    %get3A_23 = arith.constant 3 : i32
    %get3A_24 = arith.index_cast %get3A_23 : i32 to index
    %get3A_25 = arith.constant 0 : index
    %get3A_26 = tpu.vector_load %arg8[%get3A_24, %get3A_25] {strides = array<i32>} : memref<64x16xf32, #tpu.memory_space<vmem>>, vector<1x16xf32>,
    %get3A_27 = vector.shape_cast %get3A_26 : vector<1x16xf32> to vector<16xf32>
    %get3A_28 = arith.constant 4 : i32
    %get3A_29 = arith.index_cast %get3A_28 : i32 to index
    %get3A_30 = arith.constant 0 : index
    %get3A_31 = tpu.vector_load %arg8[%get3A_29, %get3A_30] {strides = array<i32>} : memref<64x16xf32, #tpu.memory_space<vmem>>, vector<1x16xf32>,
    %get3A_32 = vector.shape_cast %get3A_31 : vector<1x16xf32> to vector<16xf32>
    %get3A_33 = arith.constant 5 : i32
    %get3A_34 = arith.index_cast %get3A_33 : i32 to index
    %get3A_35 = arith.constant 0 : index
    %get3A_36 = tpu.vector_load %arg8[%get3A_34, %get3A_35] {strides = array<i32>} : memref<64x16xf32, #tpu.memory_space<vmem>>, vector<1x16xf32>,
    %get3A_37 = vector.shape_cast %get3A_36 : vector<1x16xf32> to vector<16xf32>
    %get3A_38 = arith.constant 6 : i32
    %get3A_39 = arith.index_cast %get3A_38 : i32 to index
    %get3A_40 = arith.constant 0 : index
    %get3A_41 = tpu.vector_load %arg8[%get3A_39, %get3A_40] {strides = array<i32>} : memref<64x16xf32, #tpu.memory_space<vmem>>, vector<1x16xf32>,
    %get3A_42 = vector.shape_cast %get3A_41 : vector<1x16xf32> to vector<16xf32>
    %get3A_43 = arith.constant 7 : i32
    %get3A_44 = arith.index_cast %get3A_43 : i32 to index
    %get3A_45 = arith.constant 0 : index
    %get3A_46 = tpu.vector_load %arg8[%get3A_44, %get3A_45] {strides = array<i32>} : memref<64x16xf32, #tpu.memory_space<vmem>>, vector<1x16xf32>,
    %get3A_47 = vector.shape_cast %get3A_46 : vector<1x16xf32> to vector<16xf32>
    %get3A_48 = arith.constant 8 : i32
    %get3A_49 = arith.index_cast %get3A_48 : i32 to index
    %get3A_50 = arith.constant 0 : index
    %get3A_51 = tpu.vector_load %arg8[%get3A_49, %get3A_50] {strides = array<i32>} : memref<64x16xf32, #tpu.memory_space<vmem>>, vector<1x16xf32>,
    %get3A_52 = vector.shape_cast %get3A_51 : vector<1x16xf32> to vector<16xf32>
    %get3A_53 = arith.constant 9 : i32
    %get3A_54 = arith.index_cast %get3A_53 : i32 to index
    %get3A_55 = arith.constant 0 : index
    %get3A_56 = tpu.vector_load %arg8[%get3A_54, %get3A_55] {strides = array<i32>} : memref<64x16xf32, #tpu.memory_space<vmem>>, vector<1x16xf32>,
    %get3A_57 = vector.shape_cast %get3A_56 : vector<1x16xf32> to vector<16xf32>
    %get3A_58 = arith.constant 10 : i32
    %get3A_59 = arith.index_cast %get3A_58 : i32 to index
    %get3A_60 = arith.constant 0 : index
    %get3A_61 = tpu.vector_load %arg8[%get3A_59, %get3A_60] {strides = array<i32>} : memref<64x16xf32, #tpu.memory_space<vmem>>, vector<1x16xf32>,
    %get3A_62 = vector.shape_cast %get3A_61 : vector<1x16xf32> to vector<16xf32>
    %get3A_63 = arith.constant 11 : i32
    %get3A_64 = arith.index_cast %get3A_63 : i32 to index
    %get3A_65 = arith.constant 0 : index
    %get3A_66 = tpu.vector_load %arg8[%get3A_64, %get3A_65] {strides = array<i32>} : memref<64x16xf32, #tpu.memory_space<vmem>>, vector<1x16xf32>,
    %get3A_67 = vector.shape_cast %get3A_66 : vector<1x16xf32> to vector<16xf32>
    %get3A_68 = arith.constant 12 : i32
    %get3A_69 = arith.index_cast %get3A_68 : i32 to index
    %get3A_70 = arith.constant 0 : index
    %get3A_71 = tpu.vector_load %arg8[%get3A_69, %get3A_70] {strides = array<i32>} : memref<64x16xf32, #tpu.memory_space<vmem>>, vector<1x16xf32>,
    %get3A_72 = vector.shape_cast %get3A_71 : vector<1x16xf32> to vector<16xf32>
    %get3A_73 = arith.constant 13 : i32
    %get3A_74 = arith.index_cast %get3A_73 : i32 to index
    %get3A_75 = arith.constant 0 : index
    %get3A_76 = tpu.vector_load %arg8[%get3A_74, %get3A_75] {strides = array<i32>} : memref<64x16xf32, #tpu.memory_space<vmem>>, vector<1x16xf32>,
    %get3A_77 = vector.shape_cast %get3A_76 : vector<1x16xf32> to vector<16xf32>
    %get3A_78 = arith.constant 14 : i32
    %get3A_79 = arith.index_cast %get3A_78 : i32 to index
    %get3A_80 = arith.constant 0 : index
    %get3A_81 = tpu.vector_load %arg8[%get3A_79, %get3A_80] {strides = array<i32>} : memref<64x16xf32, #tpu.memory_space<vmem>>, vector<1x16xf32>,
    %get3A_82 = vector.shape_cast %get3A_81 : vector<1x16xf32> to vector<16xf32>
    %get3A_83 = arith.constant 15 : i32
    %get3A_84 = arith.index_cast %get3A_83 : i32 to index
    %get3A_85 = arith.constant 0 : index
    %get3A_86 = tpu.vector_load %arg8[%get3A_84, %get3A_85] {strides = array<i32>} : memref<64x16xf32, #tpu.memory_space<vmem>>, vector<1x16xf32>,
    %get3A_87 = vector.shape_cast %get3A_86 : vector<1x16xf32> to vector<16xf32>
    %scan3A = arith.constant 0 : i32
    %scan3A_88 = arith.constant 0 : i32
    %scan3A_89 = arith.constant 128 : i32
    %scan3A_90 = arith.addi %scan3A_88, %scan3A_89 : i32
    %scan3A_91 = arith.constant 1 : i32
    %scan3A_92 = scf.for %scan3A_756 = %scan3A_88 to %scan3A_90 step %scan3A_91 iter_args(%scan3A_757 = %scan3A) -> (i32)  : i32 {
      %mul3A_758 = arith.constant 16 : i32
      %mul3A_759 = arith.muli %scan3A_756, %mul3A_758 : i32
      %get3A_760 = arith.index_cast %mul3A_759 : i32 to index
      %get3A_761 = tpu.vector_load %arg10[%get3A_760] {strides = array<i32>} : memref<2048xf32, #tpu.memory_space<vmem>>, vector<16xf32>,
      %get3A_762 = vector.shape_cast %get3A_761 : vector<16xf32> to vector<16xf32>
      %get3A_763 = arith.constant 0 : i32
      %get3A_764 = arith.index_cast %get3A_763 : i32 to index
      %get3A_765 = arith.index_cast %mul3A_759 : i32 to index
      %get3A_766 = tpu.vector_load %arg9[%get3A_764, %get3A_765] {strides = array<i32>} : memref<16x2048xf32, #tpu.memory_space<vmem>>, vector<1x16xf32>,
      %get3A_767 = vector.shape_cast %get3A_766 : vector<1x16xf32> to vector<16xf32>
      %mul3A_768 = arith.mulf %get3A_12, %get3A_767 : vector<16xf32>
      %add3A_769 = arith.addf %get3A_762, %mul3A_768 : vector<16xf32>
      %get3A_770 = arith.constant 1 : i32
      %get3A_771 = arith.index_cast %get3A_770 : i32 to index
      %get3A_772 = arith.index_cast %mul3A_759 : i32 to index
      %get3A_773 = tpu.vector_load %arg9[%get3A_771, %get3A_772] {strides = array<i32>} : memref<16x2048xf32, #tpu.memory_space<vmem>>, vector<1x16xf32>,
      %get3A_774 = vector.shape_cast %get3A_773 : vector<1x16xf32> to vector<16xf32>
      %mul3A_775 = arith.mulf %get3A_17, %get3A_774 : vector<16xf32>
      %add3A_776 = arith.addf %add3A_769, %mul3A_775 : vector<16xf32>
      %get3A_777 = arith.constant 2 : i32
      %get3A_778 = arith.index_cast %get3A_777 : i32 to index
      %get3A_779 = arith.index_cast %mul3A_759 : i32 to index
      %get3A_780 = tpu.vector_load %arg9[%get3A_778, %get3A_779] {strides = array<i32>} : memref<16x2048xf32, #tpu.memory_space<vmem>>, vector<1x16xf32>,
      %get3A_781 = vector.shape_cast %get3A_780 : vector<1x16xf32> to vector<16xf32>
      %mul3A_782 = arith.mulf %get3A_22, %get3A_781 : vector<16xf32>
      %add3A_783 = arith.addf %add3A_776, %mul3A_782 : vector<16xf32>
      %get3A_784 = arith.constant 3 : i32
      %get3A_785 = arith.index_cast %get3A_784 : i32 to index
      %get3A_786 = arith.index_cast %mul3A_759 : i32 to index
      %get3A_787 = tpu.vector_load %arg9[%get3A_785, %get3A_786] {strides = array<i32>} : memref<16x2048xf32, #tpu.memory_space<vmem>>, vector<1x16xf32>,
      %get3A_788 = vector.shape_cast %get3A_787 : vector<1x16xf32> to vector<16xf32>
      %mul3A_789 = arith.mulf %get3A_27, %get3A_788 : vector<16xf32>
      %add3A_790 = arith.addf %add3A_783, %mul3A_789 : vector<16xf32>
      %get3A_791 = arith.constant 4 : i32
      %get3A_792 = arith.index_cast %get3A_791 : i32 to index
      %get3A_793 = arith.index_cast %mul3A_759 : i32 to index
      %get3A_794 = tpu.vector_load %arg9[%get3A_792, %get3A_793] {strides = array<i32>} : memref<16x2048xf32, #tpu.memory_space<vmem>>, vector<1x16xf32>,
      %get3A_795 = vector.shape_cast %get3A_794 : vector<1x16xf32> to vector<16xf32>
      %mul3A_796 = arith.mulf %get3A_32, %get3A_795 : vector<16xf32>
      %add3A_797 = arith.addf %add3A_790, %mul3A_796 : vector<16xf32>
      %get3A_798 = arith.constant 5 : i32
      %get3A_799 = arith.index_cast %get3A_798 : i32 to index
      %get3A_800 = arith.index_cast %mul3A_759 : i32 to index
      %get3A_801 = tpu.vector_load %arg9[%get3A_799, %get3A_800] {strides = array<i32>} : memref<16x2048xf32, #tpu.memory_space<vmem>>, vector<1x16xf32>,
      %get3A_802 = vector.shape_cast %get3A_801 : vector<1x16xf32> to vector<16xf32>
      %mul3A_803 = arith.mulf %get3A_37, %get3A_802 : vector<16xf32>
      %add3A_804 = arith.addf %add3A_797, %mul3A_803 : vector<16xf32>
      %get3A_805 = arith.constant 6 : i32
      %get3A_806 = arith.index_cast %get3A_805 : i32 to index
      %get3A_807 = arith.index_cast %mul3A_759 : i32 to index
      %get3A_808 = tpu.vector_load %arg9[%get3A_806, %get3A_807] {strides = array<i32>} : memref<16x2048xf32, #tpu.memory_space<vmem>>, vector<1x16xf32>,
      %get3A_809 = vector.shape_cast %get3A_808 : vector<1x16xf32> to vector<16xf32>
      %mul3A_810 = arith.mulf %get3A_42, %get3A_809 : vector<16xf32>
      %add3A_811 = arith.addf %add3A_804, %mul3A_810 : vector<16xf32>
      %get3A_812 = arith.constant 7 : i32
      %get3A_813 = arith.index_cast %get3A_812 : i32 to index
      %get3A_814 = arith.index_cast %mul3A_759 : i32 to index
      %get3A_815 = tpu.vector_load %arg9[%get3A_813, %get3A_814] {strides = array<i32>} : memref<16x2048xf32, #tpu.memory_space<vmem>>, vector<1x16xf32>,
      %get3A_816 = vector.shape_cast %get3A_815 : vector<1x16xf32> to vector<16xf32>
      %mul3A_817 = arith.mulf %get3A_47, %get3A_816 : vector<16xf32>
      %add3A_818 = arith.addf %add3A_811, %mul3A_817 : vector<16xf32>
      %get3A_819 = arith.constant 8 : i32
      %get3A_820 = arith.index_cast %get3A_819 : i32 to index
      %get3A_821 = arith.index_cast %mul3A_759 : i32 to index
      %get3A_822 = tpu.vector_load %arg9[%get3A_820, %get3A_821] {strides = array<i32>} : memref<16x2048xf32, #tpu.memory_space<vmem>>, vector<1x16xf32>,
      %get3A_823 = vector.shape_cast %get3A_822 : vector<1x16xf32> to vector<16xf32>
      %mul3A_824 = arith.mulf %get3A_52, %get3A_823 : vector<16xf32>
      %add3A_825 = arith.addf %add3A_818, %mul3A_824 : vector<16xf32>
      %get3A_826 = arith.constant 9 : i32
      %get3A_827 = arith.index_cast %get3A_826 : i32 to index
      %get3A_828 = arith.index_cast %mul3A_759 : i32 to index
      %get3A_829 = tpu.vector_load %arg9[%get3A_827, %get3A_828] {strides = array<i32>} : memref<16x2048xf32, #tpu.memory_space<vmem>>, vector<1x16xf32>,
      %get3A_830 = vector.shape_cast %get3A_829 : vector<1x16xf32> to vector<16xf32>
      %mul3A_831 = arith.mulf %get3A_57, %get3A_830 : vector<16xf32>
      %add3A_832 = arith.addf %add3A_825, %mul3A_831 : vector<16xf32>
      %get3A_833 = arith.constant 10 : i32
      %get3A_834 = arith.index_cast %get3A_833 : i32 to index
      %get3A_835 = arith.index_cast %mul3A_759 : i32 to index
      %get3A_836 = tpu.vector_load %arg9[%get3A_834, %get3A_835] {strides = array<i32>} : memref<16x2048xf32, #tpu.memory_space<vmem>>, vector<1x16xf32>,
      %get3A_837 = vector.shape_cast %get3A_836 : vector<1x16xf32> to vector<16xf32>
      %mul3A_838 = arith.mulf %get3A_62, %get3A_837 : vector<16xf32>
      %add3A_839 = arith.addf %add3A_832, %mul3A_838 : vector<16xf32>
      %get3A_840 = arith.constant 11 : i32
      %get3A_841 = arith.index_cast %get3A_840 : i32 to index
      %get3A_842 = arith.index_cast %mul3A_759 : i32 to index
      %get3A_843 = tpu.vector_load %arg9[%get3A_841, %get3A_842] {strides = array<i32>} : memref<16x2048xf32, #tpu.memory_space<vmem>>, vector<1x16xf32>,
      %get3A_844 = vector.shape_cast %get3A_843 : vector<1x16xf32> to vector<16xf32>
      %mul3A_845 = arith.mulf %get3A_67, %get3A_844 : vector<16xf32>
      %add3A_846 = arith.addf %add3A_839, %mul3A_845 : vector<16xf32>
      %get3A_847 = arith.constant 12 : i32
      %get3A_848 = arith.index_cast %get3A_847 : i32 to index
      %get3A_849 = arith.index_cast %mul3A_759 : i32 to index
      %get3A_850 = tpu.vector_load %arg9[%get3A_848, %get3A_849] {strides = array<i32>} : memref<16x2048xf32, #tpu.memory_space<vmem>>, vector<1x16xf32>,
      %get3A_851 = vector.shape_cast %get3A_850 : vector<1x16xf32> to vector<16xf32>
      %mul3A_852 = arith.mulf %get3A_72, %get3A_851 : vector<16xf32>
      %add3A_853 = arith.addf %add3A_846, %mul3A_852 : vector<16xf32>
      %get3A_854 = arith.constant 13 : i32
      %get3A_855 = arith.index_cast %get3A_854 : i32 to index
      %get3A_856 = arith.index_cast %mul3A_759 : i32 to index
      %get3A_857 = tpu.vector_load %arg9[%get3A_855, %get3A_856] {strides = array<i32>} : memref<16x2048xf32, #tpu.memory_space<vmem>>, vector<1x16xf32>,
      %get3A_858 = vector.shape_cast %get3A_857 : vector<1x16xf32> to vector<16xf32>
      %mul3A_859 = arith.mulf %get3A_77, %get3A_858 : vector<16xf32>
      %add3A_860 = arith.addf %add3A_853, %mul3A_859 : vector<16xf32>
      %get3A_861 = arith.constant 14 : i32
      %get3A_862 = arith.index_cast %get3A_861 : i32 to index
      %get3A_863 = arith.index_cast %mul3A_759 : i32 to index
      %get3A_864 = tpu.vector_load %arg9[%get3A_862, %get3A_863] {strides = array<i32>} : memref<16x2048xf32, #tpu.memory_space<vmem>>, vector<1x16xf32>,
      %get3A_865 = vector.shape_cast %get3A_864 : vector<1x16xf32> to vector<16xf32>
      %mul3A_866 = arith.mulf %get3A_82, %get3A_865 : vector<16xf32>
      %add3A_867 = arith.addf %add3A_860, %mul3A_866 : vector<16xf32>
      %get3A_868 = arith.constant 15 : i32
      %get3A_869 = arith.index_cast %get3A_868 : i32 to index
      %get3A_870 = arith.index_cast %mul3A_759 : i32 to index
      %get3A_871 = tpu.vector_load %arg9[%get3A_869, %get3A_870] {strides = array<i32>} : memref<16x2048xf32, #tpu.memory_space<vmem>>, vector<1x16xf32>,
      %get3A_872 = vector.shape_cast %get3A_871 : vector<1x16xf32> to vector<16xf32>
      %mul3A_873 = arith.mulf %get3A_87, %get3A_872 : vector<16xf32>
      %add3A_874 = arith.addf %add3A_867, %mul3A_873 : vector<16xf32>
      %swap3A = arith.index_cast %mul3A_759 : i32 to index
      %swap3A_875 = tpu.vector_load %arg10[%swap3A] {strides = array<i32>} : memref<2048xf32, #tpu.memory_space<vmem>>, vector<16xf32>,
      %swap3A_876 = vector.shape_cast %swap3A_875 : vector<16xf32> to vector<16xf32>
      %swap3A_877 = vector.shape_cast %add3A_874 : vector<16xf32> to vector<16xf32>
      tpu.vector_store %arg10[%swap3A], %swap3A_877 {strides = array<i32>} : memref<2048xf32, #tpu.memory_space<vmem>>, vector<16xf32>,
      %scan3A_878 = arith.constant 0 : i32
      scf.yield %scan3A_878 : i32
    }
    %scan3A_93 = arith.constant 128 : i32
    %run_scoped3A_94 = arith.constant 1 : i32
    "tpu.region"() ({
      %run_scoped3A_756 = tpu.sem_alloc : memref<!tpu.dma_semaphore, #tpu.memory_space<semaphore_mem>>
      %dma_start3A_757 = arith.constant 0 : i32
      %dma_start3A_758 = tpu.memref_slice %arg2[%add3A_4, %run_scoped3A_94, %dma_start3A_757] : memref<64x4x16xi32, #tpu.memory_space<hbm>> -> memref<1x1x16xi32, #tpu.memory_space<hbm>>
      %dma_start3A_759 = tpu.memref_squeeze %dma_start3A_758 : memref<1x1x16xi32, #tpu.memory_space<hbm>> -> memref<16xi32, #tpu.memory_space<hbm>>
      %dma_start3A_760 = arith.constant 0 : i32
      %dma_start3A_761 = tpu.memref_slice %arg2[%add3A_4, %run_scoped3A_94, %dma_start3A_760] : memref<64x4x16xi32, #tpu.memory_space<hbm>> -> memref<1x1x16xi32, #tpu.memory_space<hbm>>
      %dma_start3A_762 = tpu.memref_squeeze %dma_start3A_761 : memref<1x1x16xi32, #tpu.memory_space<hbm>> -> memref<16xi32, #tpu.memory_space<hbm>>
      tpu.enqueue_dma source(%dma_start3A_762 : memref<16xi32, #tpu.memory_space<hbm>>) target(%arg7 : memref<16xi32, #tpu.memory_space<vmem>>) target_semaphore(%run_scoped3A_756 : memref<!tpu.dma_semaphore, #tpu.memory_space<semaphore_mem>>)
      %dma_wait3A_763 = arith.constant 0 : i32
      %dma_wait3A_764 = tpu.memref_slice %arg2[%add3A_4, %run_scoped3A_94, %dma_wait3A_763] : memref<64x4x16xi32, #tpu.memory_space<hbm>> -> memref<1x1x16xi32, #tpu.memory_space<hbm>>
      %dma_wait3A_765 = tpu.memref_squeeze %dma_wait3A_764 : memref<1x1x16xi32, #tpu.memory_space<hbm>> -> memref<16xi32, #tpu.memory_space<hbm>>
      %dma_wait3A_766 = arith.constant 0 : i32
      %dma_wait3A_767 = tpu.memref_slice %arg2[%add3A_4, %run_scoped3A_94, %dma_wait3A_766] : memref<64x4x16xi32, #tpu.memory_space<hbm>> -> memref<1x1x16xi32, #tpu.memory_space<hbm>>
      %dma_wait3A_768 = tpu.memref_squeeze %dma_wait3A_767 : memref<1x1x16xi32, #tpu.memory_space<hbm>> -> memref<16xi32, #tpu.memory_space<hbm>>
      tpu.wait_dma2 semaphore(%run_scoped3A_756 : memref<!tpu.dma_semaphore, #tpu.memory_space<semaphore_mem>>) src(%dma_wait3A_768 : memref<16xi32, #tpu.memory_space<hbm>>) dst(%arg7 : memref<16xi32, #tpu.memory_space<vmem>>)
      tpu.yield
    }) : () -> ()
    %dma_start3A_95 = arith.constant 0 : i32
    %dma_start3A_96 = arith.constant 0 : i32
    %dma_start3A_97 = tpu.memref_slice %arg4[%dma_start3A_95, %dma_start3A_96] : memref<65536x2048xf32, #tpu.memory_space<hbm>> -> memref<65536x2048xf32, #tpu.memory_space<hbm>>
    tpu.enqueue_indirect_dma source(%dma_start3A_97 : memref<65536x2048xf32, #tpu.memory_space<hbm>>) target(%arg9 : memref<16x2048xf32, #tpu.memory_space<vmem>>) offsets(%arg7 : memref<16xi32, #tpu.memory_space<vmem>>) semaphore(%arg11 : memref<!tpu.dma_semaphore, #tpu.memory_space<semaphore_mem>>)
    %dma_wait3A_98 = arith.constant 0 : i32
    %dma_wait3A_99 = arith.constant 0 : i32
    %dma_wait3A_100 = tpu.memref_slice %arg4[%dma_wait3A_98, %dma_wait3A_99] : memref<65536x2048xf32, #tpu.memory_space<hbm>> -> memref<65536x2048xf32, #tpu.memory_space<hbm>>
    tpu.wait_indirect_dma semaphore(%arg11 : memref<!tpu.dma_semaphore, #tpu.memory_space<semaphore_mem>>) src(%dma_wait3A_100 : memref<65536x2048xf32, #tpu.memory_space<hbm>>) dst(%arg9 : memref<16x2048xf32, #tpu.memory_space<vmem>>)
    %get3A_101 = arith.constant 16 : i32
    %get3A_102 = arith.index_cast %get3A_101 : i32 to index
    %get3A_103 = arith.constant 0 : index
    %get3A_104 = tpu.vector_load %arg8[%get3A_102, %get3A_103] {strides = array<i32>} : memref<64x16xf32, #tpu.memory_space<vmem>>, vector<1x16xf32>,
    %get3A_105 = vector.shape_cast %get3A_104 : vector<1x16xf32> to vector<16xf32>
    %get3A_106 = arith.constant 17 : i32
    %get3A_107 = arith.index_cast %get3A_106 : i32 to index
    %get3A_108 = arith.constant 0 : index
    %get3A_109 = tpu.vector_load %arg8[%get3A_107, %get3A_108] {strides = array<i32>} : memref<64x16xf32, #tpu.memory_space<vmem>>, vector<1x16xf32>,
    %get3A_110 = vector.shape_cast %get3A_109 : vector<1x16xf32> to vector<16xf32>
    %get3A_111 = arith.constant 18 : i32
    %get3A_112 = arith.index_cast %get3A_111 : i32 to index
    %get3A_113 = arith.constant 0 : index
    %get3A_114 = tpu.vector_load %arg8[%get3A_112, %get3A_113] {strides = array<i32>} : memref<64x16xf32, #tpu.memory_space<vmem>>, vector<1x16xf32>,
    %get3A_115 = vector.shape_cast %get3A_114 : vector<1x16xf32> to vector<16xf32>
    %get3A_116 = arith.constant 19 : i32
    %get3A_117 = arith.index_cast %get3A_116 : i32 to index
    %get3A_118 = arith.constant 0 : index
    %get3A_119 = tpu.vector_load %arg8[%get3A_117, %get3A_118] {strides = array<i32>} : memref<64x16xf32, #tpu.memory_space<vmem>>, vector<1x16xf32>,
    %get3A_120 = vector.shape_cast %get3A_119 : vector<1x16xf32> to vector<16xf32>
    %get3A_121 = arith.constant 20 : i32
    %get3A_122 = arith.index_cast %get3A_121 : i32 to index
    %get3A_123 = arith.constant 0 : index
    %get3A_124 = tpu.vector_load %arg8[%get3A_122, %get3A_123] {strides = array<i32>} : memref<64x16xf32, #tpu.memory_space<vmem>>, vector<1x16xf32>,
    %get3A_125 = vector.shape_cast %get3A_124 : vector<1x16xf32> to vector<16xf32>
    %get3A_126 = arith.constant 21 : i32
    %get3A_127 = arith.index_cast %get3A_126 : i32 to index
    %get3A_128 = arith.constant 0 : index
    %get3A_129 = tpu.vector_load %arg8[%get3A_127, %get3A_128] {strides = array<i32>} : memref<64x16xf32, #tpu.memory_space<vmem>>, vector<1x16xf32>,
    %get3A_130 = vector.shape_cast %get3A_129 : vector<1x16xf32> to vector<16xf32>
    %get3A_131 = arith.constant 22 : i32
    %get3A_132 = arith.index_cast %get3A_131 : i32 to index
    %get3A_133 = arith.constant 0 : index
    %get3A_134 = tpu.vector_load %arg8[%get3A_132, %get3A_133] {strides = array<i32>} : memref<64x16xf32, #tpu.memory_space<vmem>>, vector<1x16xf32>,
    %get3A_135 = vector.shape_cast %get3A_134 : vector<1x16xf32> to vector<16xf32>
    %get3A_136 = arith.constant 23 : i32
    %get3A_137 = arith.index_cast %get3A_136 : i32 to index
    %get3A_138 = arith.constant 0 : index
    %get3A_139 = tpu.vector_load %arg8[%get3A_137, %get3A_138] {strides = array<i32>} : memref<64x16xf32, #tpu.memory_space<vmem>>, vector<1x16xf32>,
    %get3A_140 = vector.shape_cast %get3A_139 : vector<1x16xf32> to vector<16xf32>
    %get3A_141 = arith.constant 24 : i32
    %get3A_142 = arith.index_cast %get3A_141 : i32 to index
    %get3A_143 = arith.constant 0 : index
    %get3A_144 = tpu.vector_load %arg8[%get3A_142, %get3A_143] {strides = array<i32>} : memref<64x16xf32, #tpu.memory_space<vmem>>, vector<1x16xf32>,
    %get3A_145 = vector.shape_cast %get3A_144 : vector<1x16xf32> to vector<16xf32>
    %get3A_146 = arith.constant 25 : i32
    %get3A_147 = arith.index_cast %get3A_146 : i32 to index
    %get3A_148 = arith.constant 0 : index
    %get3A_149 = tpu.vector_load %arg8[%get3A_147, %get3A_148] {strides = array<i32>} : memref<64x16xf32, #tpu.memory_space<vmem>>, vector<1x16xf32>,
    %get3A_150 = vector.shape_cast %get3A_149 : vector<1x16xf32> to vector<16xf32>
    %get3A_151 = arith.constant 26 : i32
    %get3A_152 = arith.index_cast %get3A_151 : i32 to index
    %get3A_153 = arith.constant 0 : index
    %get3A_154 = tpu.vector_load %arg8[%get3A_152, %get3A_153] {strides = array<i32>} : memref<64x16xf32, #tpu.memory_space<vmem>>, vector<1x16xf32>,
    %get3A_155 = vector.shape_cast %get3A_154 : vector<1x16xf32> to vector<16xf32>
    %get3A_156 = arith.constant 27 : i32
    %get3A_157 = arith.index_cast %get3A_156 : i32 to index
    %get3A_158 = arith.constant 0 : index
    %get3A_159 = tpu.vector_load %arg8[%get3A_157, %get3A_158] {strides = array<i32>} : memref<64x16xf32, #tpu.memory_space<vmem>>, vector<1x16xf32>,
    %get3A_160 = vector.shape_cast %get3A_159 : vector<1x16xf32> to vector<16xf32>
    %get3A_161 = arith.constant 28 : i32
    %get3A_162 = arith.index_cast %get3A_161 : i32 to index
    %get3A_163 = arith.constant 0 : index
    %get3A_164 = tpu.vector_load %arg8[%get3A_162, %get3A_163] {strides = array<i32>} : memref<64x16xf32, #tpu.memory_space<vmem>>, vector<1x16xf32>,
    %get3A_165 = vector.shape_cast %get3A_164 : vector<1x16xf32> to vector<16xf32>
    %get3A_166 = arith.constant 29 : i32
    %get3A_167 = arith.index_cast %get3A_166 : i32 to index
    %get3A_168 = arith.constant 0 : index
    %get3A_169 = tpu.vector_load %arg8[%get3A_167, %get3A_168] {strides = array<i32>} : memref<64x16xf32, #tpu.memory_space<vmem>>, vector<1x16xf32>,
    %get3A_170 = vector.shape_cast %get3A_169 : vector<1x16xf32> to vector<16xf32>
    %get3A_171 = arith.constant 30 : i32
    %get3A_172 = arith.index_cast %get3A_171 : i32 to index
    %get3A_173 = arith.constant 0 : index
    %get3A_174 = tpu.vector_load %arg8[%get3A_172, %get3A_173] {strides = array<i32>} : memref<64x16xf32, #tpu.memory_space<vmem>>, vector<1x16xf32>,
    %get3A_175 = vector.shape_cast %get3A_174 : vector<1x16xf32> to vector<16xf32>
    %get3A_176 = arith.constant 31 : i32
    %get3A_177 = arith.index_cast %get3A_176 : i32 to index
    %get3A_178 = arith.constant 0 : index
    %get3A_179 = tpu.vector_load %arg8[%get3A_177, %get3A_178] {strides = array<i32>} : memref<64x16xf32, #tpu.memory_space<vmem>>, vector<1x16xf32>,
    %get3A_180 = vector.shape_cast %get3A_179 : vector<1x16xf32> to vector<16xf32>
    %scan3A_181 = arith.constant 0 : i32
    %scan3A_182 = arith.constant 0 : i32
    %scan3A_183 = arith.constant 128 : i32
    %scan3A_184 = arith.addi %scan3A_182, %scan3A_183 : i32
    %scan3A_185 = arith.constant 1 : i32
    %scan3A_186 = scf.for %scan3A_756 = %scan3A_182 to %scan3A_184 step %scan3A_185 iter_args(%scan3A_757 = %scan3A_181) -> (i32)  : i32 {
      %mul3A_758 = arith.constant 16 : i32
      %mul3A_759 = arith.muli %scan3A_756, %mul3A_758 : i32
      %get3A_760 = arith.index_cast %mul3A_759 : i32 to index
      %get3A_761 = tpu.vector_load %arg10[%get3A_760] {strides = array<i32>} : memref<2048xf32, #tpu.memory_space<vmem>>, vector<16xf32>,
      %get3A_762 = vector.shape_cast %get3A_761 : vector<16xf32> to vector<16xf32>
      %get3A_763 = arith.constant 0 : i32
      %get3A_764 = arith.index_cast %get3A_763 : i32 to index
      %get3A_765 = arith.index_cast %mul3A_759 : i32 to index
      %get3A_766 = tpu.vector_load %arg9[%get3A_764, %get3A_765] {strides = array<i32>} : memref<16x2048xf32, #tpu.memory_space<vmem>>, vector<1x16xf32>,
      %get3A_767 = vector.shape_cast %get3A_766 : vector<1x16xf32> to vector<16xf32>
      %mul3A_768 = arith.mulf %get3A_105, %get3A_767 : vector<16xf32>
      %add3A_769 = arith.addf %get3A_762, %mul3A_768 : vector<16xf32>
      %get3A_770 = arith.constant 1 : i32
      %get3A_771 = arith.index_cast %get3A_770 : i32 to index
      %get3A_772 = arith.index_cast %mul3A_759 : i32 to index
      %get3A_773 = tpu.vector_load %arg9[%get3A_771, %get3A_772] {strides = array<i32>} : memref<16x2048xf32, #tpu.memory_space<vmem>>, vector<1x16xf32>,
      %get3A_774 = vector.shape_cast %get3A_773 : vector<1x16xf32> to vector<16xf32>
      %mul3A_775 = arith.mulf %get3A_110, %get3A_774 : vector<16xf32>
      %add3A_776 = arith.addf %add3A_769, %mul3A_775 : vector<16xf32>
      %get3A_777 = arith.constant 2 : i32
      %get3A_778 = arith.index_cast %get3A_777 : i32 to index
      %get3A_779 = arith.index_cast %mul3A_759 : i32 to index
      %get3A_780 = tpu.vector_load %arg9[%get3A_778, %get3A_779] {strides = array<i32>} : memref<16x2048xf32, #tpu.memory_space<vmem>>, vector<1x16xf32>,
      %get3A_781 = vector.shape_cast %get3A_780 : vector<1x16xf32> to vector<16xf32>
      %mul3A_782 = arith.mulf %get3A_115, %get3A_781 : vector<16xf32>
      %add3A_783 = arith.addf %add3A_776, %mul3A_782 : vector<16xf32>
      %get3A_784 = arith.constant 3 : i32
      %get3A_785 = arith.index_cast %get3A_784 : i32 to index
      %get3A_786 = arith.index_cast %mul3A_759 : i32 to index
      %get3A_787 = tpu.vector_load %arg9[%get3A_785, %get3A_786] {strides = array<i32>} : memref<16x2048xf32, #tpu.memory_space<vmem>>, vector<1x16xf32>,
      %get3A_788 = vector.shape_cast %get3A_787 : vector<1x16xf32> to vector<16xf32>
      %mul3A_789 = arith.mulf %get3A_120, %get3A_788 : vector<16xf32>
      %add3A_790 = arith.addf %add3A_783, %mul3A_789 : vector<16xf32>
      %get3A_791 = arith.constant 4 : i32
      %get3A_792 = arith.index_cast %get3A_791 : i32 to index
      %get3A_793 = arith.index_cast %mul3A_759 : i32 to index
      %get3A_794 = tpu.vector_load %arg9[%get3A_792, %get3A_793] {strides = array<i32>} : memref<16x2048xf32, #tpu.memory_space<vmem>>, vector<1x16xf32>,
      %get3A_795 = vector.shape_cast %get3A_794 : vector<1x16xf32> to vector<16xf32>
      %mul3A_796 = arith.mulf %get3A_125, %get3A_795 : vector<16xf32>
      %add3A_797 = arith.addf %add3A_790, %mul3A_796 : vector<16xf32>
      %get3A_798 = arith.constant 5 : i32
      %get3A_799 = arith.index_cast %get3A_798 : i32 to index
      %get3A_800 = arith.index_cast %mul3A_759 : i32 to index
      %get3A_801 = tpu.vector_load %arg9[%get3A_799, %get3A_800] {strides = array<i32>} : memref<16x2048xf32, #tpu.memory_space<vmem>>, vector<1x16xf32>,
      %get3A_802 = vector.shape_cast %get3A_801 : vector<1x16xf32> to vector<16xf32>
      %mul3A_803 = arith.mulf %get3A_130, %get3A_802 : vector<16xf32>
      %add3A_804 = arith.addf %add3A_797, %mul3A_803 : vector<16xf32>
      %get3A_805 = arith.constant 6 : i32
      %get3A_806 = arith.index_cast %get3A_805 : i32 to index
      %get3A_807 = arith.index_cast %mul3A_759 : i32 to index
      %get3A_808 = tpu.vector_load %arg9[%get3A_806, %get3A_807] {strides = array<i32>} : memref<16x2048xf32, #tpu.memory_space<vmem>>, vector<1x16xf32>,
      %get3A_809 = vector.shape_cast %get3A_808 : vector<1x16xf32> to vector<16xf32>
      %mul3A_810 = arith.mulf %get3A_135, %get3A_809 : vector<16xf32>
      %add3A_811 = arith.addf %add3A_804, %mul3A_810 : vector<16xf32>
      %get3A_812 = arith.constant 7 : i32
      %get3A_813 = arith.index_cast %get3A_812 : i32 to index
      %get3A_814 = arith.index_cast %mul3A_759 : i32 to index
      %get3A_815 = tpu.vector_load %arg9[%get3A_813, %get3A_814] {strides = array<i32>} : memref<16x2048xf32, #tpu.memory_space<vmem>>, vector<1x16xf32>,
      %get3A_816 = vector.shape_cast %get3A_815 : vector<1x16xf32> to vector<16xf32>
      %mul3A_817 = arith.mulf %get3A_140, %get3A_816 : vector<16xf32>
      %add3A_818 = arith.addf %add3A_811, %mul3A_817 : vector<16xf32>
      %get3A_819 = arith.constant 8 : i32
      %get3A_820 = arith.index_cast %get3A_819 : i32 to index
      %get3A_821 = arith.index_cast %mul3A_759 : i32 to index
      %get3A_822 = tpu.vector_load %arg9[%get3A_820, %get3A_821] {strides = array<i32>} : memref<16x2048xf32, #tpu.memory_space<vmem>>, vector<1x16xf32>,
      %get3A_823 = vector.shape_cast %get3A_822 : vector<1x16xf32> to vector<16xf32>
      %mul3A_824 = arith.mulf %get3A_145, %get3A_823 : vector<16xf32>
      %add3A_825 = arith.addf %add3A_818, %mul3A_824 : vector<16xf32>
      %get3A_826 = arith.constant 9 : i32
      %get3A_827 = arith.index_cast %get3A_826 : i32 to index
      %get3A_828 = arith.index_cast %mul3A_759 : i32 to index
      %get3A_829 = tpu.vector_load %arg9[%get3A_827, %get3A_828] {strides = array<i32>} : memref<16x2048xf32, #tpu.memory_space<vmem>>, vector<1x16xf32>,
      %get3A_830 = vector.shape_cast %get3A_829 : vector<1x16xf32> to vector<16xf32>
      %mul3A_831 = arith.mulf %get3A_150, %get3A_830 : vector<16xf32>
      %add3A_832 = arith.addf %add3A_825, %mul3A_831 : vector<16xf32>
      %get3A_833 = arith.constant 10 : i32
      %get3A_834 = arith.index_cast %get3A_833 : i32 to index
      %get3A_835 = arith.index_cast %mul3A_759 : i32 to index
      %get3A_836 = tpu.vector_load %arg9[%get3A_834, %get3A_835] {strides = array<i32>} : memref<16x2048xf32, #tpu.memory_space<vmem>>, vector<1x16xf32>,
      %get3A_837 = vector.shape_cast %get3A_836 : vector<1x16xf32> to vector<16xf32>
      %mul3A_838 = arith.mulf %get3A_155, %get3A_837 : vector<16xf32>
      %add3A_839 = arith.addf %add3A_832, %mul3A_838 : vector<16xf32>
      %get3A_840 = arith.constant 11 : i32
      %get3A_841 = arith.index_cast %get3A_840 : i32 to index
      %get3A_842 = arith.index_cast %mul3A_759 : i32 to index
      %get3A_843 = tpu.vector_load %arg9[%get3A_841, %get3A_842] {strides = array<i32>} : memref<16x2048xf32, #tpu.memory_space<vmem>>, vector<1x16xf32>,
      %get3A_844 = vector.shape_cast %get3A_843 : vector<1x16xf32> to vector<16xf32>
      %mul3A_845 = arith.mulf %get3A_160, %get3A_844 : vector<16xf32>
      %add3A_846 = arith.addf %add3A_839, %mul3A_845 : vector<16xf32>
      %get3A_847 = arith.constant 12 : i32
      %get3A_848 = arith.index_cast %get3A_847 : i32 to index
      %get3A_849 = arith.index_cast %mul3A_759 : i32 to index
      %get3A_850 = tpu.vector_load %arg9[%get3A_848, %get3A_849] {strides = array<i32>} : memref<16x2048xf32, #tpu.memory_space<vmem>>, vector<1x16xf32>,
      %get3A_851 = vector.shape_cast %get3A_850 : vector<1x16xf32> to vector<16xf32>
      %mul3A_852 = arith.mulf %get3A_165, %get3A_851 : vector<16xf32>
      %add3A_853 = arith.addf %add3A_846, %mul3A_852 : vector<16xf32>
      %get3A_854 = arith.constant 13 : i32
      %get3A_855 = arith.index_cast %get3A_854 : i32 to index
      %get3A_856 = arith.index_cast %mul3A_759 : i32 to index
      %get3A_857 = tpu.vector_load %arg9[%get3A_855, %get3A_856] {strides = array<i32>} : memref<16x2048xf32, #tpu.memory_space<vmem>>, vector<1x16xf32>,
      %get3A_858 = vector.shape_cast %get3A_857 : vector<1x16xf32> to vector<16xf32>
      %mul3A_859 = arith.mulf %get3A_170, %get3A_858 : vector<16xf32>
      %add3A_860 = arith.addf %add3A_853, %mul3A_859 : vector<16xf32>
      %get3A_861 = arith.constant 14 : i32
      %get3A_862 = arith.index_cast %get3A_861 : i32 to index
      %get3A_863 = arith.index_cast %mul3A_759 : i32 to index
      %get3A_864 = tpu.vector_load %arg9[%get3A_862, %get3A_863] {strides = array<i32>} : memref<16x2048xf32, #tpu.memory_space<vmem>>, vector<1x16xf32>,
      %get3A_865 = vector.shape_cast %get3A_864 : vector<1x16xf32> to vector<16xf32>
      %mul3A_866 = arith.mulf %get3A_175, %get3A_865 : vector<16xf32>
      %add3A_867 = arith.addf %add3A_860, %mul3A_866 : vector<16xf32>
      %get3A_868 = arith.constant 15 : i32
      %get3A_869 = arith.index_cast %get3A_868 : i32 to index
      %get3A_870 = arith.index_cast %mul3A_759 : i32 to index
      %get3A_871 = tpu.vector_load %arg9[%get3A_869, %get3A_870] {strides = array<i32>} : memref<16x2048xf32, #tpu.memory_space<vmem>>, vector<1x16xf32>,
      %get3A_872 = vector.shape_cast %get3A_871 : vector<1x16xf32> to vector<16xf32>
      %mul3A_873 = arith.mulf %get3A_180, %get3A_872 : vector<16xf32>
      %add3A_874 = arith.addf %add3A_867, %mul3A_873 : vector<16xf32>
      %swap3A = arith.index_cast %mul3A_759 : i32 to index
      %swap3A_875 = tpu.vector_load %arg10[%swap3A] {strides = array<i32>} : memref<2048xf32, #tpu.memory_space<vmem>>, vector<16xf32>,
      %swap3A_876 = vector.shape_cast %swap3A_875 : vector<16xf32> to vector<16xf32>
      %swap3A_877 = vector.shape_cast %add3A_874 : vector<16xf32> to vector<16xf32>
      tpu.vector_store %arg10[%swap3A], %swap3A_877 {strides = array<i32>} : memref<2048xf32, #tpu.memory_space<vmem>>, vector<16xf32>,
      %scan3A_878 = arith.constant 0 : i32
      scf.yield %scan3A_878 : i32
    }
    %scan3A_187 = arith.constant 128 : i32
    %run_scoped3A_188 = arith.constant 2 : i32
    "tpu.region"() ({
      %run_scoped3A_756 = tpu.sem_alloc : memref<!tpu.dma_semaphore, #tpu.memory_space<semaphore_mem>>
      %dma_start3A_757 = arith.constant 0 : i32
      %dma_start3A_758 = tpu.memref_slice %arg2[%add3A_4, %run_scoped3A_188, %dma_start3A_757] : memref<64x4x16xi32, #tpu.memory_space<hbm>> -> memref<1x1x16xi32, #tpu.memory_space<hbm>>
      %dma_start3A_759 = tpu.memref_squeeze %dma_start3A_758 : memref<1x1x16xi32, #tpu.memory_space<hbm>> -> memref<16xi32, #tpu.memory_space<hbm>>
      %dma_start3A_760 = arith.constant 0 : i32
      %dma_start3A_761 = tpu.memref_slice %arg2[%add3A_4, %run_scoped3A_188, %dma_start3A_760] : memref<64x4x16xi32, #tpu.memory_space<hbm>> -> memref<1x1x16xi32, #tpu.memory_space<hbm>>
      %dma_start3A_762 = tpu.memref_squeeze %dma_start3A_761 : memref<1x1x16xi32, #tpu.memory_space<hbm>> -> memref<16xi32, #tpu.memory_space<hbm>>
      tpu.enqueue_dma source(%dma_start3A_762 : memref<16xi32, #tpu.memory_space<hbm>>) target(%arg7 : memref<16xi32, #tpu.memory_space<vmem>>) target_semaphore(%run_scoped3A_756 : memref<!tpu.dma_semaphore, #tpu.memory_space<semaphore_mem>>)
      %dma_wait3A_763 = arith.constant 0 : i32
      %dma_wait3A_764 = tpu.memref_slice %arg2[%add3A_4, %run_scoped3A_188, %dma_wait3A_763] : memref<64x4x16xi32, #tpu.memory_space<hbm>> -> memref<1x1x16xi32, #tpu.memory_space<hbm>>
      %dma_wait3A_765 = tpu.memref_squeeze %dma_wait3A_764 : memref<1x1x16xi32, #tpu.memory_space<hbm>> -> memref<16xi32, #tpu.memory_space<hbm>>
      %dma_wait3A_766 = arith.constant 0 : i32
      %dma_wait3A_767 = tpu.memref_slice %arg2[%add3A_4, %run_scoped3A_188, %dma_wait3A_766] : memref<64x4x16xi32, #tpu.memory_space<hbm>> -> memref<1x1x16xi32, #tpu.memory_space<hbm>>
      %dma_wait3A_768 = tpu.memref_squeeze %dma_wait3A_767 : memref<1x1x16xi32, #tpu.memory_space<hbm>> -> memref<16xi32, #tpu.memory_space<hbm>>
      tpu.wait_dma2 semaphore(%run_scoped3A_756 : memref<!tpu.dma_semaphore, #tpu.memory_space<semaphore_mem>>) src(%dma_wait3A_768 : memref<16xi32, #tpu.memory_space<hbm>>) dst(%arg7 : memref<16xi32, #tpu.memory_space<vmem>>)
      tpu.yield
    }) : () -> ()
    %dma_start3A_189 = arith.constant 0 : i32
    %dma_start3A_190 = arith.constant 0 : i32
    %dma_start3A_191 = tpu.memref_slice %arg4[%dma_start3A_189, %dma_start3A_190] : memref<65536x2048xf32, #tpu.memory_space<hbm>> -> memref<65536x2048xf32, #tpu.memory_space<hbm>>
    tpu.enqueue_indirect_dma source(%dma_start3A_191 : memref<65536x2048xf32, #tpu.memory_space<hbm>>) target(%arg9 : memref<16x2048xf32, #tpu.memory_space<vmem>>) offsets(%arg7 : memref<16xi32, #tpu.memory_space<vmem>>) semaphore(%arg11 : memref<!tpu.dma_semaphore, #tpu.memory_space<semaphore_mem>>)
    %dma_wait3A_192 = arith.constant 0 : i32
    %dma_wait3A_193 = arith.constant 0 : i32
    %dma_wait3A_194 = tpu.memref_slice %arg4[%dma_wait3A_192, %dma_wait3A_193] : memref<65536x2048xf32, #tpu.memory_space<hbm>> -> memref<65536x2048xf32, #tpu.memory_space<hbm>>
    tpu.wait_indirect_dma semaphore(%arg11 : memref<!tpu.dma_semaphore, #tpu.memory_space<semaphore_mem>>) src(%dma_wait3A_194 : memref<65536x2048xf32, #tpu.memory_space<hbm>>) dst(%arg9 : memref<16x2048xf32, #tpu.memory_space<vmem>>)
    %get3A_195 = arith.constant 32 : i32
    %get3A_196 = arith.index_cast %get3A_195 : i32 to index
    %get3A_197 = arith.constant 0 : index
    %get3A_198 = tpu.vector_load %arg8[%get3A_196, %get3A_197] {strides = array<i32>} : memref<64x16xf32, #tpu.memory_space<vmem>>, vector<1x16xf32>,
    %get3A_199 = vector.shape_cast %get3A_198 : vector<1x16xf32> to vector<16xf32>
    %get3A_200 = arith.constant 33 : i32
    %get3A_201 = arith.index_cast %get3A_200 : i32 to index
    %get3A_202 = arith.constant 0 : index
    %get3A_203 = tpu.vector_load %arg8[%get3A_201, %get3A_202] {strides = array<i32>} : memref<64x16xf32, #tpu.memory_space<vmem>>, vector<1x16xf32>,
    %get3A_204 = vector.shape_cast %get3A_203 : vector<1x16xf32> to vector<16xf32>
    %get3A_205 = arith.constant 34 : i32
    %get3A_206 = arith.index_cast %get3A_205 : i32 to index
    %get3A_207 = arith.constant 0 : index
    %get3A_208 = tpu.vector_load %arg8[%get3A_206, %get3A_207] {strides = array<i32>} : memref<64x16xf32, #tpu.memory_space<vmem>>, vector<1x16xf32>,
    %get3A_209 = vector.shape_cast %get3A_208 : vector<1x16xf32> to vector<16xf32>
    %get3A_210 = arith.constant 35 : i32
    %get3A_211 = arith.index_cast %get3A_210 : i32 to index
    %get3A_212 = arith.constant 0 : index
    %get3A_213 = tpu.vector_load %arg8[%get3A_211, %get3A_212] {strides = array<i32>} : memref<64x16xf32, #tpu.memory_space<vmem>>, vector<1x16xf32>,
    %get3A_214 = vector.shape_cast %get3A_213 : vector<1x16xf32> to vector<16xf32>
    %get3A_215 = arith.constant 36 : i32
    %get3A_216 = arith.index_cast %get3A_215 : i32 to index
    %get3A_217 = arith.constant 0 : index
    %get3A_218 = tpu.vector_load %arg8[%get3A_216, %get3A_217] {strides = array<i32>} : memref<64x16xf32, #tpu.memory_space<vmem>>, vector<1x16xf32>,
    %get3A_219 = vector.shape_cast %get3A_218 : vector<1x16xf32> to vector<16xf32>
    %get3A_220 = arith.constant 37 : i32
    %get3A_221 = arith.index_cast %get3A_220 : i32 to index
    %get3A_222 = arith.constant 0 : index
    %get3A_223 = tpu.vector_load %arg8[%get3A_221, %get3A_222] {strides = array<i32>} : memref<64x16xf32, #tpu.memory_space<vmem>>, vector<1x16xf32>,
    %get3A_224 = vector.shape_cast %get3A_223 : vector<1x16xf32> to vector<16xf32>
    %get3A_225 = arith.constant 38 : i32
    %get3A_226 = arith.index_cast %get3A_225 : i32 to index
    %get3A_227 = arith.constant 0 : index
    %get3A_228 = tpu.vector_load %arg8[%get3A_226, %get3A_227] {strides = array<i32>} : memref<64x16xf32, #tpu.memory_space<vmem>>, vector<1x16xf32>,
    %get3A_229 = vector.shape_cast %get3A_228 : vector<1x16xf32> to vector<16xf32>
    %get3A_230 = arith.constant 39 : i32
    %get3A_231 = arith.index_cast %get3A_230 : i32 to index
    %get3A_232 = arith.constant 0 : index
    %get3A_233 = tpu.vector_load %arg8[%get3A_231, %get3A_232] {strides = array<i32>} : memref<64x16xf32, #tpu.memory_space<vmem>>, vector<1x16xf32>,
    %get3A_234 = vector.shape_cast %get3A_233 : vector<1x16xf32> to vector<16xf32>
    %get3A_235 = arith.constant 40 : i32
    %get3A_236 = arith.index_cast %get3A_235 : i32 to index
    %get3A_237 = arith.constant 0 : index
    %get3A_238 = tpu.vector_load %arg8[%get3A_236, %get3A_237] {strides = array<i32>} : memref<64x16xf32, #tpu.memory_space<vmem>>, vector<1x16xf32>,
    %get3A_239 = vector.shape_cast %get3A_238 : vector<1x16xf32> to vector<16xf32>
    %get3A_240 = arith.constant 41 : i32
    %get3A_241 = arith.index_cast %get3A_240 : i32 to index
    %get3A_242 = arith.constant 0 : index
    %get3A_243 = tpu.vector_load %arg8[%get3A_241, %get3A_242] {strides = array<i32>} : memref<64x16xf32, #tpu.memory_space<vmem>>, vector<1x16xf32>,
    %get3A_244 = vector.shape_cast %get3A_243 : vector<1x16xf32> to vector<16xf32>
    %get3A_245 = arith.constant 42 : i32
    %get3A_246 = arith.index_cast %get3A_245 : i32 to index
    %get3A_247 = arith.constant 0 : index
    %get3A_248 = tpu.vector_load %arg8[%get3A_246, %get3A_247] {strides = array<i32>} : memref<64x16xf32, #tpu.memory_space<vmem>>, vector<1x16xf32>,
    %get3A_249 = vector.shape_cast %get3A_248 : vector<1x16xf32> to vector<16xf32>
    %get3A_250 = arith.constant 43 : i32
    %get3A_251 = arith.index_cast %get3A_250 : i32 to index
    %get3A_252 = arith.constant 0 : index
    %get3A_253 = tpu.vector_load %arg8[%get3A_251, %get3A_252] {strides = array<i32>} : memref<64x16xf32, #tpu.memory_space<vmem>>, vector<1x16xf32>,
    %get3A_254 = vector.shape_cast %get3A_253 : vector<1x16xf32> to vector<16xf32>
    %get3A_255 = arith.constant 44 : i32
    %get3A_256 = arith.index_cast %get3A_255 : i32 to index
    %get3A_257 = arith.constant 0 : index
    %get3A_258 = tpu.vector_load %arg8[%get3A_256, %get3A_257] {strides = array<i32>} : memref<64x16xf32, #tpu.memory_space<vmem>>, vector<1x16xf32>,
    %get3A_259 = vector.shape_cast %get3A_258 : vector<1x16xf32> to vector<16xf32>
    %get3A_260 = arith.constant 45 : i32
    %get3A_261 = arith.index_cast %get3A_260 : i32 to index
    %get3A_262 = arith.constant 0 : index
    %get3A_263 = tpu.vector_load %arg8[%get3A_261, %get3A_262] {strides = array<i32>} : memref<64x16xf32, #tpu.memory_space<vmem>>, vector<1x16xf32>,
    %get3A_264 = vector.shape_cast %get3A_263 : vector<1x16xf32> to vector<16xf32>
    %get3A_265 = arith.constant 46 : i32
    %get3A_266 = arith.index_cast %get3A_265 : i32 to index
    %get3A_267 = arith.constant 0 : index
    %get3A_268 = tpu.vector_load %arg8[%get3A_266, %get3A_267] {strides = array<i32>} : memref<64x16xf32, #tpu.memory_space<vmem>>, vector<1x16xf32>,
    %get3A_269 = vector.shape_cast %get3A_268 : vector<1x16xf32> to vector<16xf32>
    %get3A_270 = arith.constant 47 : i32
    %get3A_271 = arith.index_cast %get3A_270 : i32 to index
    %get3A_272 = arith.constant 0 : index
    %get3A_273 = tpu.vector_load %arg8[%get3A_271, %get3A_272] {strides = array<i32>} : memref<64x16xf32, #tpu.memory_space<vmem>>, vector<1x16xf32>,
    %get3A_274 = vector.shape_cast %get3A_273 : vector<1x16xf32> to vector<16xf32>
    %scan3A_275 = arith.constant 0 : i32
    %scan3A_276 = arith.constant 0 : i32
    %scan3A_277 = arith.constant 128 : i32
    %scan3A_278 = arith.addi %scan3A_276, %scan3A_277 : i32
    %scan3A_279 = arith.constant 1 : i32
    %scan3A_280 = scf.for %scan3A_756 = %scan3A_276 to %scan3A_278 step %scan3A_279 iter_args(%scan3A_757 = %scan3A_275) -> (i32)  : i32 {
      %mul3A_758 = arith.constant 16 : i32
      %mul3A_759 = arith.muli %scan3A_756, %mul3A_758 : i32
      %get3A_760 = arith.index_cast %mul3A_759 : i32 to index
      %get3A_761 = tpu.vector_load %arg10[%get3A_760] {strides = array<i32>} : memref<2048xf32, #tpu.memory_space<vmem>>, vector<16xf32>,
      %get3A_762 = vector.shape_cast %get3A_761 : vector<16xf32> to vector<16xf32>
      %get3A_763 = arith.constant 0 : i32
      %get3A_764 = arith.index_cast %get3A_763 : i32 to index
      %get3A_765 = arith.index_cast %mul3A_759 : i32 to index
      %get3A_766 = tpu.vector_load %arg9[%get3A_764, %get3A_765] {strides = array<i32>} : memref<16x2048xf32, #tpu.memory_space<vmem>>, vector<1x16xf32>,
      %get3A_767 = vector.shape_cast %get3A_766 : vector<1x16xf32> to vector<16xf32>
      %mul3A_768 = arith.mulf %get3A_199, %get3A_767 : vector<16xf32>
      %add3A_769 = arith.addf %get3A_762, %mul3A_768 : vector<16xf32>
      %get3A_770 = arith.constant 1 : i32
      %get3A_771 = arith.index_cast %get3A_770 : i32 to index
      %get3A_772 = arith.index_cast %mul3A_759 : i32 to index
      %get3A_773 = tpu.vector_load %arg9[%get3A_771, %get3A_772] {strides = array<i32>} : memref<16x2048xf32, #tpu.memory_space<vmem>>, vector<1x16xf32>,
      %get3A_774 = vector.shape_cast %get3A_773 : vector<1x16xf32> to vector<16xf32>
      %mul3A_775 = arith.mulf %get3A_204, %get3A_774 : vector<16xf32>
      %add3A_776 = arith.addf %add3A_769, %mul3A_775 : vector<16xf32>
      %get3A_777 = arith.constant 2 : i32
      %get3A_778 = arith.index_cast %get3A_777 : i32 to index
      %get3A_779 = arith.index_cast %mul3A_759 : i32 to index
      %get3A_780 = tpu.vector_load %arg9[%get3A_778, %get3A_779] {strides = array<i32>} : memref<16x2048xf32, #tpu.memory_space<vmem>>, vector<1x16xf32>,
      %get3A_781 = vector.shape_cast %get3A_780 : vector<1x16xf32> to vector<16xf32>
      %mul3A_782 = arith.mulf %get3A_209, %get3A_781 : vector<16xf32>
      %add3A_783 = arith.addf %add3A_776, %mul3A_782 : vector<16xf32>
      %get3A_784 = arith.constant 3 : i32
      %get3A_785 = arith.index_cast %get3A_784 : i32 to index
      %get3A_786 = arith.index_cast %mul3A_759 : i32 to index
      %get3A_787 = tpu.vector_load %arg9[%get3A_785, %get3A_786] {strides = array<i32>} : memref<16x2048xf32, #tpu.memory_space<vmem>>, vector<1x16xf32>,
      %get3A_788 = vector.shape_cast %get3A_787 : vector<1x16xf32> to vector<16xf32>
      %mul3A_789 = arith.mulf %get3A_214, %get3A_788 : vector<16xf32>
      %add3A_790 = arith.addf %add3A_783, %mul3A_789 : vector<16xf32>
      %get3A_791 = arith.constant 4 : i32
      %get3A_792 = arith.index_cast %get3A_791 : i32 to index
      %get3A_793 = arith.index_cast %mul3A_759 : i32 to index
      %get3A_794 = tpu.vector_load %arg9[%get3A_792, %get3A_793] {strides = array<i32>} : memref<16x2048xf32, #tpu.memory_space<vmem>>, vector<1x16xf32>,
      %get3A_795 = vector.shape_cast %get3A_794 : vector<1x16xf32> to vector<16xf32>
      %mul3A_796 = arith.mulf %get3A_219, %get3A_795 : vector<16xf32>
      %add3A_797 = arith.addf %add3A_790, %mul3A_796 : vector<16xf32>
      %get3A_798 = arith.constant 5 : i32
      %get3A_799 = arith.index_cast %get3A_798 : i32 to index
      %get3A_800 = arith.index_cast %mul3A_759 : i32 to index
      %get3A_801 = tpu.vector_load %arg9[%get3A_799, %get3A_800] {strides = array<i32>} : memref<16x2048xf32, #tpu.memory_space<vmem>>, vector<1x16xf32>,
      %get3A_802 = vector.shape_cast %get3A_801 : vector<1x16xf32> to vector<16xf32>
      %mul3A_803 = arith.mulf %get3A_224, %get3A_802 : vector<16xf32>
      %add3A_804 = arith.addf %add3A_797, %mul3A_803 : vector<16xf32>
      %get3A_805 = arith.constant 6 : i32
      %get3A_806 = arith.index_cast %get3A_805 : i32 to index
      %get3A_807 = arith.index_cast %mul3A_759 : i32 to index
      %get3A_808 = tpu.vector_load %arg9[%get3A_806, %get3A_807] {strides = array<i32>} : memref<16x2048xf32, #tpu.memory_space<vmem>>, vector<1x16xf32>,
      %get3A_809 = vector.shape_cast %get3A_808 : vector<1x16xf32> to vector<16xf32>
      %mul3A_810 = arith.mulf %get3A_229, %get3A_809 : vector<16xf32>
      %add3A_811 = arith.addf %add3A_804, %mul3A_810 : vector<16xf32>
      %get3A_812 = arith.constant 7 : i32
      %get3A_813 = arith.index_cast %get3A_812 : i32 to index
      %get3A_814 = arith.index_cast %mul3A_759 : i32 to index
      %get3A_815 = tpu.vector_load %arg9[%get3A_813, %get3A_814] {strides = array<i32>} : memref<16x2048xf32, #tpu.memory_space<vmem>>, vector<1x16xf32>,
      %get3A_816 = vector.shape_cast %get3A_815 : vector<1x16xf32> to vector<16xf32>
      %mul3A_817 = arith.mulf %get3A_234, %get3A_816 : vector<16xf32>
      %add3A_818 = arith.addf %add3A_811, %mul3A_817 : vector<16xf32>
      %get3A_819 = arith.constant 8 : i32
      %get3A_820 = arith.index_cast %get3A_819 : i32 to index
      %get3A_821 = arith.index_cast %mul3A_759 : i32 to index
      %get3A_822 = tpu.vector_load %arg9[%get3A_820, %get3A_821] {strides = array<i32>} : memref<16x2048xf32, #tpu.memory_space<vmem>>, vector<1x16xf32>,
      %get3A_823 = vector.shape_cast %get3A_822 : vector<1x16xf32> to vector<16xf32>
      %mul3A_824 = arith.mulf %get3A_239, %get3A_823 : vector<16xf32>
      %add3A_825 = arith.addf %add3A_818, %mul3A_824 : vector<16xf32>
      %get3A_826 = arith.constant 9 : i32
      %get3A_827 = arith.index_cast %get3A_826 : i32 to index
      %get3A_828 = arith.index_cast %mul3A_759 : i32 to index
      %get3A_829 = tpu.vector_load %arg9[%get3A_827, %get3A_828] {strides = array<i32>} : memref<16x2048xf32, #tpu.memory_space<vmem>>, vector<1x16xf32>,
      %get3A_830 = vector.shape_cast %get3A_829 : vector<1x16xf32> to vector<16xf32>
      %mul3A_831 = arith.mulf %get3A_244, %get3A_830 : vector<16xf32>
      %add3A_832 = arith.addf %add3A_825, %mul3A_831 : vector<16xf32>
      %get3A_833 = arith.constant 10 : i32
      %get3A_834 = arith.index_cast %get3A_833 : i32 to index
      %get3A_835 = arith.index_cast %mul3A_759 : i32 to index
      %get3A_836 = tpu.vector_load %arg9[%get3A_834, %get3A_835] {strides = array<i32>} : memref<16x2048xf32, #tpu.memory_space<vmem>>, vector<1x16xf32>,
      %get3A_837 = vector.shape_cast %get3A_836 : vector<1x16xf32> to vector<16xf32>
      %mul3A_838 = arith.mulf %get3A_249, %get3A_837 : vector<16xf32>
      %add3A_839 = arith.addf %add3A_832, %mul3A_838 : vector<16xf32>
      %get3A_840 = arith.constant 11 : i32
      %get3A_841 = arith.index_cast %get3A_840 : i32 to index
      %get3A_842 = arith.index_cast %mul3A_759 : i32 to index
      %get3A_843 = tpu.vector_load %arg9[%get3A_841, %get3A_842] {strides = array<i32>} : memref<16x2048xf32, #tpu.memory_space<vmem>>, vector<1x16xf32>,
      %get3A_844 = vector.shape_cast %get3A_843 : vector<1x16xf32> to vector<16xf32>
      %mul3A_845 = arith.mulf %get3A_254, %get3A_844 : vector<16xf32>
      %add3A_846 = arith.addf %add3A_839, %mul3A_845 : vector<16xf32>
      %get3A_847 = arith.constant 12 : i32
      %get3A_848 = arith.index_cast %get3A_847 : i32 to index
      %get3A_849 = arith.index_cast %mul3A_759 : i32 to index
      %get3A_850 = tpu.vector_load %arg9[%get3A_848, %get3A_849] {strides = array<i32>} : memref<16x2048xf32, #tpu.memory_space<vmem>>, vector<1x16xf32>,
      %get3A_851 = vector.shape_cast %get3A_850 : vector<1x16xf32> to vector<16xf32>
      %mul3A_852 = arith.mulf %get3A_259, %get3A_851 : vector<16xf32>
      %add3A_853 = arith.addf %add3A_846, %mul3A_852 : vector<16xf32>
      %get3A_854 = arith.constant 13 : i32
      %get3A_855 = arith.index_cast %get3A_854 : i32 to index
      %get3A_856 = arith.index_cast %mul3A_759 : i32 to index
      %get3A_857 = tpu.vector_load %arg9[%get3A_855, %get3A_856] {strides = array<i32>} : memref<16x2048xf32, #tpu.memory_space<vmem>>, vector<1x16xf32>,
      %get3A_858 = vector.shape_cast %get3A_857 : vector<1x16xf32> to vector<16xf32>
      %mul3A_859 = arith.mulf %get3A_264, %get3A_858 : vector<16xf32>
      %add3A_860 = arith.addf %add3A_853, %mul3A_859 : vector<16xf32>
      %get3A_861 = arith.constant 14 : i32
      %get3A_862 = arith.index_cast %get3A_861 : i32 to index
      %get3A_863 = arith.index_cast %mul3A_759 : i32 to index
      %get3A_864 = tpu.vector_load %arg9[%get3A_862, %get3A_863] {strides = array<i32>} : memref<16x2048xf32, #tpu.memory_space<vmem>>, vector<1x16xf32>,
      %get3A_865 = vector.shape_cast %get3A_864 : vector<1x16xf32> to vector<16xf32>
      %mul3A_866 = arith.mulf %get3A_269, %get3A_865 : vector<16xf32>
      %add3A_867 = arith.addf %add3A_860, %mul3A_866 : vector<16xf32>
      %get3A_868 = arith.constant 15 : i32
      %get3A_869 = arith.index_cast %get3A_868 : i32 to index
      %get3A_870 = arith.index_cast %mul3A_759 : i32 to index
      %get3A_871 = tpu.vector_load %arg9[%get3A_869, %get3A_870] {strides = array<i32>} : memref<16x2048xf32, #tpu.memory_space<vmem>>, vector<1x16xf32>,
      %get3A_872 = vector.shape_cast %get3A_871 : vector<1x16xf32> to vector<16xf32>
      %mul3A_873 = arith.mulf %get3A_274, %get3A_872 : vector<16xf32>
      %add3A_874 = arith.addf %add3A_867, %mul3A_873 : vector<16xf32>
      %swap3A = arith.index_cast %mul3A_759 : i32 to index
      %swap3A_875 = tpu.vector_load %arg10[%swap3A] {strides = array<i32>} : memref<2048xf32, #tpu.memory_space<vmem>>, vector<16xf32>,
      %swap3A_876 = vector.shape_cast %swap3A_875 : vector<16xf32> to vector<16xf32>
      %swap3A_877 = vector.shape_cast %add3A_874 : vector<16xf32> to vector<16xf32>
      tpu.vector_store %arg10[%swap3A], %swap3A_877 {strides = array<i32>} : memref<2048xf32, #tpu.memory_space<vmem>>, vector<16xf32>,
      %scan3A_878 = arith.constant 0 : i32
      scf.yield %scan3A_878 : i32
    }
    %scan3A_281 = arith.constant 128 : i32
    %run_scoped3A_282 = arith.constant 3 : i32
    "tpu.region"() ({
      %run_scoped3A_756 = tpu.sem_alloc : memref<!tpu.dma_semaphore, #tpu.memory_space<semaphore_mem>>
      %dma_start3A_757 = arith.constant 0 : i32
      %dma_start3A_758 = tpu.memref_slice %arg2[%add3A_4, %run_scoped3A_282, %dma_start3A_757] : memref<64x4x16xi32, #tpu.memory_space<hbm>> -> memref<1x1x16xi32, #tpu.memory_space<hbm>>
      %dma_start3A_759 = tpu.memref_squeeze %dma_start3A_758 : memref<1x1x16xi32, #tpu.memory_space<hbm>> -> memref<16xi32, #tpu.memory_space<hbm>>
      %dma_start3A_760 = arith.constant 0 : i32
      %dma_start3A_761 = tpu.memref_slice %arg2[%add3A_4, %run_scoped3A_282, %dma_start3A_760] : memref<64x4x16xi32, #tpu.memory_space<hbm>> -> memref<1x1x16xi32, #tpu.memory_space<hbm>>
      %dma_start3A_762 = tpu.memref_squeeze %dma_start3A_761 : memref<1x1x16xi32, #tpu.memory_space<hbm>> -> memref<16xi32, #tpu.memory_space<hbm>>
      tpu.enqueue_dma source(%dma_start3A_762 : memref<16xi32, #tpu.memory_space<hbm>>) target(%arg7 : memref<16xi32, #tpu.memory_space<vmem>>) target_semaphore(%run_scoped3A_756 : memref<!tpu.dma_semaphore, #tpu.memory_space<semaphore_mem>>)
      %dma_wait3A_763 = arith.constant 0 : i32
      %dma_wait3A_764 = tpu.memref_slice %arg2[%add3A_4, %run_scoped3A_282, %dma_wait3A_763] : memref<64x4x16xi32, #tpu.memory_space<hbm>> -> memref<1x1x16xi32, #tpu.memory_space<hbm>>
      %dma_wait3A_765 = tpu.memref_squeeze %dma_wait3A_764 : memref<1x1x16xi32, #tpu.memory_space<hbm>> -> memref<16xi32, #tpu.memory_space<hbm>>
      %dma_wait3A_766 = arith.constant 0 : i32
      %dma_wait3A_767 = tpu.memref_slice %arg2[%add3A_4, %run_scoped3A_282, %dma_wait3A_766] : memref<64x4x16xi32, #tpu.memory_space<hbm>> -> memref<1x1x16xi32, #tpu.memory_space<hbm>>
      %dma_wait3A_768 = tpu.memref_squeeze %dma_wait3A_767 : memref<1x1x16xi32, #tpu.memory_space<hbm>> -> memref<16xi32, #tpu.memory_space<hbm>>
      tpu.wait_dma2 semaphore(%run_scoped3A_756 : memref<!tpu.dma_semaphore, #tpu.memory_space<semaphore_mem>>) src(%dma_wait3A_768 : memref<16xi32, #tpu.memory_space<hbm>>) dst(%arg7 : memref<16xi32, #tpu.memory_space<vmem>>)
      tpu.yield
    }) : () -> ()
    %dma_start3A_283 = arith.constant 0 : i32
    %dma_start3A_284 = arith.constant 0 : i32
    %dma_start3A_285 = tpu.memref_slice %arg4[%dma_start3A_283, %dma_start3A_284] : memref<65536x2048xf32, #tpu.memory_space<hbm>> -> memref<65536x2048xf32, #tpu.memory_space<hbm>>
    tpu.enqueue_indirect_dma source(%dma_start3A_285 : memref<65536x2048xf32, #tpu.memory_space<hbm>>) target(%arg9 : memref<16x2048xf32, #tpu.memory_space<vmem>>) offsets(%arg7 : memref<16xi32, #tpu.memory_space<vmem>>) semaphore(%arg11 : memref<!tpu.dma_semaphore, #tpu.memory_space<semaphore_mem>>)
    %dma_wait3A_286 = arith.constant 0 : i32
    %dma_wait3A_287 = arith.constant 0 : i32
    %dma_wait3A_288 = tpu.memref_slice %arg4[%dma_wait3A_286, %dma_wait3A_287] : memref<65536x2048xf32, #tpu.memory_space<hbm>> -> memref<65536x2048xf32, #tpu.memory_space<hbm>>
    tpu.wait_indirect_dma semaphore(%arg11 : memref<!tpu.dma_semaphore, #tpu.memory_space<semaphore_mem>>) src(%dma_wait3A_288 : memref<65536x2048xf32, #tpu.memory_space<hbm>>) dst(%arg9 : memref<16x2048xf32, #tpu.memory_space<vmem>>)
    %get3A_289 = arith.constant 48 : i32
    %get3A_290 = arith.index_cast %get3A_289 : i32 to index
    %get3A_291 = arith.constant 0 : index
    %get3A_292 = tpu.vector_load %arg8[%get3A_290, %get3A_291] {strides = array<i32>} : memref<64x16xf32, #tpu.memory_space<vmem>>, vector<1x16xf32>,
    %get3A_293 = vector.shape_cast %get3A_292 : vector<1x16xf32> to vector<16xf32>
    %get3A_294 = arith.constant 49 : i32
    %get3A_295 = arith.index_cast %get3A_294 : i32 to index
    %get3A_296 = arith.constant 0 : index
    %get3A_297 = tpu.vector_load %arg8[%get3A_295, %get3A_296] {strides = array<i32>} : memref<64x16xf32, #tpu.memory_space<vmem>>, vector<1x16xf32>,
    %get3A_298 = vector.shape_cast %get3A_297 : vector<1x16xf32> to vector<16xf32>
    %get3A_299 = arith.constant 50 : i32
    %get3A_300 = arith.index_cast %get3A_299 : i32 to index
    %get3A_301 = arith.constant 0 : index
    %get3A_302 = tpu.vector_load %arg8[%get3A_300, %get3A_301] {strides = array<i32>} : memref<64x16xf32, #tpu.memory_space<vmem>>, vector<1x16xf32>,
    %get3A_303 = vector.shape_cast %get3A_302 : vector<1x16xf32> to vector<16xf32>
    %get3A_304 = arith.constant 51 : i32
    %get3A_305 = arith.index_cast %get3A_304 : i32 to index
    %get3A_306 = arith.constant 0 : index
    %get3A_307 = tpu.vector_load %arg8[%get3A_305, %get3A_306] {strides = array<i32>} : memref<64x16xf32, #tpu.memory_space<vmem>>, vector<1x16xf32>,
    %get3A_308 = vector.shape_cast %get3A_307 : vector<1x16xf32> to vector<16xf32>
    %get3A_309 = arith.constant 52 : i32
    %get3A_310 = arith.index_cast %get3A_309 : i32 to index
    %get3A_311 = arith.constant 0 : index
    %get3A_312 = tpu.vector_load %arg8[%get3A_310, %get3A_311] {strides = array<i32>} : memref<64x16xf32, #tpu.memory_space<vmem>>, vector<1x16xf32>,
    %get3A_313 = vector.shape_cast %get3A_312 : vector<1x16xf32> to vector<16xf32>
    %get3A_314 = arith.constant 53 : i32
    %get3A_315 = arith.index_cast %get3A_314 : i32 to index
    %get3A_316 = arith.constant 0 : index
    %get3A_317 = tpu.vector_load %arg8[%get3A_315, %get3A_316] {strides = array<i32>} : memref<64x16xf32, #tpu.memory_space<vmem>>, vector<1x16xf32>,
    %get3A_318 = vector.shape_cast %get3A_317 : vector<1x16xf32> to vector<16xf32>
    %get3A_319 = arith.constant 54 : i32
    %get3A_320 = arith.index_cast %get3A_319 : i32 to index
    %get3A_321 = arith.constant 0 : index
    %get3A_322 = tpu.vector_load %arg8[%get3A_320, %get3A_321] {strides = array<i32>} : memref<64x16xf32, #tpu.memory_space<vmem>>, vector<1x16xf32>,
    %get3A_323 = vector.shape_cast %get3A_322 : vector<1x16xf32> to vector<16xf32>
    %get3A_324 = arith.constant 55 : i32
    %get3A_325 = arith.index_cast %get3A_324 : i32 to index
    %get3A_326 = arith.constant 0 : index
    %get3A_327 = tpu.vector_load %arg8[%get3A_325, %get3A_326] {strides = array<i32>} : memref<64x16xf32, #tpu.memory_space<vmem>>, vector<1x16xf32>,
    %get3A_328 = vector.shape_cast %get3A_327 : vector<1x16xf32> to vector<16xf32>
    %get3A_329 = arith.constant 56 : i32
    %get3A_330 = arith.index_cast %get3A_329 : i32 to index
    %get3A_331 = arith.constant 0 : index
    %get3A_332 = tpu.vector_load %arg8[%get3A_330, %get3A_331] {strides = array<i32>} : memref<64x16xf32, #tpu.memory_space<vmem>>, vector<1x16xf32>,
    %get3A_333 = vector.shape_cast %get3A_332 : vector<1x16xf32> to vector<16xf32>
    %get3A_334 = arith.constant 57 : i32
    %get3A_335 = arith.index_cast %get3A_334 : i32 to index
    %get3A_336 = arith.constant 0 : index
    %get3A_337 = tpu.vector_load %arg8[%get3A_335, %get3A_336] {strides = array<i32>} : memref<64x16xf32, #tpu.memory_space<vmem>>, vector<1x16xf32>,
    %get3A_338 = vector.shape_cast %get3A_337 : vector<1x16xf32> to vector<16xf32>
    %get3A_339 = arith.constant 58 : i32
    %get3A_340 = arith.index_cast %get3A_339 : i32 to index
    %get3A_341 = arith.constant 0 : index
    %get3A_342 = tpu.vector_load %arg8[%get3A_340, %get3A_341] {strides = array<i32>} : memref<64x16xf32, #tpu.memory_space<vmem>>, vector<1x16xf32>,
    %get3A_343 = vector.shape_cast %get3A_342 : vector<1x16xf32> to vector<16xf32>
    %get3A_344 = arith.constant 59 : i32
    %get3A_345 = arith.index_cast %get3A_344 : i32 to index
    %get3A_346 = arith.constant 0 : index
    %get3A_347 = tpu.vector_load %arg8[%get3A_345, %get3A_346] {strides = array<i32>} : memref<64x16xf32, #tpu.memory_space<vmem>>, vector<1x16xf32>,
    %get3A_348 = vector.shape_cast %get3A_347 : vector<1x16xf32> to vector<16xf32>
    %get3A_349 = arith.constant 60 : i32
    %get3A_350 = arith.index_cast %get3A_349 : i32 to index
    %get3A_351 = arith.constant 0 : index
    %get3A_352 = tpu.vector_load %arg8[%get3A_350, %get3A_351] {strides = array<i32>} : memref<64x16xf32, #tpu.memory_space<vmem>>, vector<1x16xf32>,
    %get3A_353 = vector.shape_cast %get3A_352 : vector<1x16xf32> to vector<16xf32>
    %get3A_354 = arith.constant 61 : i32
    %get3A_355 = arith.index_cast %get3A_354 : i32 to index
    %get3A_356 = arith.constant 0 : index
    %get3A_357 = tpu.vector_load %arg8[%get3A_355, %get3A_356] {strides = array<i32>} : memref<64x16xf32, #tpu.memory_space<vmem>>, vector<1x16xf32>,
    %get3A_358 = vector.shape_cast %get3A_357 : vector<1x16xf32> to vector<16xf32>
    %get3A_359 = arith.constant 62 : i32
    %get3A_360 = arith.index_cast %get3A_359 : i32 to index
    %get3A_361 = arith.constant 0 : index
    %get3A_362 = tpu.vector_load %arg8[%get3A_360, %get3A_361] {strides = array<i32>} : memref<64x16xf32, #tpu.memory_space<vmem>>, vector<1x16xf32>,
    %get3A_363 = vector.shape_cast %get3A_362 : vector<1x16xf32> to vector<16xf32>
    %get3A_364 = arith.constant 63 : i32
    %get3A_365 = arith.index_cast %get3A_364 : i32 to index
    %get3A_366 = arith.constant 0 : index
    %get3A_367 = tpu.vector_load %arg8[%get3A_365, %get3A_366] {strides = array<i32>} : memref<64x16xf32, #tpu.memory_space<vmem>>, vector<1x16xf32>,
    %get3A_368 = vector.shape_cast %get3A_367 : vector<1x16xf32> to vector<16xf32>
    %scan3A_369 = arith.constant 0 : i32
    %scan3A_370 = arith.constant 0 : i32
    %scan3A_371 = arith.constant 128 : i32
    %scan3A_372 = arith.addi %scan3A_370, %scan3A_371 : i32
    %scan3A_373 = arith.constant 1 : i32
    %scan3A_374 = scf.for %scan3A_756 = %scan3A_370 to %scan3A_372 step %scan3A_373 iter_args(%scan3A_757 = %scan3A_369) -> (i32)  : i32 {
      %mul3A_758 = arith.constant 16 : i32
      %mul3A_759 = arith.muli %scan3A_756, %mul3A_758 : i32
      %get3A_760 = arith.index_cast %mul3A_759 : i32 to index
      %get3A_761 = tpu.vector_load %arg10[%get3A_760] {strides = array<i32>} : memref<2048xf32, #tpu.memory_space<vmem>>, vector<16xf32>,
      %get3A_762 = vector.shape_cast %get3A_761 : vector<16xf32> to vector<16xf32>
      %get3A_763 = arith.constant 0 : i32
      %get3A_764 = arith.index_cast %get3A_763 : i32 to index
      %get3A_765 = arith.index_cast %mul3A_759 : i32 to index
      %get3A_766 = tpu.vector_load %arg9[%get3A_764, %get3A_765] {strides = array<i32>} : memref<16x2048xf32, #tpu.memory_space<vmem>>, vector<1x16xf32>,
      %get3A_767 = vector.shape_cast %get3A_766 : vector<1x16xf32> to vector<16xf32>
      %mul3A_768 = arith.mulf %get3A_293, %get3A_767 : vector<16xf32>
      %add3A_769 = arith.addf %get3A_762, %mul3A_768 : vector<16xf32>
      %get3A_770 = arith.constant 1 : i32
      %get3A_771 = arith.index_cast %get3A_770 : i32 to index
      %get3A_772 = arith.index_cast %mul3A_759 : i32 to index
      %get3A_773 = tpu.vector_load %arg9[%get3A_771, %get3A_772] {strides = array<i32>} : memref<16x2048xf32, #tpu.memory_space<vmem>>, vector<1x16xf32>,
      %get3A_774 = vector.shape_cast %get3A_773 : vector<1x16xf32> to vector<16xf32>
      %mul3A_775 = arith.mulf %get3A_298, %get3A_774 : vector<16xf32>
      %add3A_776 = arith.addf %add3A_769, %mul3A_775 : vector<16xf32>
      %get3A_777 = arith.constant 2 : i32
      %get3A_778 = arith.index_cast %get3A_777 : i32 to index
      %get3A_779 = arith.index_cast %mul3A_759 : i32 to index
      %get3A_780 = tpu.vector_load %arg9[%get3A_778, %get3A_779] {strides = array<i32>} : memref<16x2048xf32, #tpu.memory_space<vmem>>, vector<1x16xf32>,
      %get3A_781 = vector.shape_cast %get3A_780 : vector<1x16xf32> to vector<16xf32>
      %mul3A_782 = arith.mulf %get3A_303, %get3A_781 : vector<16xf32>
      %add3A_783 = arith.addf %add3A_776, %mul3A_782 : vector<16xf32>
      %get3A_784 = arith.constant 3 : i32
      %get3A_785 = arith.index_cast %get3A_784 : i32 to index
      %get3A_786 = arith.index_cast %mul3A_759 : i32 to index
      %get3A_787 = tpu.vector_load %arg9[%get3A_785, %get3A_786] {strides = array<i32>} : memref<16x2048xf32, #tpu.memory_space<vmem>>, vector<1x16xf32>,
      %get3A_788 = vector.shape_cast %get3A_787 : vector<1x16xf32> to vector<16xf32>
      %mul3A_789 = arith.mulf %get3A_308, %get3A_788 : vector<16xf32>
      %add3A_790 = arith.addf %add3A_783, %mul3A_789 : vector<16xf32>
      %get3A_791 = arith.constant 4 : i32
      %get3A_792 = arith.index_cast %get3A_791 : i32 to index
      %get3A_793 = arith.index_cast %mul3A_759 : i32 to index
      %get3A_794 = tpu.vector_load %arg9[%get3A_792, %get3A_793] {strides = array<i32>} : memref<16x2048xf32, #tpu.memory_space<vmem>>, vector<1x16xf32>,
      %get3A_795 = vector.shape_cast %get3A_794 : vector<1x16xf32> to vector<16xf32>
      %mul3A_796 = arith.mulf %get3A_313, %get3A_795 : vector<16xf32>
      %add3A_797 = arith.addf %add3A_790, %mul3A_796 : vector<16xf32>
      %get3A_798 = arith.constant 5 : i32
      %get3A_799 = arith.index_cast %get3A_798 : i32 to index
      %get3A_800 = arith.index_cast %mul3A_759 : i32 to index
      %get3A_801 = tpu.vector_load %arg9[%get3A_799, %get3A_800] {strides = array<i32>} : memref<16x2048xf32, #tpu.memory_space<vmem>>, vector<1x16xf32>,
      %get3A_802 = vector.shape_cast %get3A_801 : vector<1x16xf32> to vector<16xf32>
      %mul3A_803 = arith.mulf %get3A_318, %get3A_802 : vector<16xf32>
      %add3A_804 = arith.addf %add3A_797, %mul3A_803 : vector<16xf32>
      %get3A_805 = arith.constant 6 : i32
      %get3A_806 = arith.index_cast %get3A_805 : i32 to index
      %get3A_807 = arith.index_cast %mul3A_759 : i32 to index
      %get3A_808 = tpu.vector_load %arg9[%get3A_806, %get3A_807] {strides = array<i32>} : memref<16x2048xf32, #tpu.memory_space<vmem>>, vector<1x16xf32>,
      %get3A_809 = vector.shape_cast %get3A_808 : vector<1x16xf32> to vector<16xf32>
      %mul3A_810 = arith.mulf %get3A_323, %get3A_809 : vector<16xf32>
      %add3A_811 = arith.addf %add3A_804, %mul3A_810 : vector<16xf32>
      %get3A_812 = arith.constant 7 : i32
      %get3A_813 = arith.index_cast %get3A_812 : i32 to index
      %get3A_814 = arith.index_cast %mul3A_759 : i32 to index
      %get3A_815 = tpu.vector_load %arg9[%get3A_813, %get3A_814] {strides = array<i32>} : memref<16x2048xf32, #tpu.memory_space<vmem>>, vector<1x16xf32>,
      %get3A_816 = vector.shape_cast %get3A_815 : vector<1x16xf32> to vector<16xf32>
      %mul3A_817 = arith.mulf %get3A_328, %get3A_816 : vector<16xf32>
      %add3A_818 = arith.addf %add3A_811, %mul3A_817 : vector<16xf32>
      %get3A_819 = arith.constant 8 : i32
      %get3A_820 = arith.index_cast %get3A_819 : i32 to index
      %get3A_821 = arith.index_cast %mul3A_759 : i32 to index
      %get3A_822 = tpu.vector_load %arg9[%get3A_820, %get3A_821] {strides = array<i32>} : memref<16x2048xf32, #tpu.memory_space<vmem>>, vector<1x16xf32>,
      %get3A_823 = vector.shape_cast %get3A_822 : vector<1x16xf32> to vector<16xf32>
      %mul3A_824 = arith.mulf %get3A_333, %get3A_823 : vector<16xf32>
      %add3A_825 = arith.addf %add3A_818, %mul3A_824 : vector<16xf32>
      %get3A_826 = arith.constant 9 : i32
      %get3A_827 = arith.index_cast %get3A_826 : i32 to index
      %get3A_828 = arith.index_cast %mul3A_759 : i32 to index
      %get3A_829 = tpu.vector_load %arg9[%get3A_827, %get3A_828] {strides = array<i32>} : memref<16x2048xf32, #tpu.memory_space<vmem>>, vector<1x16xf32>,
      %get3A_830 = vector.shape_cast %get3A_829 : vector<1x16xf32> to vector<16xf32>
      %mul3A_831 = arith.mulf %get3A_338, %get3A_830 : vector<16xf32>
      %add3A_832 = arith.addf %add3A_825, %mul3A_831 : vector<16xf32>
      %get3A_833 = arith.constant 10 : i32
      %get3A_834 = arith.index_cast %get3A_833 : i32 to index
      %get3A_835 = arith.index_cast %mul3A_759 : i32 to index
      %get3A_836 = tpu.vector_load %arg9[%get3A_834, %get3A_835] {strides = array<i32>} : memref<16x2048xf32, #tpu.memory_space<vmem>>, vector<1x16xf32>,
      %get3A_837 = vector.shape_cast %get3A_836 : vector<1x16xf32> to vector<16xf32>
      %mul3A_838 = arith.mulf %get3A_343, %get3A_837 : vector<16xf32>
      %add3A_839 = arith.addf %add3A_832, %mul3A_838 : vector<16xf32>
      %get3A_840 = arith.constant 11 : i32
      %get3A_841 = arith.index_cast %get3A_840 : i32 to index
      %get3A_842 = arith.index_cast %mul3A_759 : i32 to index
      %get3A_843 = tpu.vector_load %arg9[%get3A_841, %get3A_842] {strides = array<i32>} : memref<16x2048xf32, #tpu.memory_space<vmem>>, vector<1x16xf32>,
      %get3A_844 = vector.shape_cast %get3A_843 : vector<1x16xf32> to vector<16xf32>
      %mul3A_845 = arith.mulf %get3A_348, %get3A_844 : vector<16xf32>
      %add3A_846 = arith.addf %add3A_839, %mul3A_845 : vector<16xf32>
      %get3A_847 = arith.constant 12 : i32
      %get3A_848 = arith.index_cast %get3A_847 : i32 to index
      %get3A_849 = arith.index_cast %mul3A_759 : i32 to index
      %get3A_850 = tpu.vector_load %arg9[%get3A_848, %get3A_849] {strides = array<i32>} : memref<16x2048xf32, #tpu.memory_space<vmem>>, vector<1x16xf32>,
      %get3A_851 = vector.shape_cast %get3A_850 : vector<1x16xf32> to vector<16xf32>
      %mul3A_852 = arith.mulf %get3A_353, %get3A_851 : vector<16xf32>
      %add3A_853 = arith.addf %add3A_846, %mul3A_852 : vector<16xf32>
      %get3A_854 = arith.constant 13 : i32
      %get3A_855 = arith.index_cast %get3A_854 : i32 to index
      %get3A_856 = arith.index_cast %mul3A_759 : i32 to index
      %get3A_857 = tpu.vector_load %arg9[%get3A_855, %get3A_856] {strides = array<i32>} : memref<16x2048xf32, #tpu.memory_space<vmem>>, vector<1x16xf32>,
      %get3A_858 = vector.shape_cast %get3A_857 : vector<1x16xf32> to vector<16xf32>
      %mul3A_859 = arith.mulf %get3A_358, %get3A_858 : vector<16xf32>
      %add3A_860 = arith.addf %add3A_853, %mul3A_859 : vector<16xf32>
      %get3A_861 = arith.constant 14 : i32
      %get3A_862 = arith.index_cast %get3A_861 : i32 to index
      %get3A_863 = arith.index_cast %mul3A_759 : i32 to index
      %get3A_864 = tpu.vector_load %arg9[%get3A_862, %get3A_863] {strides = array<i32>} : memref<16x2048xf32, #tpu.memory_space<vmem>>, vector<1x16xf32>,
      %get3A_865 = vector.shape_cast %get3A_864 : vector<1x16xf32> to vector<16xf32>
      %mul3A_866 = arith.mulf %get3A_363, %get3A_865 : vector<16xf32>
      %add3A_867 = arith.addf %add3A_860, %mul3A_866 : vector<16xf32>
      %get3A_868 = arith.constant 15 : i32
      %get3A_869 = arith.index_cast %get3A_868 : i32 to index
      %get3A_870 = arith.index_cast %mul3A_759 : i32 to index
      %get3A_871 = tpu.vector_load %arg9[%get3A_869, %get3A_870] {strides = array<i32>} : memref<16x2048xf32, #tpu.memory_space<vmem>>, vector<1x16xf32>,
      %get3A_872 = vector.shape_cast %get3A_871 : vector<1x16xf32> to vector<16xf32>
      %mul3A_873 = arith.mulf %get3A_368, %get3A_872 : vector<16xf32>
      %add3A_874 = arith.addf %add3A_867, %mul3A_873 : vector<16xf32>
      %swap3A = arith.index_cast %mul3A_759 : i32 to index
      %swap3A_875 = tpu.vector_load %arg10[%swap3A] {strides = array<i32>} : memref<2048xf32, #tpu.memory_space<vmem>>, vector<16xf32>,
      %swap3A_876 = vector.shape_cast %swap3A_875 : vector<16xf32> to vector<16xf32>
      %swap3A_877 = vector.shape_cast %add3A_874 : vector<16xf32> to vector<16xf32>
      tpu.vector_store %arg10[%swap3A], %swap3A_877 {strides = array<i32>} : memref<2048xf32, #tpu.memory_space<vmem>>, vector<16xf32>,
      %scan3A_878 = arith.constant 0 : i32
      scf.yield %scan3A_878 : i32
    }
    %scan3A_375 = arith.constant 128 : i32
    "tpu.region"() ({
      %run_scoped3A_756 = tpu.sem_alloc : memref<!tpu.dma_semaphore, #tpu.memory_space<semaphore_mem>>
      %dma_start3A_757 = arith.constant 0 : i32
      %dma_start3A_758 = tpu.memref_slice %arg6[%add3A_4, %dma_start3A_757] : memref<64x2048xf32, #tpu.memory_space<hbm>> -> memref<1x2048xf32, #tpu.memory_space<hbm>>
      %dma_start3A_759 = tpu.memref_squeeze %dma_start3A_758 : memref<1x2048xf32, #tpu.memory_space<hbm>> -> memref<2048xf32, #tpu.memory_space<hbm>>
      %dma_start3A_760 = arith.constant 0 : i32
      %dma_start3A_761 = tpu.memref_slice %arg6[%add3A_4, %dma_start3A_760] : memref<64x2048xf32, #tpu.memory_space<hbm>> -> memref<1x2048xf32, #tpu.memory_space<hbm>>
      %dma_start3A_762 = tpu.memref_squeeze %dma_start3A_761 : memref<1x2048xf32, #tpu.memory_space<hbm>> -> memref<2048xf32, #tpu.memory_space<hbm>>
      tpu.enqueue_dma source(%arg10 : memref<2048xf32, #tpu.memory_space<vmem>>) target(%dma_start3A_762 : memref<2048xf32, #tpu.memory_space<hbm>>) target_semaphore(%run_scoped3A_756 : memref<!tpu.dma_semaphore, #tpu.memory_space<semaphore_mem>>)
      %dma_wait3A_763 = arith.constant 0 : i32
      %dma_wait3A_764 = tpu.memref_slice %arg6[%add3A_4, %dma_wait3A_763] : memref<64x2048xf32, #tpu.memory_space<hbm>> -> memref<1x2048xf32, #tpu.memory_space<hbm>>
      %dma_wait3A_765 = tpu.memref_squeeze %dma_wait3A_764 : memref<1x2048xf32, #tpu.memory_space<hbm>> -> memref<2048xf32, #tpu.memory_space<hbm>>
      %dma_wait3A_766 = arith.constant 0 : i32
      %dma_wait3A_767 = tpu.memref_slice %arg6[%add3A_4, %dma_wait3A_766] : memref<64x2048xf32, #tpu.memory_space<hbm>> -> memref<1x2048xf32, #tpu.memory_space<hbm>>
      %dma_wait3A_768 = tpu.memref_squeeze %dma_wait3A_767 : memref<1x2048xf32, #tpu.memory_space<hbm>> -> memref<2048xf32, #tpu.memory_space<hbm>>
      tpu.wait_dma2 semaphore(%run_scoped3A_756 : memref<!tpu.dma_semaphore, #tpu.memory_space<semaphore_mem>>) src(%arg10 : memref<2048xf32, #tpu.memory_space<vmem>>) dst(%dma_wait3A_768 : memref<2048xf32, #tpu.memory_space<hbm>>)
      tpu.yield
    }) : () -> ()
    %mul3A_376 = arith.constant 2 : i32
    %mul3A_377 = arith.muli %add3A, %mul3A_376 : i32
    %add3A_378 = arith.constant 1 : i32
    %add3A_379 = arith.addi %mul3A_377, %add3A_378 : i32
    "tpu.region"() ({
      %run_scoped3A_756 = tpu.sem_alloc : memref<!tpu.dma_semaphore, #tpu.memory_space<semaphore_mem>>
      tpu.enqueue_dma source(%arg5 : memref<2048xf32, #tpu.memory_space<hbm>>) target(%arg10 : memref<2048xf32, #tpu.memory_space<vmem>>) target_semaphore(%run_scoped3A_756 : memref<!tpu.dma_semaphore, #tpu.memory_space<semaphore_mem>>)
      tpu.wait_dma2 semaphore(%run_scoped3A_756 : memref<!tpu.dma_semaphore, #tpu.memory_space<semaphore_mem>>) src(%arg5 : memref<2048xf32, #tpu.memory_space<hbm>>) dst(%arg10 : memref<2048xf32, #tpu.memory_space<vmem>>)
      tpu.yield
    }) : () -> ()
    "tpu.region"() ({
      %run_scoped3A_756 = tpu.sem_alloc : memref<!tpu.dma_semaphore, #tpu.memory_space<semaphore_mem>>
      %dma_start3A_757 = arith.constant 0 : i32
      %dma_start3A_758 = arith.constant 0 : i32
      %dma_start3A_759 = tpu.memref_slice %arg3[%add3A_379, %dma_start3A_757, %dma_start3A_758] : memref<64x64x16xf32, #tpu.memory_space<hbm>> -> memref<1x64x16xf32, #tpu.memory_space<hbm>>
      %dma_start3A_760 = tpu.memref_squeeze %dma_start3A_759 : memref<1x64x16xf32, #tpu.memory_space<hbm>> -> memref<64x16xf32, #tpu.memory_space<hbm>>
      %dma_start3A_761 = arith.constant 0 : i32
      %dma_start3A_762 = arith.constant 0 : i32
      %dma_start3A_763 = tpu.memref_slice %arg3[%add3A_379, %dma_start3A_761, %dma_start3A_762] : memref<64x64x16xf32, #tpu.memory_space<hbm>> -> memref<1x64x16xf32, #tpu.memory_space<hbm>>
      %dma_start3A_764 = tpu.memref_squeeze %dma_start3A_763 : memref<1x64x16xf32, #tpu.memory_space<hbm>> -> memref<64x16xf32, #tpu.memory_space<hbm>>
      tpu.enqueue_dma source(%dma_start3A_764 : memref<64x16xf32, #tpu.memory_space<hbm>>) target(%arg8 : memref<64x16xf32, #tpu.memory_space<vmem>>) target_semaphore(%run_scoped3A_756 : memref<!tpu.dma_semaphore, #tpu.memory_space<semaphore_mem>>)
      %dma_wait3A_765 = arith.constant 0 : i32
      %dma_wait3A_766 = arith.constant 0 : i32
      %dma_wait3A_767 = tpu.memref_slice %arg3[%add3A_379, %dma_wait3A_765, %dma_wait3A_766] : memref<64x64x16xf32, #tpu.memory_space<hbm>> -> memref<1x64x16xf32, #tpu.memory_space<hbm>>
      %dma_wait3A_768 = tpu.memref_squeeze %dma_wait3A_767 : memref<1x64x16xf32, #tpu.memory_space<hbm>> -> memref<64x16xf32, #tpu.memory_space<hbm>>
      %dma_wait3A_769 = arith.constant 0 : i32
      %dma_wait3A_770 = arith.constant 0 : i32
      %dma_wait3A_771 = tpu.memref_slice %arg3[%add3A_379, %dma_wait3A_769, %dma_wait3A_770] : memref<64x64x16xf32, #tpu.memory_space<hbm>> -> memref<1x64x16xf32, #tpu.memory_space<hbm>>
      %dma_wait3A_772 = tpu.memref_squeeze %dma_wait3A_771 : memref<1x64x16xf32, #tpu.memory_space<hbm>> -> memref<64x16xf32, #tpu.memory_space<hbm>>
      tpu.wait_dma2 semaphore(%run_scoped3A_756 : memref<!tpu.dma_semaphore, #tpu.memory_space<semaphore_mem>>) src(%dma_wait3A_772 : memref<64x16xf32, #tpu.memory_space<hbm>>) dst(%arg8 : memref<64x16xf32, #tpu.memory_space<vmem>>)
      tpu.yield
    }) : () -> ()
    %run_scoped3A_380 = arith.constant 0 : i32
    "tpu.region"() ({
      %run_scoped3A_756 = tpu.sem_alloc : memref<!tpu.dma_semaphore, #tpu.memory_space<semaphore_mem>>
      %dma_start3A_757 = arith.constant 0 : i32
      %dma_start3A_758 = tpu.memref_slice %arg2[%add3A_379, %run_scoped3A_380, %dma_start3A_757] : memref<64x4x16xi32, #tpu.memory_space<hbm>> -> memref<1x1x16xi32, #tpu.memory_space<hbm>>
      %dma_start3A_759 = tpu.memref_squeeze %dma_start3A_758 : memref<1x1x16xi32, #tpu.memory_space<hbm>> -> memref<16xi32, #tpu.memory_space<hbm>>
      %dma_start3A_760 = arith.constant 0 : i32
      %dma_start3A_761 = tpu.memref_slice %arg2[%add3A_379, %run_scoped3A_380, %dma_start3A_760] : memref<64x4x16xi32, #tpu.memory_space<hbm>> -> memref<1x1x16xi32, #tpu.memory_space<hbm>>
      %dma_start3A_762 = tpu.memref_squeeze %dma_start3A_761 : memref<1x1x16xi32, #tpu.memory_space<hbm>> -> memref<16xi32, #tpu.memory_space<hbm>>
      tpu.enqueue_dma source(%dma_start3A_762 : memref<16xi32, #tpu.memory_space<hbm>>) target(%arg7 : memref<16xi32, #tpu.memory_space<vmem>>) target_semaphore(%run_scoped3A_756 : memref<!tpu.dma_semaphore, #tpu.memory_space<semaphore_mem>>)
      %dma_wait3A_763 = arith.constant 0 : i32
      %dma_wait3A_764 = tpu.memref_slice %arg2[%add3A_379, %run_scoped3A_380, %dma_wait3A_763] : memref<64x4x16xi32, #tpu.memory_space<hbm>> -> memref<1x1x16xi32, #tpu.memory_space<hbm>>
      %dma_wait3A_765 = tpu.memref_squeeze %dma_wait3A_764 : memref<1x1x16xi32, #tpu.memory_space<hbm>> -> memref<16xi32, #tpu.memory_space<hbm>>
      %dma_wait3A_766 = arith.constant 0 : i32
      %dma_wait3A_767 = tpu.memref_slice %arg2[%add3A_379, %run_scoped3A_380, %dma_wait3A_766] : memref<64x4x16xi32, #tpu.memory_space<hbm>> -> memref<1x1x16xi32, #tpu.memory_space<hbm>>
      %dma_wait3A_768 = tpu.memref_squeeze %dma_wait3A_767 : memref<1x1x16xi32, #tpu.memory_space<hbm>> -> memref<16xi32, #tpu.memory_space<hbm>>
      tpu.wait_dma2 semaphore(%run_scoped3A_756 : memref<!tpu.dma_semaphore, #tpu.memory_space<semaphore_mem>>) src(%dma_wait3A_768 : memref<16xi32, #tpu.memory_space<hbm>>) dst(%arg7 : memref<16xi32, #tpu.memory_space<vmem>>)
      tpu.yield
    }) : () -> ()
    %dma_start3A_381 = arith.constant 0 : i32
    %dma_start3A_382 = arith.constant 0 : i32
    %dma_start3A_383 = tpu.memref_slice %arg4[%dma_start3A_381, %dma_start3A_382] : memref<65536x2048xf32, #tpu.memory_space<hbm>> -> memref<65536x2048xf32, #tpu.memory_space<hbm>>
    tpu.enqueue_indirect_dma source(%dma_start3A_383 : memref<65536x2048xf32, #tpu.memory_space<hbm>>) target(%arg9 : memref<16x2048xf32, #tpu.memory_space<vmem>>) offsets(%arg7 : memref<16xi32, #tpu.memory_space<vmem>>) semaphore(%arg11 : memref<!tpu.dma_semaphore, #tpu.memory_space<semaphore_mem>>)
    %dma_wait3A_384 = arith.constant 0 : i32
    %dma_wait3A_385 = arith.constant 0 : i32
    %dma_wait3A_386 = tpu.memref_slice %arg4[%dma_wait3A_384, %dma_wait3A_385] : memref<65536x2048xf32, #tpu.memory_space<hbm>> -> memref<65536x2048xf32, #tpu.memory_space<hbm>>
    tpu.wait_indirect_dma semaphore(%arg11 : memref<!tpu.dma_semaphore, #tpu.memory_space<semaphore_mem>>) src(%dma_wait3A_386 : memref<65536x2048xf32, #tpu.memory_space<hbm>>) dst(%arg9 : memref<16x2048xf32, #tpu.memory_space<vmem>>)
    %get3A_387 = arith.constant 0 : i32
    %get3A_388 = arith.index_cast %get3A_387 : i32 to index
    %get3A_389 = arith.constant 0 : index
    %get3A_390 = tpu.vector_load %arg8[%get3A_388, %get3A_389] {strides = array<i32>} : memref<64x16xf32, #tpu.memory_space<vmem>>, vector<1x16xf32>,
    %get3A_391 = vector.shape_cast %get3A_390 : vector<1x16xf32> to vector<16xf32>
    %get3A_392 = arith.constant 1 : i32
    %get3A_393 = arith.index_cast %get3A_392 : i32 to index
    %get3A_394 = arith.constant 0 : index
    %get3A_395 = tpu.vector_load %arg8[%get3A_393, %get3A_394] {strides = array<i32>} : memref<64x16xf32, #tpu.memory_space<vmem>>, vector<1x16xf32>,
    %get3A_396 = vector.shape_cast %get3A_395 : vector<1x16xf32> to vector<16xf32>
    %get3A_397 = arith.constant 2 : i32
    %get3A_398 = arith.index_cast %get3A_397 : i32 to index
    %get3A_399 = arith.constant 0 : index
    %get3A_400 = tpu.vector_load %arg8[%get3A_398, %get3A_399] {strides = array<i32>} : memref<64x16xf32, #tpu.memory_space<vmem>>, vector<1x16xf32>,
    %get3A_401 = vector.shape_cast %get3A_400 : vector<1x16xf32> to vector<16xf32>
    %get3A_402 = arith.constant 3 : i32
    %get3A_403 = arith.index_cast %get3A_402 : i32 to index
    %get3A_404 = arith.constant 0 : index
    %get3A_405 = tpu.vector_load %arg8[%get3A_403, %get3A_404] {strides = array<i32>} : memref<64x16xf32, #tpu.memory_space<vmem>>, vector<1x16xf32>,
    %get3A_406 = vector.shape_cast %get3A_405 : vector<1x16xf32> to vector<16xf32>
    %get3A_407 = arith.constant 4 : i32
    %get3A_408 = arith.index_cast %get3A_407 : i32 to index
    %get3A_409 = arith.constant 0 : index
    %get3A_410 = tpu.vector_load %arg8[%get3A_408, %get3A_409] {strides = array<i32>} : memref<64x16xf32, #tpu.memory_space<vmem>>, vector<1x16xf32>,
    %get3A_411 = vector.shape_cast %get3A_410 : vector<1x16xf32> to vector<16xf32>
    %get3A_412 = arith.constant 5 : i32
    %get3A_413 = arith.index_cast %get3A_412 : i32 to index
    %get3A_414 = arith.constant 0 : index
    %get3A_415 = tpu.vector_load %arg8[%get3A_413, %get3A_414] {strides = array<i32>} : memref<64x16xf32, #tpu.memory_space<vmem>>, vector<1x16xf32>,
    %get3A_416 = vector.shape_cast %get3A_415 : vector<1x16xf32> to vector<16xf32>
    %get3A_417 = arith.constant 6 : i32
    %get3A_418 = arith.index_cast %get3A_417 : i32 to index
    %get3A_419 = arith.constant 0 : index
    %get3A_420 = tpu.vector_load %arg8[%get3A_418, %get3A_419] {strides = array<i32>} : memref<64x16xf32, #tpu.memory_space<vmem>>, vector<1x16xf32>,
    %get3A_421 = vector.shape_cast %get3A_420 : vector<1x16xf32> to vector<16xf32>
    %get3A_422 = arith.constant 7 : i32
    %get3A_423 = arith.index_cast %get3A_422 : i32 to index
    %get3A_424 = arith.constant 0 : index
    %get3A_425 = tpu.vector_load %arg8[%get3A_423, %get3A_424] {strides = array<i32>} : memref<64x16xf32, #tpu.memory_space<vmem>>, vector<1x16xf32>,
    %get3A_426 = vector.shape_cast %get3A_425 : vector<1x16xf32> to vector<16xf32>
    %get3A_427 = arith.constant 8 : i32
    %get3A_428 = arith.index_cast %get3A_427 : i32 to index
    %get3A_429 = arith.constant 0 : index
    %get3A_430 = tpu.vector_load %arg8[%get3A_428, %get3A_429] {strides = array<i32>} : memref<64x16xf32, #tpu.memory_space<vmem>>, vector<1x16xf32>,
    %get3A_431 = vector.shape_cast %get3A_430 : vector<1x16xf32> to vector<16xf32>
    %get3A_432 = arith.constant 9 : i32
    %get3A_433 = arith.index_cast %get3A_432 : i32 to index
    %get3A_434 = arith.constant 0 : index
    %get3A_435 = tpu.vector_load %arg8[%get3A_433, %get3A_434] {strides = array<i32>} : memref<64x16xf32, #tpu.memory_space<vmem>>, vector<1x16xf32>,
    %get3A_436 = vector.shape_cast %get3A_435 : vector<1x16xf32> to vector<16xf32>
    %get3A_437 = arith.constant 10 : i32
    %get3A_438 = arith.index_cast %get3A_437 : i32 to index
    %get3A_439 = arith.constant 0 : index
    %get3A_440 = tpu.vector_load %arg8[%get3A_438, %get3A_439] {strides = array<i32>} : memref<64x16xf32, #tpu.memory_space<vmem>>, vector<1x16xf32>,
    %get3A_441 = vector.shape_cast %get3A_440 : vector<1x16xf32> to vector<16xf32>
    %get3A_442 = arith.constant 11 : i32
    %get3A_443 = arith.index_cast %get3A_442 : i32 to index
    %get3A_444 = arith.constant 0 : index
    %get3A_445 = tpu.vector_load %arg8[%get3A_443, %get3A_444] {strides = array<i32>} : memref<64x16xf32, #tpu.memory_space<vmem>>, vector<1x16xf32>,
    %get3A_446 = vector.shape_cast %get3A_445 : vector<1x16xf32> to vector<16xf32>
    %get3A_447 = arith.constant 12 : i32
    %get3A_448 = arith.index_cast %get3A_447 : i32 to index
    %get3A_449 = arith.constant 0 : index
    %get3A_450 = tpu.vector_load %arg8[%get3A_448, %get3A_449] {strides = array<i32>} : memref<64x16xf32, #tpu.memory_space<vmem>>, vector<1x16xf32>,
    %get3A_451 = vector.shape_cast %get3A_450 : vector<1x16xf32> to vector<16xf32>
    %get3A_452 = arith.constant 13 : i32
    %get3A_453 = arith.index_cast %get3A_452 : i32 to index
    %get3A_454 = arith.constant 0 : index
    %get3A_455 = tpu.vector_load %arg8[%get3A_453, %get3A_454] {strides = array<i32>} : memref<64x16xf32, #tpu.memory_space<vmem>>, vector<1x16xf32>,
    %get3A_456 = vector.shape_cast %get3A_455 : vector<1x16xf32> to vector<16xf32>
    %get3A_457 = arith.constant 14 : i32
    %get3A_458 = arith.index_cast %get3A_457 : i32 to index
    %get3A_459 = arith.constant 0 : index
    %get3A_460 = tpu.vector_load %arg8[%get3A_458, %get3A_459] {strides = array<i32>} : memref<64x16xf32, #tpu.memory_space<vmem>>, vector<1x16xf32>,
    %get3A_461 = vector.shape_cast %get3A_460 : vector<1x16xf32> to vector<16xf32>
    %get3A_462 = arith.constant 15 : i32
    %get3A_463 = arith.index_cast %get3A_462 : i32 to index
    %get3A_464 = arith.constant 0 : index
    %get3A_465 = tpu.vector_load %arg8[%get3A_463, %get3A_464] {strides = array<i32>} : memref<64x16xf32, #tpu.memory_space<vmem>>, vector<1x16xf32>,
    %get3A_466 = vector.shape_cast %get3A_465 : vector<1x16xf32> to vector<16xf32>
    %scan3A_467 = arith.constant 0 : i32
    %scan3A_468 = arith.constant 0 : i32
    %scan3A_469 = arith.constant 128 : i32
    %scan3A_470 = arith.addi %scan3A_468, %scan3A_469 : i32
    %scan3A_471 = arith.constant 1 : i32
    %scan3A_472 = scf.for %scan3A_756 = %scan3A_468 to %scan3A_470 step %scan3A_471 iter_args(%scan3A_757 = %scan3A_467) -> (i32)  : i32 {
      %mul3A_758 = arith.constant 16 : i32
      %mul3A_759 = arith.muli %scan3A_756, %mul3A_758 : i32
      %get3A_760 = arith.index_cast %mul3A_759 : i32 to index
      %get3A_761 = tpu.vector_load %arg10[%get3A_760] {strides = array<i32>} : memref<2048xf32, #tpu.memory_space<vmem>>, vector<16xf32>,
      %get3A_762 = vector.shape_cast %get3A_761 : vector<16xf32> to vector<16xf32>
      %get3A_763 = arith.constant 0 : i32
      %get3A_764 = arith.index_cast %get3A_763 : i32 to index
      %get3A_765 = arith.index_cast %mul3A_759 : i32 to index
      %get3A_766 = tpu.vector_load %arg9[%get3A_764, %get3A_765] {strides = array<i32>} : memref<16x2048xf32, #tpu.memory_space<vmem>>, vector<1x16xf32>,
      %get3A_767 = vector.shape_cast %get3A_766 : vector<1x16xf32> to vector<16xf32>
      %mul3A_768 = arith.mulf %get3A_391, %get3A_767 : vector<16xf32>
      %add3A_769 = arith.addf %get3A_762, %mul3A_768 : vector<16xf32>
      %get3A_770 = arith.constant 1 : i32
      %get3A_771 = arith.index_cast %get3A_770 : i32 to index
      %get3A_772 = arith.index_cast %mul3A_759 : i32 to index
      %get3A_773 = tpu.vector_load %arg9[%get3A_771, %get3A_772] {strides = array<i32>} : memref<16x2048xf32, #tpu.memory_space<vmem>>, vector<1x16xf32>,
      %get3A_774 = vector.shape_cast %get3A_773 : vector<1x16xf32> to vector<16xf32>
      %mul3A_775 = arith.mulf %get3A_396, %get3A_774 : vector<16xf32>
      %add3A_776 = arith.addf %add3A_769, %mul3A_775 : vector<16xf32>
      %get3A_777 = arith.constant 2 : i32
      %get3A_778 = arith.index_cast %get3A_777 : i32 to index
      %get3A_779 = arith.index_cast %mul3A_759 : i32 to index
      %get3A_780 = tpu.vector_load %arg9[%get3A_778, %get3A_779] {strides = array<i32>} : memref<16x2048xf32, #tpu.memory_space<vmem>>, vector<1x16xf32>,
      %get3A_781 = vector.shape_cast %get3A_780 : vector<1x16xf32> to vector<16xf32>
      %mul3A_782 = arith.mulf %get3A_401, %get3A_781 : vector<16xf32>
      %add3A_783 = arith.addf %add3A_776, %mul3A_782 : vector<16xf32>
      %get3A_784 = arith.constant 3 : i32
      %get3A_785 = arith.index_cast %get3A_784 : i32 to index
      %get3A_786 = arith.index_cast %mul3A_759 : i32 to index
      %get3A_787 = tpu.vector_load %arg9[%get3A_785, %get3A_786] {strides = array<i32>} : memref<16x2048xf32, #tpu.memory_space<vmem>>, vector<1x16xf32>,
      %get3A_788 = vector.shape_cast %get3A_787 : vector<1x16xf32> to vector<16xf32>
      %mul3A_789 = arith.mulf %get3A_406, %get3A_788 : vector<16xf32>
      %add3A_790 = arith.addf %add3A_783, %mul3A_789 : vector<16xf32>
      %get3A_791 = arith.constant 4 : i32
      %get3A_792 = arith.index_cast %get3A_791 : i32 to index
      %get3A_793 = arith.index_cast %mul3A_759 : i32 to index
      %get3A_794 = tpu.vector_load %arg9[%get3A_792, %get3A_793] {strides = array<i32>} : memref<16x2048xf32, #tpu.memory_space<vmem>>, vector<1x16xf32>,
      %get3A_795 = vector.shape_cast %get3A_794 : vector<1x16xf32> to vector<16xf32>
      %mul3A_796 = arith.mulf %get3A_411, %get3A_795 : vector<16xf32>
      %add3A_797 = arith.addf %add3A_790, %mul3A_796 : vector<16xf32>
      %get3A_798 = arith.constant 5 : i32
      %get3A_799 = arith.index_cast %get3A_798 : i32 to index
      %get3A_800 = arith.index_cast %mul3A_759 : i32 to index
      %get3A_801 = tpu.vector_load %arg9[%get3A_799, %get3A_800] {strides = array<i32>} : memref<16x2048xf32, #tpu.memory_space<vmem>>, vector<1x16xf32>,
      %get3A_802 = vector.shape_cast %get3A_801 : vector<1x16xf32> to vector<16xf32>
      %mul3A_803 = arith.mulf %get3A_416, %get3A_802 : vector<16xf32>
      %add3A_804 = arith.addf %add3A_797, %mul3A_803 : vector<16xf32>
      %get3A_805 = arith.constant 6 : i32
      %get3A_806 = arith.index_cast %get3A_805 : i32 to index
      %get3A_807 = arith.index_cast %mul3A_759 : i32 to index
      %get3A_808 = tpu.vector_load %arg9[%get3A_806, %get3A_807] {strides = array<i32>} : memref<16x2048xf32, #tpu.memory_space<vmem>>, vector<1x16xf32>,
      %get3A_809 = vector.shape_cast %get3A_808 : vector<1x16xf32> to vector<16xf32>
      %mul3A_810 = arith.mulf %get3A_421, %get3A_809 : vector<16xf32>
      %add3A_811 = arith.addf %add3A_804, %mul3A_810 : vector<16xf32>
      %get3A_812 = arith.constant 7 : i32
      %get3A_813 = arith.index_cast %get3A_812 : i32 to index
      %get3A_814 = arith.index_cast %mul3A_759 : i32 to index
      %get3A_815 = tpu.vector_load %arg9[%get3A_813, %get3A_814] {strides = array<i32>} : memref<16x2048xf32, #tpu.memory_space<vmem>>, vector<1x16xf32>,
      %get3A_816 = vector.shape_cast %get3A_815 : vector<1x16xf32> to vector<16xf32>
      %mul3A_817 = arith.mulf %get3A_426, %get3A_816 : vector<16xf32>
      %add3A_818 = arith.addf %add3A_811, %mul3A_817 : vector<16xf32>
      %get3A_819 = arith.constant 8 : i32
      %get3A_820 = arith.index_cast %get3A_819 : i32 to index
      %get3A_821 = arith.index_cast %mul3A_759 : i32 to index
      %get3A_822 = tpu.vector_load %arg9[%get3A_820, %get3A_821] {strides = array<i32>} : memref<16x2048xf32, #tpu.memory_space<vmem>>, vector<1x16xf32>,
      %get3A_823 = vector.shape_cast %get3A_822 : vector<1x16xf32> to vector<16xf32>
      %mul3A_824 = arith.mulf %get3A_431, %get3A_823 : vector<16xf32>
      %add3A_825 = arith.addf %add3A_818, %mul3A_824 : vector<16xf32>
      %get3A_826 = arith.constant 9 : i32
      %get3A_827 = arith.index_cast %get3A_826 : i32 to index
      %get3A_828 = arith.index_cast %mul3A_759 : i32 to index
      %get3A_829 = tpu.vector_load %arg9[%get3A_827, %get3A_828] {strides = array<i32>} : memref<16x2048xf32, #tpu.memory_space<vmem>>, vector<1x16xf32>,
      %get3A_830 = vector.shape_cast %get3A_829 : vector<1x16xf32> to vector<16xf32>
      %mul3A_831 = arith.mulf %get3A_436, %get3A_830 : vector<16xf32>
      %add3A_832 = arith.addf %add3A_825, %mul3A_831 : vector<16xf32>
      %get3A_833 = arith.constant 10 : i32
      %get3A_834 = arith.index_cast %get3A_833 : i32 to index
      %get3A_835 = arith.index_cast %mul3A_759 : i32 to index
      %get3A_836 = tpu.vector_load %arg9[%get3A_834, %get3A_835] {strides = array<i32>} : memref<16x2048xf32, #tpu.memory_space<vmem>>, vector<1x16xf32>,
      %get3A_837 = vector.shape_cast %get3A_836 : vector<1x16xf32> to vector<16xf32>
      %mul3A_838 = arith.mulf %get3A_441, %get3A_837 : vector<16xf32>
      %add3A_839 = arith.addf %add3A_832, %mul3A_838 : vector<16xf32>
      %get3A_840 = arith.constant 11 : i32
      %get3A_841 = arith.index_cast %get3A_840 : i32 to index
      %get3A_842 = arith.index_cast %mul3A_759 : i32 to index
      %get3A_843 = tpu.vector_load %arg9[%get3A_841, %get3A_842] {strides = array<i32>} : memref<16x2048xf32, #tpu.memory_space<vmem>>, vector<1x16xf32>,
      %get3A_844 = vector.shape_cast %get3A_843 : vector<1x16xf32> to vector<16xf32>
      %mul3A_845 = arith.mulf %get3A_446, %get3A_844 : vector<16xf32>
      %add3A_846 = arith.addf %add3A_839, %mul3A_845 : vector<16xf32>
      %get3A_847 = arith.constant 12 : i32
      %get3A_848 = arith.index_cast %get3A_847 : i32 to index
      %get3A_849 = arith.index_cast %mul3A_759 : i32 to index
      %get3A_850 = tpu.vector_load %arg9[%get3A_848, %get3A_849] {strides = array<i32>} : memref<16x2048xf32, #tpu.memory_space<vmem>>, vector<1x16xf32>,
      %get3A_851 = vector.shape_cast %get3A_850 : vector<1x16xf32> to vector<16xf32>
      %mul3A_852 = arith.mulf %get3A_451, %get3A_851 : vector<16xf32>
      %add3A_853 = arith.addf %add3A_846, %mul3A_852 : vector<16xf32>
      %get3A_854 = arith.constant 13 : i32
      %get3A_855 = arith.index_cast %get3A_854 : i32 to index
      %get3A_856 = arith.index_cast %mul3A_759 : i32 to index
      %get3A_857 = tpu.vector_load %arg9[%get3A_855, %get3A_856] {strides = array<i32>} : memref<16x2048xf32, #tpu.memory_space<vmem>>, vector<1x16xf32>,
      %get3A_858 = vector.shape_cast %get3A_857 : vector<1x16xf32> to vector<16xf32>
      %mul3A_859 = arith.mulf %get3A_456, %get3A_858 : vector<16xf32>
      %add3A_860 = arith.addf %add3A_853, %mul3A_859 : vector<16xf32>
      %get3A_861 = arith.constant 14 : i32
      %get3A_862 = arith.index_cast %get3A_861 : i32 to index
      %get3A_863 = arith.index_cast %mul3A_759 : i32 to index
      %get3A_864 = tpu.vector_load %arg9[%get3A_862, %get3A_863] {strides = array<i32>} : memref<16x2048xf32, #tpu.memory_space<vmem>>, vector<1x16xf32>,
      %get3A_865 = vector.shape_cast %get3A_864 : vector<1x16xf32> to vector<16xf32>
      %mul3A_866 = arith.mulf %get3A_461, %get3A_865 : vector<16xf32>
      %add3A_867 = arith.addf %add3A_860, %mul3A_866 : vector<16xf32>
      %get3A_868 = arith.constant 15 : i32
      %get3A_869 = arith.index_cast %get3A_868 : i32 to index
      %get3A_870 = arith.index_cast %mul3A_759 : i32 to index
      %get3A_871 = tpu.vector_load %arg9[%get3A_869, %get3A_870] {strides = array<i32>} : memref<16x2048xf32, #tpu.memory_space<vmem>>, vector<1x16xf32>,
      %get3A_872 = vector.shape_cast %get3A_871 : vector<1x16xf32> to vector<16xf32>
      %mul3A_873 = arith.mulf %get3A_466, %get3A_872 : vector<16xf32>
      %add3A_874 = arith.addf %add3A_867, %mul3A_873 : vector<16xf32>
      %swap3A = arith.index_cast %mul3A_759 : i32 to index
      %swap3A_875 = tpu.vector_load %arg10[%swap3A] {strides = array<i32>} : memref<2048xf32, #tpu.memory_space<vmem>>, vector<16xf32>,
      %swap3A_876 = vector.shape_cast %swap3A_875 : vector<16xf32> to vector<16xf32>
      %swap3A_877 = vector.shape_cast %add3A_874 : vector<16xf32> to vector<16xf32>
      tpu.vector_store %arg10[%swap3A], %swap3A_877 {strides = array<i32>} : memref<2048xf32, #tpu.memory_space<vmem>>, vector<16xf32>,
      %scan3A_878 = arith.constant 0 : i32
      scf.yield %scan3A_878 : i32
    }
    %scan3A_473 = arith.constant 128 : i32
    %run_scoped3A_474 = arith.constant 1 : i32
    "tpu.region"() ({
      %run_scoped3A_756 = tpu.sem_alloc : memref<!tpu.dma_semaphore, #tpu.memory_space<semaphore_mem>>
      %dma_start3A_757 = arith.constant 0 : i32
      %dma_start3A_758 = tpu.memref_slice %arg2[%add3A_379, %run_scoped3A_474, %dma_start3A_757] : memref<64x4x16xi32, #tpu.memory_space<hbm>> -> memref<1x1x16xi32, #tpu.memory_space<hbm>>
      %dma_start3A_759 = tpu.memref_squeeze %dma_start3A_758 : memref<1x1x16xi32, #tpu.memory_space<hbm>> -> memref<16xi32, #tpu.memory_space<hbm>>
      %dma_start3A_760 = arith.constant 0 : i32
      %dma_start3A_761 = tpu.memref_slice %arg2[%add3A_379, %run_scoped3A_474, %dma_start3A_760] : memref<64x4x16xi32, #tpu.memory_space<hbm>> -> memref<1x1x16xi32, #tpu.memory_space<hbm>>
      %dma_start3A_762 = tpu.memref_squeeze %dma_start3A_761 : memref<1x1x16xi32, #tpu.memory_space<hbm>> -> memref<16xi32, #tpu.memory_space<hbm>>
      tpu.enqueue_dma source(%dma_start3A_762 : memref<16xi32, #tpu.memory_space<hbm>>) target(%arg7 : memref<16xi32, #tpu.memory_space<vmem>>) target_semaphore(%run_scoped3A_756 : memref<!tpu.dma_semaphore, #tpu.memory_space<semaphore_mem>>)
      %dma_wait3A_763 = arith.constant 0 : i32
      %dma_wait3A_764 = tpu.memref_slice %arg2[%add3A_379, %run_scoped3A_474, %dma_wait3A_763] : memref<64x4x16xi32, #tpu.memory_space<hbm>> -> memref<1x1x16xi32, #tpu.memory_space<hbm>>
      %dma_wait3A_765 = tpu.memref_squeeze %dma_wait3A_764 : memref<1x1x16xi32, #tpu.memory_space<hbm>> -> memref<16xi32, #tpu.memory_space<hbm>>
      %dma_wait3A_766 = arith.constant 0 : i32
      %dma_wait3A_767 = tpu.memref_slice %arg2[%add3A_379, %run_scoped3A_474, %dma_wait3A_766] : memref<64x4x16xi32, #tpu.memory_space<hbm>> -> memref<1x1x16xi32, #tpu.memory_space<hbm>>
      %dma_wait3A_768 = tpu.memref_squeeze %dma_wait3A_767 : memref<1x1x16xi32, #tpu.memory_space<hbm>> -> memref<16xi32, #tpu.memory_space<hbm>>
      tpu.wait_dma2 semaphore(%run_scoped3A_756 : memref<!tpu.dma_semaphore, #tpu.memory_space<semaphore_mem>>) src(%dma_wait3A_768 : memref<16xi32, #tpu.memory_space<hbm>>) dst(%arg7 : memref<16xi32, #tpu.memory_space<vmem>>)
      tpu.yield
    }) : () -> ()
    %dma_start3A_475 = arith.constant 0 : i32
    %dma_start3A_476 = arith.constant 0 : i32
    %dma_start3A_477 = tpu.memref_slice %arg4[%dma_start3A_475, %dma_start3A_476] : memref<65536x2048xf32, #tpu.memory_space<hbm>> -> memref<65536x2048xf32, #tpu.memory_space<hbm>>
    tpu.enqueue_indirect_dma source(%dma_start3A_477 : memref<65536x2048xf32, #tpu.memory_space<hbm>>) target(%arg9 : memref<16x2048xf32, #tpu.memory_space<vmem>>) offsets(%arg7 : memref<16xi32, #tpu.memory_space<vmem>>) semaphore(%arg11 : memref<!tpu.dma_semaphore, #tpu.memory_space<semaphore_mem>>)
    %dma_wait3A_478 = arith.constant 0 : i32
    %dma_wait3A_479 = arith.constant 0 : i32
    %dma_wait3A_480 = tpu.memref_slice %arg4[%dma_wait3A_478, %dma_wait3A_479] : memref<65536x2048xf32, #tpu.memory_space<hbm>> -> memref<65536x2048xf32, #tpu.memory_space<hbm>>
    tpu.wait_indirect_dma semaphore(%arg11 : memref<!tpu.dma_semaphore, #tpu.memory_space<semaphore_mem>>) src(%dma_wait3A_480 : memref<65536x2048xf32, #tpu.memory_space<hbm>>) dst(%arg9 : memref<16x2048xf32, #tpu.memory_space<vmem>>)
    %get3A_481 = arith.constant 16 : i32
    %get3A_482 = arith.index_cast %get3A_481 : i32 to index
    %get3A_483 = arith.constant 0 : index
    %get3A_484 = tpu.vector_load %arg8[%get3A_482, %get3A_483] {strides = array<i32>} : memref<64x16xf32, #tpu.memory_space<vmem>>, vector<1x16xf32>,
    %get3A_485 = vector.shape_cast %get3A_484 : vector<1x16xf32> to vector<16xf32>
    %get3A_486 = arith.constant 17 : i32
    %get3A_487 = arith.index_cast %get3A_486 : i32 to index
    %get3A_488 = arith.constant 0 : index
    %get3A_489 = tpu.vector_load %arg8[%get3A_487, %get3A_488] {strides = array<i32>} : memref<64x16xf32, #tpu.memory_space<vmem>>, vector<1x16xf32>,
    %get3A_490 = vector.shape_cast %get3A_489 : vector<1x16xf32> to vector<16xf32>
    %get3A_491 = arith.constant 18 : i32
    %get3A_492 = arith.index_cast %get3A_491 : i32 to index
    %get3A_493 = arith.constant 0 : index
    %get3A_494 = tpu.vector_load %arg8[%get3A_492, %get3A_493] {strides = array<i32>} : memref<64x16xf32, #tpu.memory_space<vmem>>, vector<1x16xf32>,
    %get3A_495 = vector.shape_cast %get3A_494 : vector<1x16xf32> to vector<16xf32>
    %get3A_496 = arith.constant 19 : i32
    %get3A_497 = arith.index_cast %get3A_496 : i32 to index
    %get3A_498 = arith.constant 0 : index
    %get3A_499 = tpu.vector_load %arg8[%get3A_497, %get3A_498] {strides = array<i32>} : memref<64x16xf32, #tpu.memory_space<vmem>>, vector<1x16xf32>,
    %get3A_500 = vector.shape_cast %get3A_499 : vector<1x16xf32> to vector<16xf32>
    %get3A_501 = arith.constant 20 : i32
    %get3A_502 = arith.index_cast %get3A_501 : i32 to index
    %get3A_503 = arith.constant 0 : index
    %get3A_504 = tpu.vector_load %arg8[%get3A_502, %get3A_503] {strides = array<i32>} : memref<64x16xf32, #tpu.memory_space<vmem>>, vector<1x16xf32>,
    %get3A_505 = vector.shape_cast %get3A_504 : vector<1x16xf32> to vector<16xf32>
    %get3A_506 = arith.constant 21 : i32
    %get3A_507 = arith.index_cast %get3A_506 : i32 to index
    %get3A_508 = arith.constant 0 : index
    %get3A_509 = tpu.vector_load %arg8[%get3A_507, %get3A_508] {strides = array<i32>} : memref<64x16xf32, #tpu.memory_space<vmem>>, vector<1x16xf32>,
    %get3A_510 = vector.shape_cast %get3A_509 : vector<1x16xf32> to vector<16xf32>
    %get3A_511 = arith.constant 22 : i32
    %get3A_512 = arith.index_cast %get3A_511 : i32 to index
    %get3A_513 = arith.constant 0 : index
    %get3A_514 = tpu.vector_load %arg8[%get3A_512, %get3A_513] {strides = array<i32>} : memref<64x16xf32, #tpu.memory_space<vmem>>, vector<1x16xf32>,
    %get3A_515 = vector.shape_cast %get3A_514 : vector<1x16xf32> to vector<16xf32>
    %get3A_516 = arith.constant 23 : i32
    %get3A_517 = arith.index_cast %get3A_516 : i32 to index
    %get3A_518 = arith.constant 0 : index
    %get3A_519 = tpu.vector_load %arg8[%get3A_517, %get3A_518] {strides = array<i32>} : memref<64x16xf32, #tpu.memory_space<vmem>>, vector<1x16xf32>,
    %get3A_520 = vector.shape_cast %get3A_519 : vector<1x16xf32> to vector<16xf32>
    %get3A_521 = arith.constant 24 : i32
    %get3A_522 = arith.index_cast %get3A_521 : i32 to index
    %get3A_523 = arith.constant 0 : index
    %get3A_524 = tpu.vector_load %arg8[%get3A_522, %get3A_523] {strides = array<i32>} : memref<64x16xf32, #tpu.memory_space<vmem>>, vector<1x16xf32>,
    %get3A_525 = vector.shape_cast %get3A_524 : vector<1x16xf32> to vector<16xf32>
    %get3A_526 = arith.constant 25 : i32
    %get3A_527 = arith.index_cast %get3A_526 : i32 to index
    %get3A_528 = arith.constant 0 : index
    %get3A_529 = tpu.vector_load %arg8[%get3A_527, %get3A_528] {strides = array<i32>} : memref<64x16xf32, #tpu.memory_space<vmem>>, vector<1x16xf32>,
    %get3A_530 = vector.shape_cast %get3A_529 : vector<1x16xf32> to vector<16xf32>
    %get3A_531 = arith.constant 26 : i32
    %get3A_532 = arith.index_cast %get3A_531 : i32 to index
    %get3A_533 = arith.constant 0 : index
    %get3A_534 = tpu.vector_load %arg8[%get3A_532, %get3A_533] {strides = array<i32>} : memref<64x16xf32, #tpu.memory_space<vmem>>, vector<1x16xf32>,
    %get3A_535 = vector.shape_cast %get3A_534 : vector<1x16xf32> to vector<16xf32>
    %get3A_536 = arith.constant 27 : i32
    %get3A_537 = arith.index_cast %get3A_536 : i32 to index
    %get3A_538 = arith.constant 0 : index
    %get3A_539 = tpu.vector_load %arg8[%get3A_537, %get3A_538] {strides = array<i32>} : memref<64x16xf32, #tpu.memory_space<vmem>>, vector<1x16xf32>,
    %get3A_540 = vector.shape_cast %get3A_539 : vector<1x16xf32> to vector<16xf32>
    %get3A_541 = arith.constant 28 : i32
    %get3A_542 = arith.index_cast %get3A_541 : i32 to index
    %get3A_543 = arith.constant 0 : index
    %get3A_544 = tpu.vector_load %arg8[%get3A_542, %get3A_543] {strides = array<i32>} : memref<64x16xf32, #tpu.memory_space<vmem>>, vector<1x16xf32>,
    %get3A_545 = vector.shape_cast %get3A_544 : vector<1x16xf32> to vector<16xf32>
    %get3A_546 = arith.constant 29 : i32
    %get3A_547 = arith.index_cast %get3A_546 : i32 to index
    %get3A_548 = arith.constant 0 : index
    %get3A_549 = tpu.vector_load %arg8[%get3A_547, %get3A_548] {strides = array<i32>} : memref<64x16xf32, #tpu.memory_space<vmem>>, vector<1x16xf32>,
    %get3A_550 = vector.shape_cast %get3A_549 : vector<1x16xf32> to vector<16xf32>
    %get3A_551 = arith.constant 30 : i32
    %get3A_552 = arith.index_cast %get3A_551 : i32 to index
    %get3A_553 = arith.constant 0 : index
    %get3A_554 = tpu.vector_load %arg8[%get3A_552, %get3A_553] {strides = array<i32>} : memref<64x16xf32, #tpu.memory_space<vmem>>, vector<1x16xf32>,
    %get3A_555 = vector.shape_cast %get3A_554 : vector<1x16xf32> to vector<16xf32>
    %get3A_556 = arith.constant 31 : i32
    %get3A_557 = arith.index_cast %get3A_556 : i32 to index
    %get3A_558 = arith.constant 0 : index
    %get3A_559 = tpu.vector_load %arg8[%get3A_557, %get3A_558] {strides = array<i32>} : memref<64x16xf32, #tpu.memory_space<vmem>>, vector<1x16xf32>,
    %get3A_560 = vector.shape_cast %get3A_559 : vector<1x16xf32> to vector<16xf32>
    %scan3A_561 = arith.constant 0 : i32
    %scan3A_562 = arith.constant 0 : i32
    %scan3A_563 = arith.constant 128 : i32
    %scan3A_564 = arith.addi %scan3A_562, %scan3A_563 : i32
    %scan3A_565 = arith.constant 1 : i32
    %scan3A_566 = scf.for %scan3A_756 = %scan3A_562 to %scan3A_564 step %scan3A_565 iter_args(%scan3A_757 = %scan3A_561) -> (i32)  : i32 {
      %mul3A_758 = arith.constant 16 : i32
      %mul3A_759 = arith.muli %scan3A_756, %mul3A_758 : i32
      %get3A_760 = arith.index_cast %mul3A_759 : i32 to index
      %get3A_761 = tpu.vector_load %arg10[%get3A_760] {strides = array<i32>} : memref<2048xf32, #tpu.memory_space<vmem>>, vector<16xf32>,
      %get3A_762 = vector.shape_cast %get3A_761 : vector<16xf32> to vector<16xf32>
      %get3A_763 = arith.constant 0 : i32
      %get3A_764 = arith.index_cast %get3A_763 : i32 to index
      %get3A_765 = arith.index_cast %mul3A_759 : i32 to index
      %get3A_766 = tpu.vector_load %arg9[%get3A_764, %get3A_765] {strides = array<i32>} : memref<16x2048xf32, #tpu.memory_space<vmem>>, vector<1x16xf32>,
      %get3A_767 = vector.shape_cast %get3A_766 : vector<1x16xf32> to vector<16xf32>
      %mul3A_768 = arith.mulf %get3A_485, %get3A_767 : vector<16xf32>
      %add3A_769 = arith.addf %get3A_762, %mul3A_768 : vector<16xf32>
      %get3A_770 = arith.constant 1 : i32
      %get3A_771 = arith.index_cast %get3A_770 : i32 to index
      %get3A_772 = arith.index_cast %mul3A_759 : i32 to index
      %get3A_773 = tpu.vector_load %arg9[%get3A_771, %get3A_772] {strides = array<i32>} : memref<16x2048xf32, #tpu.memory_space<vmem>>, vector<1x16xf32>,
      %get3A_774 = vector.shape_cast %get3A_773 : vector<1x16xf32> to vector<16xf32>
      %mul3A_775 = arith.mulf %get3A_490, %get3A_774 : vector<16xf32>
      %add3A_776 = arith.addf %add3A_769, %mul3A_775 : vector<16xf32>
      %get3A_777 = arith.constant 2 : i32
      %get3A_778 = arith.index_cast %get3A_777 : i32 to index
      %get3A_779 = arith.index_cast %mul3A_759 : i32 to index
      %get3A_780 = tpu.vector_load %arg9[%get3A_778, %get3A_779] {strides = array<i32>} : memref<16x2048xf32, #tpu.memory_space<vmem>>, vector<1x16xf32>,
      %get3A_781 = vector.shape_cast %get3A_780 : vector<1x16xf32> to vector<16xf32>
      %mul3A_782 = arith.mulf %get3A_495, %get3A_781 : vector<16xf32>
      %add3A_783 = arith.addf %add3A_776, %mul3A_782 : vector<16xf32>
      %get3A_784 = arith.constant 3 : i32
      %get3A_785 = arith.index_cast %get3A_784 : i32 to index
      %get3A_786 = arith.index_cast %mul3A_759 : i32 to index
      %get3A_787 = tpu.vector_load %arg9[%get3A_785, %get3A_786] {strides = array<i32>} : memref<16x2048xf32, #tpu.memory_space<vmem>>, vector<1x16xf32>,
      %get3A_788 = vector.shape_cast %get3A_787 : vector<1x16xf32> to vector<16xf32>
      %mul3A_789 = arith.mulf %get3A_500, %get3A_788 : vector<16xf32>
      %add3A_790 = arith.addf %add3A_783, %mul3A_789 : vector<16xf32>
      %get3A_791 = arith.constant 4 : i32
      %get3A_792 = arith.index_cast %get3A_791 : i32 to index
      %get3A_793 = arith.index_cast %mul3A_759 : i32 to index
      %get3A_794 = tpu.vector_load %arg9[%get3A_792, %get3A_793] {strides = array<i32>} : memref<16x2048xf32, #tpu.memory_space<vmem>>, vector<1x16xf32>,
      %get3A_795 = vector.shape_cast %get3A_794 : vector<1x16xf32> to vector<16xf32>
      %mul3A_796 = arith.mulf %get3A_505, %get3A_795 : vector<16xf32>
      %add3A_797 = arith.addf %add3A_790, %mul3A_796 : vector<16xf32>
      %get3A_798 = arith.constant 5 : i32
      %get3A_799 = arith.index_cast %get3A_798 : i32 to index
      %get3A_800 = arith.index_cast %mul3A_759 : i32 to index
      %get3A_801 = tpu.vector_load %arg9[%get3A_799, %get3A_800] {strides = array<i32>} : memref<16x2048xf32, #tpu.memory_space<vmem>>, vector<1x16xf32>,
      %get3A_802 = vector.shape_cast %get3A_801 : vector<1x16xf32> to vector<16xf32>
      %mul3A_803 = arith.mulf %get3A_510, %get3A_802 : vector<16xf32>
      %add3A_804 = arith.addf %add3A_797, %mul3A_803 : vector<16xf32>
      %get3A_805 = arith.constant 6 : i32
      %get3A_806 = arith.index_cast %get3A_805 : i32 to index
      %get3A_807 = arith.index_cast %mul3A_759 : i32 to index
      %get3A_808 = tpu.vector_load %arg9[%get3A_806, %get3A_807] {strides = array<i32>} : memref<16x2048xf32, #tpu.memory_space<vmem>>, vector<1x16xf32>,
      %get3A_809 = vector.shape_cast %get3A_808 : vector<1x16xf32> to vector<16xf32>
      %mul3A_810 = arith.mulf %get3A_515, %get3A_809 : vector<16xf32>
      %add3A_811 = arith.addf %add3A_804, %mul3A_810 : vector<16xf32>
      %get3A_812 = arith.constant 7 : i32
      %get3A_813 = arith.index_cast %get3A_812 : i32 to index
      %get3A_814 = arith.index_cast %mul3A_759 : i32 to index
      %get3A_815 = tpu.vector_load %arg9[%get3A_813, %get3A_814] {strides = array<i32>} : memref<16x2048xf32, #tpu.memory_space<vmem>>, vector<1x16xf32>,
      %get3A_816 = vector.shape_cast %get3A_815 : vector<1x16xf32> to vector<16xf32>
      %mul3A_817 = arith.mulf %get3A_520, %get3A_816 : vector<16xf32>
      %add3A_818 = arith.addf %add3A_811, %mul3A_817 : vector<16xf32>
      %get3A_819 = arith.constant 8 : i32
      %get3A_820 = arith.index_cast %get3A_819 : i32 to index
      %get3A_821 = arith.index_cast %mul3A_759 : i32 to index
      %get3A_822 = tpu.vector_load %arg9[%get3A_820, %get3A_821] {strides = array<i32>} : memref<16x2048xf32, #tpu.memory_space<vmem>>, vector<1x16xf32>,
      %get3A_823 = vector.shape_cast %get3A_822 : vector<1x16xf32> to vector<16xf32>
      %mul3A_824 = arith.mulf %get3A_525, %get3A_823 : vector<16xf32>
      %add3A_825 = arith.addf %add3A_818, %mul3A_824 : vector<16xf32>
      %get3A_826 = arith.constant 9 : i32
      %get3A_827 = arith.index_cast %get3A_826 : i32 to index
      %get3A_828 = arith.index_cast %mul3A_759 : i32 to index
      %get3A_829 = tpu.vector_load %arg9[%get3A_827, %get3A_828] {strides = array<i32>} : memref<16x2048xf32, #tpu.memory_space<vmem>>, vector<1x16xf32>,
      %get3A_830 = vector.shape_cast %get3A_829 : vector<1x16xf32> to vector<16xf32>
      %mul3A_831 = arith.mulf %get3A_530, %get3A_830 : vector<16xf32>
      %add3A_832 = arith.addf %add3A_825, %mul3A_831 : vector<16xf32>
      %get3A_833 = arith.constant 10 : i32
      %get3A_834 = arith.index_cast %get3A_833 : i32 to index
      %get3A_835 = arith.index_cast %mul3A_759 : i32 to index
      %get3A_836 = tpu.vector_load %arg9[%get3A_834, %get3A_835] {strides = array<i32>} : memref<16x2048xf32, #tpu.memory_space<vmem>>, vector<1x16xf32>,
      %get3A_837 = vector.shape_cast %get3A_836 : vector<1x16xf32> to vector<16xf32>
      %mul3A_838 = arith.mulf %get3A_535, %get3A_837 : vector<16xf32>
      %add3A_839 = arith.addf %add3A_832, %mul3A_838 : vector<16xf32>
      %get3A_840 = arith.constant 11 : i32
      %get3A_841 = arith.index_cast %get3A_840 : i32 to index
      %get3A_842 = arith.index_cast %mul3A_759 : i32 to index
      %get3A_843 = tpu.vector_load %arg9[%get3A_841, %get3A_842] {strides = array<i32>} : memref<16x2048xf32, #tpu.memory_space<vmem>>, vector<1x16xf32>,
      %get3A_844 = vector.shape_cast %get3A_843 : vector<1x16xf32> to vector<16xf32>
      %mul3A_845 = arith.mulf %get3A_540, %get3A_844 : vector<16xf32>
      %add3A_846 = arith.addf %add3A_839, %mul3A_845 : vector<16xf32>
      %get3A_847 = arith.constant 12 : i32
      %get3A_848 = arith.index_cast %get3A_847 : i32 to index
      %get3A_849 = arith.index_cast %mul3A_759 : i32 to index
      %get3A_850 = tpu.vector_load %arg9[%get3A_848, %get3A_849] {strides = array<i32>} : memref<16x2048xf32, #tpu.memory_space<vmem>>, vector<1x16xf32>,
      %get3A_851 = vector.shape_cast %get3A_850 : vector<1x16xf32> to vector<16xf32>
      %mul3A_852 = arith.mulf %get3A_545, %get3A_851 : vector<16xf32>
      %add3A_853 = arith.addf %add3A_846, %mul3A_852 : vector<16xf32>
      %get3A_854 = arith.constant 13 : i32
      %get3A_855 = arith.index_cast %get3A_854 : i32 to index
      %get3A_856 = arith.index_cast %mul3A_759 : i32 to index
      %get3A_857 = tpu.vector_load %arg9[%get3A_855, %get3A_856] {strides = array<i32>} : memref<16x2048xf32, #tpu.memory_space<vmem>>, vector<1x16xf32>,
      %get3A_858 = vector.shape_cast %get3A_857 : vector<1x16xf32> to vector<16xf32>
      %mul3A_859 = arith.mulf %get3A_550, %get3A_858 : vector<16xf32>
      %add3A_860 = arith.addf %add3A_853, %mul3A_859 : vector<16xf32>
      %get3A_861 = arith.constant 14 : i32
      %get3A_862 = arith.index_cast %get3A_861 : i32 to index
      %get3A_863 = arith.index_cast %mul3A_759 : i32 to index
      %get3A_864 = tpu.vector_load %arg9[%get3A_862, %get3A_863] {strides = array<i32>} : memref<16x2048xf32, #tpu.memory_space<vmem>>, vector<1x16xf32>,
      %get3A_865 = vector.shape_cast %get3A_864 : vector<1x16xf32> to vector<16xf32>
      %mul3A_866 = arith.mulf %get3A_555, %get3A_865 : vector<16xf32>
      %add3A_867 = arith.addf %add3A_860, %mul3A_866 : vector<16xf32>
      %get3A_868 = arith.constant 15 : i32
      %get3A_869 = arith.index_cast %get3A_868 : i32 to index
      %get3A_870 = arith.index_cast %mul3A_759 : i32 to index
      %get3A_871 = tpu.vector_load %arg9[%get3A_869, %get3A_870] {strides = array<i32>} : memref<16x2048xf32, #tpu.memory_space<vmem>>, vector<1x16xf32>,
      %get3A_872 = vector.shape_cast %get3A_871 : vector<1x16xf32> to vector<16xf32>
      %mul3A_873 = arith.mulf %get3A_560, %get3A_872 : vector<16xf32>
      %add3A_874 = arith.addf %add3A_867, %mul3A_873 : vector<16xf32>
      %swap3A = arith.index_cast %mul3A_759 : i32 to index
      %swap3A_875 = tpu.vector_load %arg10[%swap3A] {strides = array<i32>} : memref<2048xf32, #tpu.memory_space<vmem>>, vector<16xf32>,
      %swap3A_876 = vector.shape_cast %swap3A_875 : vector<16xf32> to vector<16xf32>
      %swap3A_877 = vector.shape_cast %add3A_874 : vector<16xf32> to vector<16xf32>
      tpu.vector_store %arg10[%swap3A], %swap3A_877 {strides = array<i32>} : memref<2048xf32, #tpu.memory_space<vmem>>, vector<16xf32>,
      %scan3A_878 = arith.constant 0 : i32
      scf.yield %scan3A_878 : i32
    }
    %scan3A_567 = arith.constant 128 : i32
    %run_scoped3A_568 = arith.constant 2 : i32
    "tpu.region"() ({
      %run_scoped3A_756 = tpu.sem_alloc : memref<!tpu.dma_semaphore, #tpu.memory_space<semaphore_mem>>
      %dma_start3A_757 = arith.constant 0 : i32
      %dma_start3A_758 = tpu.memref_slice %arg2[%add3A_379, %run_scoped3A_568, %dma_start3A_757] : memref<64x4x16xi32, #tpu.memory_space<hbm>> -> memref<1x1x16xi32, #tpu.memory_space<hbm>>
      %dma_start3A_759 = tpu.memref_squeeze %dma_start3A_758 : memref<1x1x16xi32, #tpu.memory_space<hbm>> -> memref<16xi32, #tpu.memory_space<hbm>>
      %dma_start3A_760 = arith.constant 0 : i32
      %dma_start3A_761 = tpu.memref_slice %arg2[%add3A_379, %run_scoped3A_568, %dma_start3A_760] : memref<64x4x16xi32, #tpu.memory_space<hbm>> -> memref<1x1x16xi32, #tpu.memory_space<hbm>>
      %dma_start3A_762 = tpu.memref_squeeze %dma_start3A_761 : memref<1x1x16xi32, #tpu.memory_space<hbm>> -> memref<16xi32, #tpu.memory_space<hbm>>
      tpu.enqueue_dma source(%dma_start3A_762 : memref<16xi32, #tpu.memory_space<hbm>>) target(%arg7 : memref<16xi32, #tpu.memory_space<vmem>>) target_semaphore(%run_scoped3A_756 : memref<!tpu.dma_semaphore, #tpu.memory_space<semaphore_mem>>)
      %dma_wait3A_763 = arith.constant 0 : i32
      %dma_wait3A_764 = tpu.memref_slice %arg2[%add3A_379, %run_scoped3A_568, %dma_wait3A_763] : memref<64x4x16xi32, #tpu.memory_space<hbm>> -> memref<1x1x16xi32, #tpu.memory_space<hbm>>
      %dma_wait3A_765 = tpu.memref_squeeze %dma_wait3A_764 : memref<1x1x16xi32, #tpu.memory_space<hbm>> -> memref<16xi32, #tpu.memory_space<hbm>>
      %dma_wait3A_766 = arith.constant 0 : i32
      %dma_wait3A_767 = tpu.memref_slice %arg2[%add3A_379, %run_scoped3A_568, %dma_wait3A_766] : memref<64x4x16xi32, #tpu.memory_space<hbm>> -> memref<1x1x16xi32, #tpu.memory_space<hbm>>
      %dma_wait3A_768 = tpu.memref_squeeze %dma_wait3A_767 : memref<1x1x16xi32, #tpu.memory_space<hbm>> -> memref<16xi32, #tpu.memory_space<hbm>>
      tpu.wait_dma2 semaphore(%run_scoped3A_756 : memref<!tpu.dma_semaphore, #tpu.memory_space<semaphore_mem>>) src(%dma_wait3A_768 : memref<16xi32, #tpu.memory_space<hbm>>) dst(%arg7 : memref<16xi32, #tpu.memory_space<vmem>>)
      tpu.yield
    }) : () -> ()
    %dma_start3A_569 = arith.constant 0 : i32
    %dma_start3A_570 = arith.constant 0 : i32
    %dma_start3A_571 = tpu.memref_slice %arg4[%dma_start3A_569, %dma_start3A_570] : memref<65536x2048xf32, #tpu.memory_space<hbm>> -> memref<65536x2048xf32, #tpu.memory_space<hbm>>
    tpu.enqueue_indirect_dma source(%dma_start3A_571 : memref<65536x2048xf32, #tpu.memory_space<hbm>>) target(%arg9 : memref<16x2048xf32, #tpu.memory_space<vmem>>) offsets(%arg7 : memref<16xi32, #tpu.memory_space<vmem>>) semaphore(%arg11 : memref<!tpu.dma_semaphore, #tpu.memory_space<semaphore_mem>>)
    %dma_wait3A_572 = arith.constant 0 : i32
    %dma_wait3A_573 = arith.constant 0 : i32
    %dma_wait3A_574 = tpu.memref_slice %arg4[%dma_wait3A_572, %dma_wait3A_573] : memref<65536x2048xf32, #tpu.memory_space<hbm>> -> memref<65536x2048xf32, #tpu.memory_space<hbm>>
    tpu.wait_indirect_dma semaphore(%arg11 : memref<!tpu.dma_semaphore, #tpu.memory_space<semaphore_mem>>) src(%dma_wait3A_574 : memref<65536x2048xf32, #tpu.memory_space<hbm>>) dst(%arg9 : memref<16x2048xf32, #tpu.memory_space<vmem>>)
    %get3A_575 = arith.constant 32 : i32
    %get3A_576 = arith.index_cast %get3A_575 : i32 to index
    %get3A_577 = arith.constant 0 : index
    %get3A_578 = tpu.vector_load %arg8[%get3A_576, %get3A_577] {strides = array<i32>} : memref<64x16xf32, #tpu.memory_space<vmem>>, vector<1x16xf32>,
    %get3A_579 = vector.shape_cast %get3A_578 : vector<1x16xf32> to vector<16xf32>
    %get3A_580 = arith.constant 33 : i32
    %get3A_581 = arith.index_cast %get3A_580 : i32 to index
    %get3A_582 = arith.constant 0 : index
    %get3A_583 = tpu.vector_load %arg8[%get3A_581, %get3A_582] {strides = array<i32>} : memref<64x16xf32, #tpu.memory_space<vmem>>, vector<1x16xf32>,
    %get3A_584 = vector.shape_cast %get3A_583 : vector<1x16xf32> to vector<16xf32>
    %get3A_585 = arith.constant 34 : i32
    %get3A_586 = arith.index_cast %get3A_585 : i32 to index
    %get3A_587 = arith.constant 0 : index
    %get3A_588 = tpu.vector_load %arg8[%get3A_586, %get3A_587] {strides = array<i32>} : memref<64x16xf32, #tpu.memory_space<vmem>>, vector<1x16xf32>,
    %get3A_589 = vector.shape_cast %get3A_588 : vector<1x16xf32> to vector<16xf32>
    %get3A_590 = arith.constant 35 : i32
    %get3A_591 = arith.index_cast %get3A_590 : i32 to index
    %get3A_592 = arith.constant 0 : index
    %get3A_593 = tpu.vector_load %arg8[%get3A_591, %get3A_592] {strides = array<i32>} : memref<64x16xf32, #tpu.memory_space<vmem>>, vector<1x16xf32>,
    %get3A_594 = vector.shape_cast %get3A_593 : vector<1x16xf32> to vector<16xf32>
    %get3A_595 = arith.constant 36 : i32
    %get3A_596 = arith.index_cast %get3A_595 : i32 to index
    %get3A_597 = arith.constant 0 : index
    %get3A_598 = tpu.vector_load %arg8[%get3A_596, %get3A_597] {strides = array<i32>} : memref<64x16xf32, #tpu.memory_space<vmem>>, vector<1x16xf32>,
    %get3A_599 = vector.shape_cast %get3A_598 : vector<1x16xf32> to vector<16xf32>
    %get3A_600 = arith.constant 37 : i32
    %get3A_601 = arith.index_cast %get3A_600 : i32 to index
    %get3A_602 = arith.constant 0 : index
    %get3A_603 = tpu.vector_load %arg8[%get3A_601, %get3A_602] {strides = array<i32>} : memref<64x16xf32, #tpu.memory_space<vmem>>, vector<1x16xf32>,
    %get3A_604 = vector.shape_cast %get3A_603 : vector<1x16xf32> to vector<16xf32>
    %get3A_605 = arith.constant 38 : i32
    %get3A_606 = arith.index_cast %get3A_605 : i32 to index
    %get3A_607 = arith.constant 0 : index
    %get3A_608 = tpu.vector_load %arg8[%get3A_606, %get3A_607] {strides = array<i32>} : memref<64x16xf32, #tpu.memory_space<vmem>>, vector<1x16xf32>,
    %get3A_609 = vector.shape_cast %get3A_608 : vector<1x16xf32> to vector<16xf32>
    %get3A_610 = arith.constant 39 : i32
    %get3A_611 = arith.index_cast %get3A_610 : i32 to index
    %get3A_612 = arith.constant 0 : index
    %get3A_613 = tpu.vector_load %arg8[%get3A_611, %get3A_612] {strides = array<i32>} : memref<64x16xf32, #tpu.memory_space<vmem>>, vector<1x16xf32>,
    %get3A_614 = vector.shape_cast %get3A_613 : vector<1x16xf32> to vector<16xf32>
    %get3A_615 = arith.constant 40 : i32
    %get3A_616 = arith.index_cast %get3A_615 : i32 to index
    %get3A_617 = arith.constant 0 : index
    %get3A_618 = tpu.vector_load %arg8[%get3A_616, %get3A_617] {strides = array<i32>} : memref<64x16xf32, #tpu.memory_space<vmem>>, vector<1x16xf32>,
    %get3A_619 = vector.shape_cast %get3A_618 : vector<1x16xf32> to vector<16xf32>
    %get3A_620 = arith.constant 41 : i32
    %get3A_621 = arith.index_cast %get3A_620 : i32 to index
    %get3A_622 = arith.constant 0 : index
    %get3A_623 = tpu.vector_load %arg8[%get3A_621, %get3A_622] {strides = array<i32>} : memref<64x16xf32, #tpu.memory_space<vmem>>, vector<1x16xf32>,
    %get3A_624 = vector.shape_cast %get3A_623 : vector<1x16xf32> to vector<16xf32>
    %get3A_625 = arith.constant 42 : i32
    %get3A_626 = arith.index_cast %get3A_625 : i32 to index
    %get3A_627 = arith.constant 0 : index
    %get3A_628 = tpu.vector_load %arg8[%get3A_626, %get3A_627] {strides = array<i32>} : memref<64x16xf32, #tpu.memory_space<vmem>>, vector<1x16xf32>,
    %get3A_629 = vector.shape_cast %get3A_628 : vector<1x16xf32> to vector<16xf32>
    %get3A_630 = arith.constant 43 : i32
    %get3A_631 = arith.index_cast %get3A_630 : i32 to index
    %get3A_632 = arith.constant 0 : index
    %get3A_633 = tpu.vector_load %arg8[%get3A_631, %get3A_632] {strides = array<i32>} : memref<64x16xf32, #tpu.memory_space<vmem>>, vector<1x16xf32>,
    %get3A_634 = vector.shape_cast %get3A_633 : vector<1x16xf32> to vector<16xf32>
    %get3A_635 = arith.constant 44 : i32
    %get3A_636 = arith.index_cast %get3A_635 : i32 to index
    %get3A_637 = arith.constant 0 : index
    %get3A_638 = tpu.vector_load %arg8[%get3A_636, %get3A_637] {strides = array<i32>} : memref<64x16xf32, #tpu.memory_space<vmem>>, vector<1x16xf32>,
    %get3A_639 = vector.shape_cast %get3A_638 : vector<1x16xf32> to vector<16xf32>
    %get3A_640 = arith.constant 45 : i32
    %get3A_641 = arith.index_cast %get3A_640 : i32 to index
    %get3A_642 = arith.constant 0 : index
    %get3A_643 = tpu.vector_load %arg8[%get3A_641, %get3A_642] {strides = array<i32>} : memref<64x16xf32, #tpu.memory_space<vmem>>, vector<1x16xf32>,
    %get3A_644 = vector.shape_cast %get3A_643 : vector<1x16xf32> to vector<16xf32>
    %get3A_645 = arith.constant 46 : i32
    %get3A_646 = arith.index_cast %get3A_645 : i32 to index
    %get3A_647 = arith.constant 0 : index
    %get3A_648 = tpu.vector_load %arg8[%get3A_646, %get3A_647] {strides = array<i32>} : memref<64x16xf32, #tpu.memory_space<vmem>>, vector<1x16xf32>,
    %get3A_649 = vector.shape_cast %get3A_648 : vector<1x16xf32> to vector<16xf32>
    %get3A_650 = arith.constant 47 : i32
    %get3A_651 = arith.index_cast %get3A_650 : i32 to index
    %get3A_652 = arith.constant 0 : index
    %get3A_653 = tpu.vector_load %arg8[%get3A_651, %get3A_652] {strides = array<i32>} : memref<64x16xf32, #tpu.memory_space<vmem>>, vector<1x16xf32>,
    %get3A_654 = vector.shape_cast %get3A_653 : vector<1x16xf32> to vector<16xf32>
    %scan3A_655 = arith.constant 0 : i32
    %scan3A_656 = arith.constant 0 : i32
    %scan3A_657 = arith.constant 128 : i32
    %scan3A_658 = arith.addi %scan3A_656, %scan3A_657 : i32
    %scan3A_659 = arith.constant 1 : i32
    %scan3A_660 = scf.for %scan3A_756 = %scan3A_656 to %scan3A_658 step %scan3A_659 iter_args(%scan3A_757 = %scan3A_655) -> (i32)  : i32 {
      %mul3A_758 = arith.constant 16 : i32
      %mul3A_759 = arith.muli %scan3A_756, %mul3A_758 : i32
      %get3A_760 = arith.index_cast %mul3A_759 : i32 to index
      %get3A_761 = tpu.vector_load %arg10[%get3A_760] {strides = array<i32>} : memref<2048xf32, #tpu.memory_space<vmem>>, vector<16xf32>,
      %get3A_762 = vector.shape_cast %get3A_761 : vector<16xf32> to vector<16xf32>
      %get3A_763 = arith.constant 0 : i32
      %get3A_764 = arith.index_cast %get3A_763 : i32 to index
      %get3A_765 = arith.index_cast %mul3A_759 : i32 to index
      %get3A_766 = tpu.vector_load %arg9[%get3A_764, %get3A_765] {strides = array<i32>} : memref<16x2048xf32, #tpu.memory_space<vmem>>, vector<1x16xf32>,
      %get3A_767 = vector.shape_cast %get3A_766 : vector<1x16xf32> to vector<16xf32>
      %mul3A_768 = arith.mulf %get3A_579, %get3A_767 : vector<16xf32>
      %add3A_769 = arith.addf %get3A_762, %mul3A_768 : vector<16xf32>
      %get3A_770 = arith.constant 1 : i32
      %get3A_771 = arith.index_cast %get3A_770 : i32 to index
      %get3A_772 = arith.index_cast %mul3A_759 : i32 to index
      %get3A_773 = tpu.vector_load %arg9[%get3A_771, %get3A_772] {strides = array<i32>} : memref<16x2048xf32, #tpu.memory_space<vmem>>, vector<1x16xf32>,
      %get3A_774 = vector.shape_cast %get3A_773 : vector<1x16xf32> to vector<16xf32>
      %mul3A_775 = arith.mulf %get3A_584, %get3A_774 : vector<16xf32>
      %add3A_776 = arith.addf %add3A_769, %mul3A_775 : vector<16xf32>
      %get3A_777 = arith.constant 2 : i32
      %get3A_778 = arith.index_cast %get3A_777 : i32 to index
      %get3A_779 = arith.index_cast %mul3A_759 : i32 to index
      %get3A_780 = tpu.vector_load %arg9[%get3A_778, %get3A_779] {strides = array<i32>} : memref<16x2048xf32, #tpu.memory_space<vmem>>, vector<1x16xf32>,
      %get3A_781 = vector.shape_cast %get3A_780 : vector<1x16xf32> to vector<16xf32>
      %mul3A_782 = arith.mulf %get3A_589, %get3A_781 : vector<16xf32>
      %add3A_783 = arith.addf %add3A_776, %mul3A_782 : vector<16xf32>
      %get3A_784 = arith.constant 3 : i32
      %get3A_785 = arith.index_cast %get3A_784 : i32 to index
      %get3A_786 = arith.index_cast %mul3A_759 : i32 to index
      %get3A_787 = tpu.vector_load %arg9[%get3A_785, %get3A_786] {strides = array<i32>} : memref<16x2048xf32, #tpu.memory_space<vmem>>, vector<1x16xf32>,
      %get3A_788 = vector.shape_cast %get3A_787 : vector<1x16xf32> to vector<16xf32>
      %mul3A_789 = arith.mulf %get3A_594, %get3A_788 : vector<16xf32>
      %add3A_790 = arith.addf %add3A_783, %mul3A_789 : vector<16xf32>
      %get3A_791 = arith.constant 4 : i32
      %get3A_792 = arith.index_cast %get3A_791 : i32 to index
      %get3A_793 = arith.index_cast %mul3A_759 : i32 to index
      %get3A_794 = tpu.vector_load %arg9[%get3A_792, %get3A_793] {strides = array<i32>} : memref<16x2048xf32, #tpu.memory_space<vmem>>, vector<1x16xf32>,
      %get3A_795 = vector.shape_cast %get3A_794 : vector<1x16xf32> to vector<16xf32>
      %mul3A_796 = arith.mulf %get3A_599, %get3A_795 : vector<16xf32>
      %add3A_797 = arith.addf %add3A_790, %mul3A_796 : vector<16xf32>
      %get3A_798 = arith.constant 5 : i32
      %get3A_799 = arith.index_cast %get3A_798 : i32 to index
      %get3A_800 = arith.index_cast %mul3A_759 : i32 to index
      %get3A_801 = tpu.vector_load %arg9[%get3A_799, %get3A_800] {strides = array<i32>} : memref<16x2048xf32, #tpu.memory_space<vmem>>, vector<1x16xf32>,
      %get3A_802 = vector.shape_cast %get3A_801 : vector<1x16xf32> to vector<16xf32>
      %mul3A_803 = arith.mulf %get3A_604, %get3A_802 : vector<16xf32>
      %add3A_804 = arith.addf %add3A_797, %mul3A_803 : vector<16xf32>
      %get3A_805 = arith.constant 6 : i32
      %get3A_806 = arith.index_cast %get3A_805 : i32 to index
      %get3A_807 = arith.index_cast %mul3A_759 : i32 to index
      %get3A_808 = tpu.vector_load %arg9[%get3A_806, %get3A_807] {strides = array<i32>} : memref<16x2048xf32, #tpu.memory_space<vmem>>, vector<1x16xf32>,
      %get3A_809 = vector.shape_cast %get3A_808 : vector<1x16xf32> to vector<16xf32>
      %mul3A_810 = arith.mulf %get3A_609, %get3A_809 : vector<16xf32>
      %add3A_811 = arith.addf %add3A_804, %mul3A_810 : vector<16xf32>
      %get3A_812 = arith.constant 7 : i32
      %get3A_813 = arith.index_cast %get3A_812 : i32 to index
      %get3A_814 = arith.index_cast %mul3A_759 : i32 to index
      %get3A_815 = tpu.vector_load %arg9[%get3A_813, %get3A_814] {strides = array<i32>} : memref<16x2048xf32, #tpu.memory_space<vmem>>, vector<1x16xf32>,
      %get3A_816 = vector.shape_cast %get3A_815 : vector<1x16xf32> to vector<16xf32>
      %mul3A_817 = arith.mulf %get3A_614, %get3A_816 : vector<16xf32>
      %add3A_818 = arith.addf %add3A_811, %mul3A_817 : vector<16xf32>
      %get3A_819 = arith.constant 8 : i32
      %get3A_820 = arith.index_cast %get3A_819 : i32 to index
      %get3A_821 = arith.index_cast %mul3A_759 : i32 to index
      %get3A_822 = tpu.vector_load %arg9[%get3A_820, %get3A_821] {strides = array<i32>} : memref<16x2048xf32, #tpu.memory_space<vmem>>, vector<1x16xf32>,
      %get3A_823 = vector.shape_cast %get3A_822 : vector<1x16xf32> to vector<16xf32>
      %mul3A_824 = arith.mulf %get3A_619, %get3A_823 : vector<16xf32>
      %add3A_825 = arith.addf %add3A_818, %mul3A_824 : vector<16xf32>
      %get3A_826 = arith.constant 9 : i32
      %get3A_827 = arith.index_cast %get3A_826 : i32 to index
      %get3A_828 = arith.index_cast %mul3A_759 : i32 to index
      %get3A_829 = tpu.vector_load %arg9[%get3A_827, %get3A_828] {strides = array<i32>} : memref<16x2048xf32, #tpu.memory_space<vmem>>, vector<1x16xf32>,
      %get3A_830 = vector.shape_cast %get3A_829 : vector<1x16xf32> to vector<16xf32>
      %mul3A_831 = arith.mulf %get3A_624, %get3A_830 : vector<16xf32>
      %add3A_832 = arith.addf %add3A_825, %mul3A_831 : vector<16xf32>
      %get3A_833 = arith.constant 10 : i32
      %get3A_834 = arith.index_cast %get3A_833 : i32 to index
      %get3A_835 = arith.index_cast %mul3A_759 : i32 to index
      %get3A_836 = tpu.vector_load %arg9[%get3A_834, %get3A_835] {strides = array<i32>} : memref<16x2048xf32, #tpu.memory_space<vmem>>, vector<1x16xf32>,
      %get3A_837 = vector.shape_cast %get3A_836 : vector<1x16xf32> to vector<16xf32>
      %mul3A_838 = arith.mulf %get3A_629, %get3A_837 : vector<16xf32>
      %add3A_839 = arith.addf %add3A_832, %mul3A_838 : vector<16xf32>
      %get3A_840 = arith.constant 11 : i32
      %get3A_841 = arith.index_cast %get3A_840 : i32 to index
      %get3A_842 = arith.index_cast %mul3A_759 : i32 to index
      %get3A_843 = tpu.vector_load %arg9[%get3A_841, %get3A_842] {strides = array<i32>} : memref<16x2048xf32, #tpu.memory_space<vmem>>, vector<1x16xf32>,
      %get3A_844 = vector.shape_cast %get3A_843 : vector<1x16xf32> to vector<16xf32>
      %mul3A_845 = arith.mulf %get3A_634, %get3A_844 : vector<16xf32>
      %add3A_846 = arith.addf %add3A_839, %mul3A_845 : vector<16xf32>
      %get3A_847 = arith.constant 12 : i32
      %get3A_848 = arith.index_cast %get3A_847 : i32 to index
      %get3A_849 = arith.index_cast %mul3A_759 : i32 to index
      %get3A_850 = tpu.vector_load %arg9[%get3A_848, %get3A_849] {strides = array<i32>} : memref<16x2048xf32, #tpu.memory_space<vmem>>, vector<1x16xf32>,
      %get3A_851 = vector.shape_cast %get3A_850 : vector<1x16xf32> to vector<16xf32>
      %mul3A_852 = arith.mulf %get3A_639, %get3A_851 : vector<16xf32>
      %add3A_853 = arith.addf %add3A_846, %mul3A_852 : vector<16xf32>
      %get3A_854 = arith.constant 13 : i32
      %get3A_855 = arith.index_cast %get3A_854 : i32 to index
      %get3A_856 = arith.index_cast %mul3A_759 : i32 to index
      %get3A_857 = tpu.vector_load %arg9[%get3A_855, %get3A_856] {strides = array<i32>} : memref<16x2048xf32, #tpu.memory_space<vmem>>, vector<1x16xf32>,
      %get3A_858 = vector.shape_cast %get3A_857 : vector<1x16xf32> to vector<16xf32>
      %mul3A_859 = arith.mulf %get3A_644, %get3A_858 : vector<16xf32>
      %add3A_860 = arith.addf %add3A_853, %mul3A_859 : vector<16xf32>
      %get3A_861 = arith.constant 14 : i32
      %get3A_862 = arith.index_cast %get3A_861 : i32 to index
      %get3A_863 = arith.index_cast %mul3A_759 : i32 to index
      %get3A_864 = tpu.vector_load %arg9[%get3A_862, %get3A_863] {strides = array<i32>} : memref<16x2048xf32, #tpu.memory_space<vmem>>, vector<1x16xf32>,
      %get3A_865 = vector.shape_cast %get3A_864 : vector<1x16xf32> to vector<16xf32>
      %mul3A_866 = arith.mulf %get3A_649, %get3A_865 : vector<16xf32>
      %add3A_867 = arith.addf %add3A_860, %mul3A_866 : vector<16xf32>
      %get3A_868 = arith.constant 15 : i32
      %get3A_869 = arith.index_cast %get3A_868 : i32 to index
      %get3A_870 = arith.index_cast %mul3A_759 : i32 to index
      %get3A_871 = tpu.vector_load %arg9[%get3A_869, %get3A_870] {strides = array<i32>} : memref<16x2048xf32, #tpu.memory_space<vmem>>, vector<1x16xf32>,
      %get3A_872 = vector.shape_cast %get3A_871 : vector<1x16xf32> to vector<16xf32>
      %mul3A_873 = arith.mulf %get3A_654, %get3A_872 : vector<16xf32>
      %add3A_874 = arith.addf %add3A_867, %mul3A_873 : vector<16xf32>
      %swap3A = arith.index_cast %mul3A_759 : i32 to index
      %swap3A_875 = tpu.vector_load %arg10[%swap3A] {strides = array<i32>} : memref<2048xf32, #tpu.memory_space<vmem>>, vector<16xf32>,
      %swap3A_876 = vector.shape_cast %swap3A_875 : vector<16xf32> to vector<16xf32>
      %swap3A_877 = vector.shape_cast %add3A_874 : vector<16xf32> to vector<16xf32>
      tpu.vector_store %arg10[%swap3A], %swap3A_877 {strides = array<i32>} : memref<2048xf32, #tpu.memory_space<vmem>>, vector<16xf32>,
      %scan3A_878 = arith.constant 0 : i32
      scf.yield %scan3A_878 : i32
    }
    %scan3A_661 = arith.constant 128 : i32
    %run_scoped3A_662 = arith.constant 3 : i32
    "tpu.region"() ({
      %run_scoped3A_756 = tpu.sem_alloc : memref<!tpu.dma_semaphore, #tpu.memory_space<semaphore_mem>>
      %dma_start3A_757 = arith.constant 0 : i32
      %dma_start3A_758 = tpu.memref_slice %arg2[%add3A_379, %run_scoped3A_662, %dma_start3A_757] : memref<64x4x16xi32, #tpu.memory_space<hbm>> -> memref<1x1x16xi32, #tpu.memory_space<hbm>>
      %dma_start3A_759 = tpu.memref_squeeze %dma_start3A_758 : memref<1x1x16xi32, #tpu.memory_space<hbm>> -> memref<16xi32, #tpu.memory_space<hbm>>
      %dma_start3A_760 = arith.constant 0 : i32
      %dma_start3A_761 = tpu.memref_slice %arg2[%add3A_379, %run_scoped3A_662, %dma_start3A_760] : memref<64x4x16xi32, #tpu.memory_space<hbm>> -> memref<1x1x16xi32, #tpu.memory_space<hbm>>
      %dma_start3A_762 = tpu.memref_squeeze %dma_start3A_761 : memref<1x1x16xi32, #tpu.memory_space<hbm>> -> memref<16xi32, #tpu.memory_space<hbm>>
      tpu.enqueue_dma source(%dma_start3A_762 : memref<16xi32, #tpu.memory_space<hbm>>) target(%arg7 : memref<16xi32, #tpu.memory_space<vmem>>) target_semaphore(%run_scoped3A_756 : memref<!tpu.dma_semaphore, #tpu.memory_space<semaphore_mem>>)
      %dma_wait3A_763 = arith.constant 0 : i32
      %dma_wait3A_764 = tpu.memref_slice %arg2[%add3A_379, %run_scoped3A_662, %dma_wait3A_763] : memref<64x4x16xi32, #tpu.memory_space<hbm>> -> memref<1x1x16xi32, #tpu.memory_space<hbm>>
      %dma_wait3A_765 = tpu.memref_squeeze %dma_wait3A_764 : memref<1x1x16xi32, #tpu.memory_space<hbm>> -> memref<16xi32, #tpu.memory_space<hbm>>
      %dma_wait3A_766 = arith.constant 0 : i32
      %dma_wait3A_767 = tpu.memref_slice %arg2[%add3A_379, %run_scoped3A_662, %dma_wait3A_766] : memref<64x4x16xi32, #tpu.memory_space<hbm>> -> memref<1x1x16xi32, #tpu.memory_space<hbm>>
      %dma_wait3A_768 = tpu.memref_squeeze %dma_wait3A_767 : memref<1x1x16xi32, #tpu.memory_space<hbm>> -> memref<16xi32, #tpu.memory_space<hbm>>
      tpu.wait_dma2 semaphore(%run_scoped3A_756 : memref<!tpu.dma_semaphore, #tpu.memory_space<semaphore_mem>>) src(%dma_wait3A_768 : memref<16xi32, #tpu.memory_space<hbm>>) dst(%arg7 : memref<16xi32, #tpu.memory_space<vmem>>)
      tpu.yield
    }) : () -> ()
    %dma_start3A_663 = arith.constant 0 : i32
    %dma_start3A_664 = arith.constant 0 : i32
    %dma_start3A_665 = tpu.memref_slice %arg4[%dma_start3A_663, %dma_start3A_664] : memref<65536x2048xf32, #tpu.memory_space<hbm>> -> memref<65536x2048xf32, #tpu.memory_space<hbm>>
    tpu.enqueue_indirect_dma source(%dma_start3A_665 : memref<65536x2048xf32, #tpu.memory_space<hbm>>) target(%arg9 : memref<16x2048xf32, #tpu.memory_space<vmem>>) offsets(%arg7 : memref<16xi32, #tpu.memory_space<vmem>>) semaphore(%arg11 : memref<!tpu.dma_semaphore, #tpu.memory_space<semaphore_mem>>)
    %dma_wait3A_666 = arith.constant 0 : i32
    %dma_wait3A_667 = arith.constant 0 : i32
    %dma_wait3A_668 = tpu.memref_slice %arg4[%dma_wait3A_666, %dma_wait3A_667] : memref<65536x2048xf32, #tpu.memory_space<hbm>> -> memref<65536x2048xf32, #tpu.memory_space<hbm>>
    tpu.wait_indirect_dma semaphore(%arg11 : memref<!tpu.dma_semaphore, #tpu.memory_space<semaphore_mem>>) src(%dma_wait3A_668 : memref<65536x2048xf32, #tpu.memory_space<hbm>>) dst(%arg9 : memref<16x2048xf32, #tpu.memory_space<vmem>>)
    %get3A_669 = arith.constant 48 : i32
    %get3A_670 = arith.index_cast %get3A_669 : i32 to index
    %get3A_671 = arith.constant 0 : index
    %get3A_672 = tpu.vector_load %arg8[%get3A_670, %get3A_671] {strides = array<i32>} : memref<64x16xf32, #tpu.memory_space<vmem>>, vector<1x16xf32>,
    %get3A_673 = vector.shape_cast %get3A_672 : vector<1x16xf32> to vector<16xf32>
    %get3A_674 = arith.constant 49 : i32
    %get3A_675 = arith.index_cast %get3A_674 : i32 to index
    %get3A_676 = arith.constant 0 : index
    %get3A_677 = tpu.vector_load %arg8[%get3A_675, %get3A_676] {strides = array<i32>} : memref<64x16xf32, #tpu.memory_space<vmem>>, vector<1x16xf32>,
    %get3A_678 = vector.shape_cast %get3A_677 : vector<1x16xf32> to vector<16xf32>
    %get3A_679 = arith.constant 50 : i32
    %get3A_680 = arith.index_cast %get3A_679 : i32 to index
    %get3A_681 = arith.constant 0 : index
    %get3A_682 = tpu.vector_load %arg8[%get3A_680, %get3A_681] {strides = array<i32>} : memref<64x16xf32, #tpu.memory_space<vmem>>, vector<1x16xf32>,
    %get3A_683 = vector.shape_cast %get3A_682 : vector<1x16xf32> to vector<16xf32>
    %get3A_684 = arith.constant 51 : i32
    %get3A_685 = arith.index_cast %get3A_684 : i32 to index
    %get3A_686 = arith.constant 0 : index
    %get3A_687 = tpu.vector_load %arg8[%get3A_685, %get3A_686] {strides = array<i32>} : memref<64x16xf32, #tpu.memory_space<vmem>>, vector<1x16xf32>,
    %get3A_688 = vector.shape_cast %get3A_687 : vector<1x16xf32> to vector<16xf32>
    %get3A_689 = arith.constant 52 : i32
    %get3A_690 = arith.index_cast %get3A_689 : i32 to index
    %get3A_691 = arith.constant 0 : index
    %get3A_692 = tpu.vector_load %arg8[%get3A_690, %get3A_691] {strides = array<i32>} : memref<64x16xf32, #tpu.memory_space<vmem>>, vector<1x16xf32>,
    %get3A_693 = vector.shape_cast %get3A_692 : vector<1x16xf32> to vector<16xf32>
    %get3A_694 = arith.constant 53 : i32
    %get3A_695 = arith.index_cast %get3A_694 : i32 to index
    %get3A_696 = arith.constant 0 : index
    %get3A_697 = tpu.vector_load %arg8[%get3A_695, %get3A_696] {strides = array<i32>} : memref<64x16xf32, #tpu.memory_space<vmem>>, vector<1x16xf32>,
    %get3A_698 = vector.shape_cast %get3A_697 : vector<1x16xf32> to vector<16xf32>
    %get3A_699 = arith.constant 54 : i32
    %get3A_700 = arith.index_cast %get3A_699 : i32 to index
    %get3A_701 = arith.constant 0 : index
    %get3A_702 = tpu.vector_load %arg8[%get3A_700, %get3A_701] {strides = array<i32>} : memref<64x16xf32, #tpu.memory_space<vmem>>, vector<1x16xf32>,
    %get3A_703 = vector.shape_cast %get3A_702 : vector<1x16xf32> to vector<16xf32>
    %get3A_704 = arith.constant 55 : i32
    %get3A_705 = arith.index_cast %get3A_704 : i32 to index
    %get3A_706 = arith.constant 0 : index
    %get3A_707 = tpu.vector_load %arg8[%get3A_705, %get3A_706] {strides = array<i32>} : memref<64x16xf32, #tpu.memory_space<vmem>>, vector<1x16xf32>,
    %get3A_708 = vector.shape_cast %get3A_707 : vector<1x16xf32> to vector<16xf32>
    %get3A_709 = arith.constant 56 : i32
    %get3A_710 = arith.index_cast %get3A_709 : i32 to index
    %get3A_711 = arith.constant 0 : index
    %get3A_712 = tpu.vector_load %arg8[%get3A_710, %get3A_711] {strides = array<i32>} : memref<64x16xf32, #tpu.memory_space<vmem>>, vector<1x16xf32>,
    %get3A_713 = vector.shape_cast %get3A_712 : vector<1x16xf32> to vector<16xf32>
    %get3A_714 = arith.constant 57 : i32
    %get3A_715 = arith.index_cast %get3A_714 : i32 to index
    %get3A_716 = arith.constant 0 : index
    %get3A_717 = tpu.vector_load %arg8[%get3A_715, %get3A_716] {strides = array<i32>} : memref<64x16xf32, #tpu.memory_space<vmem>>, vector<1x16xf32>,
    %get3A_718 = vector.shape_cast %get3A_717 : vector<1x16xf32> to vector<16xf32>
    %get3A_719 = arith.constant 58 : i32
    %get3A_720 = arith.index_cast %get3A_719 : i32 to index
    %get3A_721 = arith.constant 0 : index
    %get3A_722 = tpu.vector_load %arg8[%get3A_720, %get3A_721] {strides = array<i32>} : memref<64x16xf32, #tpu.memory_space<vmem>>, vector<1x16xf32>,
    %get3A_723 = vector.shape_cast %get3A_722 : vector<1x16xf32> to vector<16xf32>
    %get3A_724 = arith.constant 59 : i32
    %get3A_725 = arith.index_cast %get3A_724 : i32 to index
    %get3A_726 = arith.constant 0 : index
    %get3A_727 = tpu.vector_load %arg8[%get3A_725, %get3A_726] {strides = array<i32>} : memref<64x16xf32, #tpu.memory_space<vmem>>, vector<1x16xf32>,
    %get3A_728 = vector.shape_cast %get3A_727 : vector<1x16xf32> to vector<16xf32>
    %get3A_729 = arith.constant 60 : i32
    %get3A_730 = arith.index_cast %get3A_729 : i32 to index
    %get3A_731 = arith.constant 0 : index
    %get3A_732 = tpu.vector_load %arg8[%get3A_730, %get3A_731] {strides = array<i32>} : memref<64x16xf32, #tpu.memory_space<vmem>>, vector<1x16xf32>,
    %get3A_733 = vector.shape_cast %get3A_732 : vector<1x16xf32> to vector<16xf32>
    %get3A_734 = arith.constant 61 : i32
    %get3A_735 = arith.index_cast %get3A_734 : i32 to index
    %get3A_736 = arith.constant 0 : index
    %get3A_737 = tpu.vector_load %arg8[%get3A_735, %get3A_736] {strides = array<i32>} : memref<64x16xf32, #tpu.memory_space<vmem>>, vector<1x16xf32>,
    %get3A_738 = vector.shape_cast %get3A_737 : vector<1x16xf32> to vector<16xf32>
    %get3A_739 = arith.constant 62 : i32
    %get3A_740 = arith.index_cast %get3A_739 : i32 to index
    %get3A_741 = arith.constant 0 : index
    %get3A_742 = tpu.vector_load %arg8[%get3A_740, %get3A_741] {strides = array<i32>} : memref<64x16xf32, #tpu.memory_space<vmem>>, vector<1x16xf32>,
    %get3A_743 = vector.shape_cast %get3A_742 : vector<1x16xf32> to vector<16xf32>
    %get3A_744 = arith.constant 63 : i32
    %get3A_745 = arith.index_cast %get3A_744 : i32 to index
    %get3A_746 = arith.constant 0 : index
    %get3A_747 = tpu.vector_load %arg8[%get3A_745, %get3A_746] {strides = array<i32>} : memref<64x16xf32, #tpu.memory_space<vmem>>, vector<1x16xf32>,
    %get3A_748 = vector.shape_cast %get3A_747 : vector<1x16xf32> to vector<16xf32>
    %scan3A_749 = arith.constant 0 : i32
    %scan3A_750 = arith.constant 0 : i32
    %scan3A_751 = arith.constant 128 : i32
    %scan3A_752 = arith.addi %scan3A_750, %scan3A_751 : i32
    %scan3A_753 = arith.constant 1 : i32
    %scan3A_754 = scf.for %scan3A_756 = %scan3A_750 to %scan3A_752 step %scan3A_753 iter_args(%scan3A_757 = %scan3A_749) -> (i32)  : i32 {
      %mul3A_758 = arith.constant 16 : i32
      %mul3A_759 = arith.muli %scan3A_756, %mul3A_758 : i32
      %get3A_760 = arith.index_cast %mul3A_759 : i32 to index
      %get3A_761 = tpu.vector_load %arg10[%get3A_760] {strides = array<i32>} : memref<2048xf32, #tpu.memory_space<vmem>>, vector<16xf32>,
      %get3A_762 = vector.shape_cast %get3A_761 : vector<16xf32> to vector<16xf32>
      %get3A_763 = arith.constant 0 : i32
      %get3A_764 = arith.index_cast %get3A_763 : i32 to index
      %get3A_765 = arith.index_cast %mul3A_759 : i32 to index
      %get3A_766 = tpu.vector_load %arg9[%get3A_764, %get3A_765] {strides = array<i32>} : memref<16x2048xf32, #tpu.memory_space<vmem>>, vector<1x16xf32>,
      %get3A_767 = vector.shape_cast %get3A_766 : vector<1x16xf32> to vector<16xf32>
      %mul3A_768 = arith.mulf %get3A_673, %get3A_767 : vector<16xf32>
      %add3A_769 = arith.addf %get3A_762, %mul3A_768 : vector<16xf32>
      %get3A_770 = arith.constant 1 : i32
      %get3A_771 = arith.index_cast %get3A_770 : i32 to index
      %get3A_772 = arith.index_cast %mul3A_759 : i32 to index
      %get3A_773 = tpu.vector_load %arg9[%get3A_771, %get3A_772] {strides = array<i32>} : memref<16x2048xf32, #tpu.memory_space<vmem>>, vector<1x16xf32>,
      %get3A_774 = vector.shape_cast %get3A_773 : vector<1x16xf32> to vector<16xf32>
      %mul3A_775 = arith.mulf %get3A_678, %get3A_774 : vector<16xf32>
      %add3A_776 = arith.addf %add3A_769, %mul3A_775 : vector<16xf32>
      %get3A_777 = arith.constant 2 : i32
      %get3A_778 = arith.index_cast %get3A_777 : i32 to index
      %get3A_779 = arith.index_cast %mul3A_759 : i32 to index
      %get3A_780 = tpu.vector_load %arg9[%get3A_778, %get3A_779] {strides = array<i32>} : memref<16x2048xf32, #tpu.memory_space<vmem>>, vector<1x16xf32>,
      %get3A_781 = vector.shape_cast %get3A_780 : vector<1x16xf32> to vector<16xf32>
      %mul3A_782 = arith.mulf %get3A_683, %get3A_781 : vector<16xf32>
      %add3A_783 = arith.addf %add3A_776, %mul3A_782 : vector<16xf32>
      %get3A_784 = arith.constant 3 : i32
      %get3A_785 = arith.index_cast %get3A_784 : i32 to index
      %get3A_786 = arith.index_cast %mul3A_759 : i32 to index
      %get3A_787 = tpu.vector_load %arg9[%get3A_785, %get3A_786] {strides = array<i32>} : memref<16x2048xf32, #tpu.memory_space<vmem>>, vector<1x16xf32>,
      %get3A_788 = vector.shape_cast %get3A_787 : vector<1x16xf32> to vector<16xf32>
      %mul3A_789 = arith.mulf %get3A_688, %get3A_788 : vector<16xf32>
      %add3A_790 = arith.addf %add3A_783, %mul3A_789 : vector<16xf32>
      %get3A_791 = arith.constant 4 : i32
      %get3A_792 = arith.index_cast %get3A_791 : i32 to index
      %get3A_793 = arith.index_cast %mul3A_759 : i32 to index
      %get3A_794 = tpu.vector_load %arg9[%get3A_792, %get3A_793] {strides = array<i32>} : memref<16x2048xf32, #tpu.memory_space<vmem>>, vector<1x16xf32>,
      %get3A_795 = vector.shape_cast %get3A_794 : vector<1x16xf32> to vector<16xf32>
      %mul3A_796 = arith.mulf %get3A_693, %get3A_795 : vector<16xf32>
      %add3A_797 = arith.addf %add3A_790, %mul3A_796 : vector<16xf32>
      %get3A_798 = arith.constant 5 : i32
      %get3A_799 = arith.index_cast %get3A_798 : i32 to index
      %get3A_800 = arith.index_cast %mul3A_759 : i32 to index
      %get3A_801 = tpu.vector_load %arg9[%get3A_799, %get3A_800] {strides = array<i32>} : memref<16x2048xf32, #tpu.memory_space<vmem>>, vector<1x16xf32>,
      %get3A_802 = vector.shape_cast %get3A_801 : vector<1x16xf32> to vector<16xf32>
      %mul3A_803 = arith.mulf %get3A_698, %get3A_802 : vector<16xf32>
      %add3A_804 = arith.addf %add3A_797, %mul3A_803 : vector<16xf32>
      %get3A_805 = arith.constant 6 : i32
      %get3A_806 = arith.index_cast %get3A_805 : i32 to index
      %get3A_807 = arith.index_cast %mul3A_759 : i32 to index
      %get3A_808 = tpu.vector_load %arg9[%get3A_806, %get3A_807] {strides = array<i32>} : memref<16x2048xf32, #tpu.memory_space<vmem>>, vector<1x16xf32>,
      %get3A_809 = vector.shape_cast %get3A_808 : vector<1x16xf32> to vector<16xf32>
      %mul3A_810 = arith.mulf %get3A_703, %get3A_809 : vector<16xf32>
      %add3A_811 = arith.addf %add3A_804, %mul3A_810 : vector<16xf32>
      %get3A_812 = arith.constant 7 : i32
      %get3A_813 = arith.index_cast %get3A_812 : i32 to index
      %get3A_814 = arith.index_cast %mul3A_759 : i32 to index
      %get3A_815 = tpu.vector_load %arg9[%get3A_813, %get3A_814] {strides = array<i32>} : memref<16x2048xf32, #tpu.memory_space<vmem>>, vector<1x16xf32>,
      %get3A_816 = vector.shape_cast %get3A_815 : vector<1x16xf32> to vector<16xf32>
      %mul3A_817 = arith.mulf %get3A_708, %get3A_816 : vector<16xf32>
      %add3A_818 = arith.addf %add3A_811, %mul3A_817 : vector<16xf32>
      %get3A_819 = arith.constant 8 : i32
      %get3A_820 = arith.index_cast %get3A_819 : i32 to index
      %get3A_821 = arith.index_cast %mul3A_759 : i32 to index
      %get3A_822 = tpu.vector_load %arg9[%get3A_820, %get3A_821] {strides = array<i32>} : memref<16x2048xf32, #tpu.memory_space<vmem>>, vector<1x16xf32>,
      %get3A_823 = vector.shape_cast %get3A_822 : vector<1x16xf32> to vector<16xf32>
      %mul3A_824 = arith.mulf %get3A_713, %get3A_823 : vector<16xf32>
      %add3A_825 = arith.addf %add3A_818, %mul3A_824 : vector<16xf32>
      %get3A_826 = arith.constant 9 : i32
      %get3A_827 = arith.index_cast %get3A_826 : i32 to index
      %get3A_828 = arith.index_cast %mul3A_759 : i32 to index
      %get3A_829 = tpu.vector_load %arg9[%get3A_827, %get3A_828] {strides = array<i32>} : memref<16x2048xf32, #tpu.memory_space<vmem>>, vector<1x16xf32>,
      %get3A_830 = vector.shape_cast %get3A_829 : vector<1x16xf32> to vector<16xf32>
      %mul3A_831 = arith.mulf %get3A_718, %get3A_830 : vector<16xf32>
      %add3A_832 = arith.addf %add3A_825, %mul3A_831 : vector<16xf32>
      %get3A_833 = arith.constant 10 : i32
      %get3A_834 = arith.index_cast %get3A_833 : i32 to index
      %get3A_835 = arith.index_cast %mul3A_759 : i32 to index
      %get3A_836 = tpu.vector_load %arg9[%get3A_834, %get3A_835] {strides = array<i32>} : memref<16x2048xf32, #tpu.memory_space<vmem>>, vector<1x16xf32>,
      %get3A_837 = vector.shape_cast %get3A_836 : vector<1x16xf32> to vector<16xf32>
      %mul3A_838 = arith.mulf %get3A_723, %get3A_837 : vector<16xf32>
      %add3A_839 = arith.addf %add3A_832, %mul3A_838 : vector<16xf32>
      %get3A_840 = arith.constant 11 : i32
      %get3A_841 = arith.index_cast %get3A_840 : i32 to index
      %get3A_842 = arith.index_cast %mul3A_759 : i32 to index
      %get3A_843 = tpu.vector_load %arg9[%get3A_841, %get3A_842] {strides = array<i32>} : memref<16x2048xf32, #tpu.memory_space<vmem>>, vector<1x16xf32>,
      %get3A_844 = vector.shape_cast %get3A_843 : vector<1x16xf32> to vector<16xf32>
      %mul3A_845 = arith.mulf %get3A_728, %get3A_844 : vector<16xf32>
      %add3A_846 = arith.addf %add3A_839, %mul3A_845 : vector<16xf32>
      %get3A_847 = arith.constant 12 : i32
      %get3A_848 = arith.index_cast %get3A_847 : i32 to index
      %get3A_849 = arith.index_cast %mul3A_759 : i32 to index
      %get3A_850 = tpu.vector_load %arg9[%get3A_848, %get3A_849] {strides = array<i32>} : memref<16x2048xf32, #tpu.memory_space<vmem>>, vector<1x16xf32>,
      %get3A_851 = vector.shape_cast %get3A_850 : vector<1x16xf32> to vector<16xf32>
      %mul3A_852 = arith.mulf %get3A_733, %get3A_851 : vector<16xf32>
      %add3A_853 = arith.addf %add3A_846, %mul3A_852 : vector<16xf32>
      %get3A_854 = arith.constant 13 : i32
      %get3A_855 = arith.index_cast %get3A_854 : i32 to index
      %get3A_856 = arith.index_cast %mul3A_759 : i32 to index
      %get3A_857 = tpu.vector_load %arg9[%get3A_855, %get3A_856] {strides = array<i32>} : memref<16x2048xf32, #tpu.memory_space<vmem>>, vector<1x16xf32>,
      %get3A_858 = vector.shape_cast %get3A_857 : vector<1x16xf32> to vector<16xf32>
      %mul3A_859 = arith.mulf %get3A_738, %get3A_858 : vector<16xf32>
      %add3A_860 = arith.addf %add3A_853, %mul3A_859 : vector<16xf32>
      %get3A_861 = arith.constant 14 : i32
      %get3A_862 = arith.index_cast %get3A_861 : i32 to index
      %get3A_863 = arith.index_cast %mul3A_759 : i32 to index
      %get3A_864 = tpu.vector_load %arg9[%get3A_862, %get3A_863] {strides = array<i32>} : memref<16x2048xf32, #tpu.memory_space<vmem>>, vector<1x16xf32>,
      %get3A_865 = vector.shape_cast %get3A_864 : vector<1x16xf32> to vector<16xf32>
      %mul3A_866 = arith.mulf %get3A_743, %get3A_865 : vector<16xf32>
      %add3A_867 = arith.addf %add3A_860, %mul3A_866 : vector<16xf32>
      %get3A_868 = arith.constant 15 : i32
      %get3A_869 = arith.index_cast %get3A_868 : i32 to index
      %get3A_870 = arith.index_cast %mul3A_759 : i32 to index
      %get3A_871 = tpu.vector_load %arg9[%get3A_869, %get3A_870] {strides = array<i32>} : memref<16x2048xf32, #tpu.memory_space<vmem>>, vector<1x16xf32>,
      %get3A_872 = vector.shape_cast %get3A_871 : vector<1x16xf32> to vector<16xf32>
      %mul3A_873 = arith.mulf %get3A_748, %get3A_872 : vector<16xf32>
      %add3A_874 = arith.addf %add3A_867, %mul3A_873 : vector<16xf32>
      %swap3A = arith.index_cast %mul3A_759 : i32 to index
      %swap3A_875 = tpu.vector_load %arg10[%swap3A] {strides = array<i32>} : memref<2048xf32, #tpu.memory_space<vmem>>, vector<16xf32>,
      %swap3A_876 = vector.shape_cast %swap3A_875 : vector<16xf32> to vector<16xf32>
      %swap3A_877 = vector.shape_cast %add3A_874 : vector<16xf32> to vector<16xf32>
      tpu.vector_store %arg10[%swap3A], %swap3A_877 {strides = array<i32>} : memref<2048xf32, #tpu.memory_space<vmem>>, vector<16xf32>,
      %scan3A_878 = arith.constant 0 : i32
      scf.yield %scan3A_878 : i32
    }
    %scan3A_755 = arith.constant 128 : i32
    "tpu.region"() ({
      %run_scoped3A_756 = tpu.sem_alloc : memref<!tpu.dma_semaphore, #tpu.memory_space<semaphore_mem>>
      %dma_start3A_757 = arith.constant 0 : i32
      %dma_start3A_758 = tpu.memref_slice %arg6[%add3A_379, %dma_start3A_757] : memref<64x2048xf32, #tpu.memory_space<hbm>> -> memref<1x2048xf32, #tpu.memory_space<hbm>>
      %dma_start3A_759 = tpu.memref_squeeze %dma_start3A_758 : memref<1x2048xf32, #tpu.memory_space<hbm>> -> memref<2048xf32, #tpu.memory_space<hbm>>
      %dma_start3A_760 = arith.constant 0 : i32
      %dma_start3A_761 = tpu.memref_slice %arg6[%add3A_379, %dma_start3A_760] : memref<64x2048xf32, #tpu.memory_space<hbm>> -> memref<1x2048xf32, #tpu.memory_space<hbm>>
      %dma_start3A_762 = tpu.memref_squeeze %dma_start3A_761 : memref<1x2048xf32, #tpu.memory_space<hbm>> -> memref<2048xf32, #tpu.memory_space<hbm>>
      tpu.enqueue_dma source(%arg10 : memref<2048xf32, #tpu.memory_space<vmem>>) target(%dma_start3A_762 : memref<2048xf32, #tpu.memory_space<hbm>>) target_semaphore(%run_scoped3A_756 : memref<!tpu.dma_semaphore, #tpu.memory_space<semaphore_mem>>)
      %dma_wait3A_763 = arith.constant 0 : i32
      %dma_wait3A_764 = tpu.memref_slice %arg6[%add3A_379, %dma_wait3A_763] : memref<64x2048xf32, #tpu.memory_space<hbm>> -> memref<1x2048xf32, #tpu.memory_space<hbm>>
      %dma_wait3A_765 = tpu.memref_squeeze %dma_wait3A_764 : memref<1x2048xf32, #tpu.memory_space<hbm>> -> memref<2048xf32, #tpu.memory_space<hbm>>
      %dma_wait3A_766 = arith.constant 0 : i32
      %dma_wait3A_767 = tpu.memref_slice %arg6[%add3A_379, %dma_wait3A_766] : memref<64x2048xf32, #tpu.memory_space<hbm>> -> memref<1x2048xf32, #tpu.memory_space<hbm>>
      %dma_wait3A_768 = tpu.memref_squeeze %dma_wait3A_767 : memref<1x2048xf32, #tpu.memory_space<hbm>> -> memref<2048xf32, #tpu.memory_space<hbm>>
      tpu.wait_dma2 semaphore(%run_scoped3A_756 : memref<!tpu.dma_semaphore, #tpu.memory_space<semaphore_mem>>) src(%arg10 : memref<2048xf32, #tpu.memory_space<vmem>>) dst(%dma_wait3A_768 : memref<2048xf32, #tpu.memory_space<hbm>>)
      tpu.yield
    }) : () -> ()
    return
  }
}

module attributes {stable_mosaic.version = 14 : i64} {
  func.func @_encode_block(%arg0: i32, %arg1: memref<64x2048xf32, #tpu.memory_space<vmem>>, %arg2: memref<1x2048xf32, #tpu.memory_space<vmem>>, %arg3: memref<2048x1024xf32, #tpu.memory_space<vmem>>, %arg4: memref<1x1024xf32, #tpu.memory_space<vmem>>, %arg5: memref<64x1024xf32, #tpu.memory_space<vmem>>) attributes {dimension_semantics = [#tpu.dimension_semantics<arbitrary>], iteration_bounds = array<i64: 64>, scalar_prefetch = 0 : i64, scratch_operands = 0 : i64, tpu.core_type = #tpu.core_type<tc>, window_params = [{pipeline_mode = #tpu.pipeline_mode<synchronous>, transform_indices = @transform_0, window_bounds = array<i64: 64, 2048>}, {pipeline_mode = #tpu.pipeline_mode<synchronous>, transform_indices = @transform_1, window_bounds = array<i64: 1, 2048>}, {transform_indices = @transform_2, window_bounds = array<i64: 2048, 1024>}, {transform_indices = @transform_3, window_bounds = array<i64: 1, 1024>}, {transform_indices = @transform_4, window_bounds = array<i64: 64, 1024>}]} {
    %get3A = arith.constant 0 : index
    %get3A_0 = arith.constant 0 : index
    %get3A_1 = vector.load %arg1[%get3A, %get3A_0] : memref<64x2048xf32, #tpu.memory_space<vmem>>, vector<64x2048xf32>
    %get3A_2 = arith.constant 0 : index
    %get3A_3 = arith.constant 0 : index
    %get3A_4 = vector.load %arg2[%get3A_2, %get3A_3] : memref<1x2048xf32, #tpu.memory_space<vmem>>, vector<1x2048xf32>
    %sub3A = vector.broadcast %get3A_4 : vector<1x2048xf32> to vector<64x2048xf32>
    %sub3A_5 = arith.subf %get3A_1, %sub3A : vector<64x2048xf32>
    %get3A_6 = arith.constant 0 : index
    %get3A_7 = arith.constant 0 : index
    %get3A_8 = vector.load %arg3[%get3A_6, %get3A_7] : memref<2048x1024xf32, #tpu.memory_space<vmem>>, vector<2048x1024xf32>
    %dot_general3A = arith.constant dense<0.000000e+00> : vector<64x1024xf32>
    %dot_general3A_9 = tpu.matmul %sub3A_5, %get3A_8, %dot_general3A {dimension_numbers = #tpu.dot_dimension_numbers<[1], [0], [0], [1], [0, 0, 1, 1], [], []>, transpose_lhs_hint = false} : vector<64x2048xf32>, vector<2048x1024xf32>, vector<64x1024xf32> -> vector<64x1024xf32>
    %get3A_10 = arith.constant 0 : index
    %get3A_11 = arith.constant 0 : index
    %get3A_12 = vector.load %arg4[%get3A_10, %get3A_11] : memref<1x1024xf32, #tpu.memory_space<vmem>>, vector<1x1024xf32>
    %add3A = vector.broadcast %get3A_12 : vector<1x1024xf32> to vector<64x1024xf32>
    %add3A_13 = arith.addf %dot_general3A_9, %add3A : vector<64x1024xf32>
    %swap3A = arith.constant 0 : index
    %swap3A_14 = arith.constant 0 : index
    %swap3A_15 = vector.load %arg5[%swap3A, %swap3A_14] : memref<64x1024xf32, #tpu.memory_space<vmem>>, vector<64x1024xf32>
    tpu.vector_store %arg5[%swap3A, %swap3A_14], %add3A_13 {strides = array<i32>} : memref<64x1024xf32, #tpu.memory_space<vmem>>, vector<64x1024xf32>,
    return
  }
  func.func @transform_0(%arg0: i32) -> (i32, i32) {
    %c0_i32 = arith.constant 0 : i32
    %c0_i32_0 = arith.constant 0 : i32
    %c0_i32_1 = arith.constant 0 : i32
    return %c0_i32, %c0_i32_0 : i32, i32
  }
  func.func @transform_1(%arg0: i32) -> (i32, i32) {
    %c0_i32 = arith.constant 0 : i32
    %c0_i32_0 = arith.constant 0 : i32
    %c0_i32_1 = arith.constant 0 : i32
    return %c0_i32, %c0_i32_0 : i32, i32
  }
  func.func @transform_2(%arg0: i32) -> (i32, i32) {
    %c0_i32 = arith.constant 0 : i32
    %c0_i32_0 = arith.constant 0 : i32
    return %c0_i32, %arg0 : i32, i32
  }
  func.func @transform_3(%arg0: i32) -> (i32, i32) {
    %c0_i32 = arith.constant 0 : i32
    %c0_i32_0 = arith.constant 0 : i32
    return %c0_i32, %arg0 : i32, i32
  }
  func.func @transform_4(%arg0: i32) -> (i32, i32) {
    %c0_i32 = arith.constant 0 : i32
    %c0_i32_0 = arith.constant 0 : i32
    return %c0_i32, %arg0 : i32, i32
  }
}

module attributes {stable_mosaic.version = 14 : i64} {
  func.func @_topk_block(%arg0: i32, %arg1: memref<8x65536xf32, #tpu.memory_space<vmem>>, %arg2: memref<8x64xf32, #tpu.memory_space<vmem>>, %arg3: memref<8x64xi32, #tpu.memory_space<vmem>>, %arg4: memref<8x65536xf32, #tpu.memory_space<vmem>>) attributes {dimension_semantics = [#tpu.dimension_semantics<arbitrary>], iteration_bounds = array<i64: 8>, scalar_prefetch = 0 : i64, scratch_operands = 0 : i64, tpu.core_type = #tpu.core_type<tc>, window_params = [{transform_indices = @transform_0, window_bounds = array<i64: 8, 65536>}, {transform_indices = @transform_1, window_bounds = array<i64: 8, 64>}, {transform_indices = @transform_2, window_bounds = array<i64: 8, 64>}, {transform_indices = @transform_3, window_bounds = array<i64: 8, 65536>}]} {
    %get3A = arith.constant 0 : index
    %get3A_0 = arith.constant 0 : index
    %get3A_1 = vector.load %arg1[%get3A, %get3A_0] : memref<8x65536xf32, #tpu.memory_space<vmem>>, vector<8x65536xf32>
    %max3A = arith.constant 0.000000e+00 : f32
    %max3A_2 = vector.broadcast %max3A : f32 to vector<8x65536xf32>
    %max3A_3 = arith.maximumf %get3A_1, %max3A_2 : vector<8x65536xf32>
    %reshape3A = vector.shape_cast %max3A_3 : vector<8x65536xf32> to vector<8x512x128xf32>
    %iota3A = tpu.iota {dimensions = array<i32: 1>} : vector<8x512x128xi32>
    %mul3A = arith.constant 128 : i32
    %mul3A_4 = vector.broadcast %mul3A : i32 to vector<8x512x128xi32>
    %mul3A_5 = arith.muli %iota3A, %mul3A_4 : vector<8x512x128xi32>
    %iota3A_6 = tpu.iota {dimensions = array<i32: 2>} : vector<8x512x128xi32>
    %add3A = arith.addi %mul3A_5, %iota3A_6 : vector<8x512x128xi32>
    %reduce_max3A = arith.constant dense<0xFF800000> : vector<8x512xf32>
    %reduce_max3A_7 = vector.multi_reduction <maximumf>, %reshape3A, %reduce_max3A [2] : vector<8x512x128xf32> to vector<8x512xf32>
    %broadcast_in_dim3A = vector.shape_cast %reduce_max3A_7 : vector<8x512xf32> to vector<8x512x1xf32>
    %eq3A = vector.broadcast %broadcast_in_dim3A : vector<8x512x1xf32> to vector<8x512x128xf32>
    %eq3A_8 = arith.cmpf oeq, %reshape3A, %eq3A : vector<8x512x128xf32>
    %jit3A = arith.constant 65536 : i32
    %broadcast_in_dim3A_9 = vector.broadcast %jit3A : i32 to vector<8x512x128xi32>
    %select_n3A = arith.select %eq3A_8, %add3A, %broadcast_in_dim3A_9 : vector<8x512x128xi1>, vector<8x512x128xi32>
    %reduce_min3A = arith.constant dense<2147483647> : vector<8x512xi32>
    %reduce_min3A_10 = vector.multi_reduction <minsi>, %select_n3A, %reduce_min3A [2] : vector<8x512x128xi32> to vector<8x512xi32>
    %broadcast_in_dim3A_11 = vector.shape_cast %reduce_min3A_10 : vector<8x512xi32> to vector<8x512x1xi32>
    %squeeze3A = vector.shape_cast %broadcast_in_dim3A : vector<8x512x1xf32> to vector<8x512xf32>
    %squeeze3A_12 = vector.shape_cast %broadcast_in_dim3A_11 : vector<8x512x1xi32> to vector<8x512xi32>
    %eq3A_13 = vector.broadcast %broadcast_in_dim3A_11 : vector<8x512x1xi32> to vector<8x512x128xi32>
    %eq3A_14 = arith.cmpi eq, %select_n3A, %eq3A_13 : vector<8x512x128xi32>
    %jit3A_15 = arith.constant -1.000000e+00 : f32
    %broadcast_in_dim3A_16 = vector.broadcast %jit3A_15 : f32 to vector<8x512x128xf32>
    %select_n3A_17 = arith.select %eq3A_14, %broadcast_in_dim3A_16, %reshape3A : vector<8x512x128xi1>, vector<8x512x128xf32>
    %reduce_max3A_18 = arith.constant dense<0xFF800000> : vector<8x512xf32>
    %reduce_max3A_19 = vector.multi_reduction <maximumf>, %select_n3A_17, %reduce_max3A_18 [2] : vector<8x512x128xf32> to vector<8x512xf32>
    %broadcast_in_dim3A_20 = vector.shape_cast %reduce_max3A_19 : vector<8x512xf32> to vector<8x512x1xf32>
    %eq3A_21 = vector.broadcast %broadcast_in_dim3A_20 : vector<8x512x1xf32> to vector<8x512x128xf32>
    %eq3A_22 = arith.cmpf oeq, %select_n3A_17, %eq3A_21 : vector<8x512x128xf32>
    %jit3A_23 = arith.constant 65536 : i32
    %broadcast_in_dim3A_24 = vector.broadcast %jit3A_23 : i32 to vector<8x512x128xi32>
    %select_n3A_25 = arith.select %eq3A_22, %add3A, %broadcast_in_dim3A_24 : vector<8x512x128xi1>, vector<8x512x128xi32>
    %reduce_min3A_26 = arith.constant dense<2147483647> : vector<8x512xi32>
    %reduce_min3A_27 = vector.multi_reduction <minsi>, %select_n3A_25, %reduce_min3A_26 [2] : vector<8x512x128xi32> to vector<8x512xi32>
    %broadcast_in_dim3A_28 = vector.shape_cast %reduce_min3A_27 : vector<8x512xi32> to vector<8x512x1xi32>
    %squeeze3A_29 = vector.shape_cast %broadcast_in_dim3A_20 : vector<8x512x1xf32> to vector<8x512xf32>
    %squeeze3A_30 = vector.shape_cast %broadcast_in_dim3A_28 : vector<8x512x1xi32> to vector<8x512xi32>
    %eq3A_31 = vector.broadcast %broadcast_in_dim3A_28 : vector<8x512x1xi32> to vector<8x512x128xi32>
    %eq3A_32 = arith.cmpi eq, %select_n3A_25, %eq3A_31 : vector<8x512x128xi32>
    %jit3A_33 = arith.constant -1.000000e+00 : f32
    %broadcast_in_dim3A_34 = vector.broadcast %jit3A_33 : f32 to vector<8x512x128xf32>
    %select_n3A_35 = arith.select %eq3A_32, %broadcast_in_dim3A_34, %select_n3A_17 : vector<8x512x128xi1>, vector<8x512x128xf32>
    %reduce_max3A_36 = arith.constant dense<0xFF800000> : vector<8x512xf32>
    %reduce_max3A_37 = vector.multi_reduction <maximumf>, %select_n3A_35, %reduce_max3A_36 [2] : vector<8x512x128xf32> to vector<8x512xf32>
    %broadcast_in_dim3A_38 = vector.shape_cast %reduce_max3A_37 : vector<8x512xf32> to vector<8x512x1xf32>
    %eq3A_39 = vector.broadcast %broadcast_in_dim3A_38 : vector<8x512x1xf32> to vector<8x512x128xf32>
    %eq3A_40 = arith.cmpf oeq, %select_n3A_35, %eq3A_39 : vector<8x512x128xf32>
    %jit3A_41 = arith.constant 65536 : i32
    %broadcast_in_dim3A_42 = vector.broadcast %jit3A_41 : i32 to vector<8x512x128xi32>
    %select_n3A_43 = arith.select %eq3A_40, %add3A, %broadcast_in_dim3A_42 : vector<8x512x128xi1>, vector<8x512x128xi32>
    %reduce_min3A_44 = arith.constant dense<2147483647> : vector<8x512xi32>
    %reduce_min3A_45 = vector.multi_reduction <minsi>, %select_n3A_43, %reduce_min3A_44 [2] : vector<8x512x128xi32> to vector<8x512xi32>
    %broadcast_in_dim3A_46 = vector.shape_cast %reduce_min3A_45 : vector<8x512xi32> to vector<8x512x1xi32>
    %squeeze3A_47 = vector.shape_cast %broadcast_in_dim3A_38 : vector<8x512x1xf32> to vector<8x512xf32>
    %squeeze3A_48 = vector.shape_cast %broadcast_in_dim3A_46 : vector<8x512x1xi32> to vector<8x512xi32>
    %eq3A_49 = vector.broadcast %broadcast_in_dim3A_46 : vector<8x512x1xi32> to vector<8x512x128xi32>
    %eq3A_50 = arith.cmpi eq, %select_n3A_43, %eq3A_49 : vector<8x512x128xi32>
    %jit3A_51 = arith.constant -1.000000e+00 : f32
    %broadcast_in_dim3A_52 = vector.broadcast %jit3A_51 : f32 to vector<8x512x128xf32>
    %select_n3A_53 = arith.select %eq3A_50, %broadcast_in_dim3A_52, %select_n3A_35 : vector<8x512x128xi1>, vector<8x512x128xf32>
    %reduce_max3A_54 = arith.constant dense<0xFF800000> : vector<8x512xf32>
    %reduce_max3A_55 = vector.multi_reduction <maximumf>, %select_n3A_53, %reduce_max3A_54 [2] : vector<8x512x128xf32> to vector<8x512xf32>
    %broadcast_in_dim3A_56 = vector.shape_cast %reduce_max3A_55 : vector<8x512xf32> to vector<8x512x1xf32>
    %eq3A_57 = vector.broadcast %broadcast_in_dim3A_56 : vector<8x512x1xf32> to vector<8x512x128xf32>
    %eq3A_58 = arith.cmpf oeq, %select_n3A_53, %eq3A_57 : vector<8x512x128xf32>
    %jit3A_59 = arith.constant 65536 : i32
    %broadcast_in_dim3A_60 = vector.broadcast %jit3A_59 : i32 to vector<8x512x128xi32>
    %select_n3A_61 = arith.select %eq3A_58, %add3A, %broadcast_in_dim3A_60 : vector<8x512x128xi1>, vector<8x512x128xi32>
    %reduce_min3A_62 = arith.constant dense<2147483647> : vector<8x512xi32>
    %reduce_min3A_63 = vector.multi_reduction <minsi>, %select_n3A_61, %reduce_min3A_62 [2] : vector<8x512x128xi32> to vector<8x512xi32>
    %broadcast_in_dim3A_64 = vector.shape_cast %reduce_min3A_63 : vector<8x512xi32> to vector<8x512x1xi32>
    %squeeze3A_65 = vector.shape_cast %broadcast_in_dim3A_56 : vector<8x512x1xf32> to vector<8x512xf32>
    %squeeze3A_66 = vector.shape_cast %broadcast_in_dim3A_64 : vector<8x512x1xi32> to vector<8x512xi32>
    %eq3A_67 = vector.broadcast %broadcast_in_dim3A_64 : vector<8x512x1xi32> to vector<8x512x128xi32>
    %eq3A_68 = arith.cmpi eq, %select_n3A_61, %eq3A_67 : vector<8x512x128xi32>
    %jit3A_69 = arith.constant -1.000000e+00 : f32
    %broadcast_in_dim3A_70 = vector.broadcast %jit3A_69 : f32 to vector<8x512x128xf32>
    %select_n3A_71 = arith.select %eq3A_68, %broadcast_in_dim3A_70, %select_n3A_53 : vector<8x512x128xi1>, vector<8x512x128xf32>
    %reduce_max3A_72 = arith.constant dense<0xFF800000> : vector<8x512xf32>
    %reduce_max3A_73 = vector.multi_reduction <maximumf>, %select_n3A_71, %reduce_max3A_72 [2] : vector<8x512x128xf32> to vector<8x512xf32>
    %broadcast_in_dim3A_74 = vector.shape_cast %reduce_max3A_73 : vector<8x512xf32> to vector<8x512x1xf32>
    %eq3A_75 = vector.broadcast %broadcast_in_dim3A_74 : vector<8x512x1xf32> to vector<8x512x128xf32>
    %eq3A_76 = arith.cmpf oeq, %select_n3A_71, %eq3A_75 : vector<8x512x128xf32>
    %jit3A_77 = arith.constant 65536 : i32
    %broadcast_in_dim3A_78 = vector.broadcast %jit3A_77 : i32 to vector<8x512x128xi32>
    %select_n3A_79 = arith.select %eq3A_76, %add3A, %broadcast_in_dim3A_78 : vector<8x512x128xi1>, vector<8x512x128xi32>
    %reduce_min3A_80 = arith.constant dense<2147483647> : vector<8x512xi32>
    %reduce_min3A_81 = vector.multi_reduction <minsi>, %select_n3A_79, %reduce_min3A_80 [2] : vector<8x512x128xi32> to vector<8x512xi32>
    %broadcast_in_dim3A_82 = vector.shape_cast %reduce_min3A_81 : vector<8x512xi32> to vector<8x512x1xi32>
    %squeeze3A_83 = vector.shape_cast %broadcast_in_dim3A_74 : vector<8x512x1xf32> to vector<8x512xf32>
    %squeeze3A_84 = vector.shape_cast %broadcast_in_dim3A_82 : vector<8x512x1xi32> to vector<8x512xi32>
    %eq3A_85 = vector.broadcast %broadcast_in_dim3A_82 : vector<8x512x1xi32> to vector<8x512x128xi32>
    %eq3A_86 = arith.cmpi eq, %select_n3A_79, %eq3A_85 : vector<8x512x128xi32>
    %jit3A_87 = arith.constant -1.000000e+00 : f32
    %broadcast_in_dim3A_88 = vector.broadcast %jit3A_87 : f32 to vector<8x512x128xf32>
    %select_n3A_89 = arith.select %eq3A_86, %broadcast_in_dim3A_88, %select_n3A_71 : vector<8x512x128xi1>, vector<8x512x128xf32>
    %reduce_max3A_90 = arith.constant dense<0xFF800000> : vector<8x512xf32>
    %reduce_max3A_91 = vector.multi_reduction <maximumf>, %select_n3A_89, %reduce_max3A_90 [2] : vector<8x512x128xf32> to vector<8x512xf32>
    %broadcast_in_dim3A_92 = vector.shape_cast %reduce_max3A_91 : vector<8x512xf32> to vector<8x512x1xf32>
    %eq3A_93 = vector.broadcast %broadcast_in_dim3A_92 : vector<8x512x1xf32> to vector<8x512x128xf32>
    %eq3A_94 = arith.cmpf oeq, %select_n3A_89, %eq3A_93 : vector<8x512x128xf32>
    %jit3A_95 = arith.constant 65536 : i32
    %broadcast_in_dim3A_96 = vector.broadcast %jit3A_95 : i32 to vector<8x512x128xi32>
    %select_n3A_97 = arith.select %eq3A_94, %add3A, %broadcast_in_dim3A_96 : vector<8x512x128xi1>, vector<8x512x128xi32>
    %reduce_min3A_98 = arith.constant dense<2147483647> : vector<8x512xi32>
    %reduce_min3A_99 = vector.multi_reduction <minsi>, %select_n3A_97, %reduce_min3A_98 [2] : vector<8x512x128xi32> to vector<8x512xi32>
    %broadcast_in_dim3A_100 = vector.shape_cast %reduce_min3A_99 : vector<8x512xi32> to vector<8x512x1xi32>
    %squeeze3A_101 = vector.shape_cast %broadcast_in_dim3A_92 : vector<8x512x1xf32> to vector<8x512xf32>
    %squeeze3A_102 = vector.shape_cast %broadcast_in_dim3A_100 : vector<8x512x1xi32> to vector<8x512xi32>
    %concatenate3A = tpu.concatenate %squeeze3A, %squeeze3A_29, %squeeze3A_47, %squeeze3A_65, %squeeze3A_83, %squeeze3A_101 in 1 : vector<8x512xf32>, vector<8x512xf32>, vector<8x512xf32>, vector<8x512xf32>, vector<8x512xf32>, vector<8x512xf32> -> vector<8x3072xf32>
    %concatenate3A_103 = tpu.concatenate %squeeze3A_12, %squeeze3A_30, %squeeze3A_48, %squeeze3A_66, %squeeze3A_84, %squeeze3A_102 in 1 : vector<8x512xi32>, vector<8x512xi32>, vector<8x512xi32>, vector<8x512xi32>, vector<8x512xi32>, vector<8x512xi32> -> vector<8x3072xi32>
    %iota3A_104 = tpu.iota {dimensions = array<i32: 1>} : vector<8x64xi32>
    %broadcast_in_dim3A_105 = arith.constant 0.000000e+00 : f32
    %broadcast_in_dim3A_106 = vector.broadcast %broadcast_in_dim3A_105 : f32 to vector<8x64xf32>
    %broadcast_in_dim3A_107 = arith.constant 0 : i32
    %broadcast_in_dim3A_108 = vector.broadcast %broadcast_in_dim3A_107 : i32 to vector<8x64xi32>
    %scan3A = arith.constant 0 : i32
    %scan3A_109 = arith.constant 64 : i32
    %scan3A_110 = arith.addi %scan3A, %scan3A_109 : i32
    %scan3A_111 = arith.constant 1 : i32
    %scan3A_112:3 = scf.for %scan3A_138 = %scan3A to %scan3A_110 step %scan3A_111 iter_args(%scan3A_139 = %concatenate3A, %scan3A_140 = %broadcast_in_dim3A_106, %scan3A_141 = %broadcast_in_dim3A_108) -> (vector<8x3072xf32>, vector<8x64xf32>, vector<8x64xi32>)  : i32 {
      %reduce_max3A_142 = arith.constant dense<0xFF800000> : vector<8xf32>
      %reduce_max3A_143 = vector.multi_reduction <maximumf>, %scan3A_139, %reduce_max3A_142 [1] : vector<8x3072xf32> to vector<8xf32>
      %broadcast_in_dim3A_144 = vector.shape_cast %reduce_max3A_143 : vector<8xf32> to vector<8x1xf32>
      %eq3A_145 = vector.broadcast %broadcast_in_dim3A_144 : vector<8x1xf32> to vector<8x3072xf32>
      %eq3A_146 = arith.cmpf oeq, %scan3A_139, %eq3A_145 : vector<8x3072xf32>
      %jit3A_147 = arith.constant 65536 : i32
      %broadcast_in_dim3A_148 = vector.broadcast %jit3A_147 : i32 to vector<8x3072xi32>
      %select_n3A_149 = arith.select %eq3A_146, %concatenate3A_103, %broadcast_in_dim3A_148 : vector<8x3072xi1>, vector<8x3072xi32>
      %reduce_min3A_150 = arith.constant dense<2147483647> : vector<8xi32>
      %reduce_min3A_151 = vector.multi_reduction <minsi>, %select_n3A_149, %reduce_min3A_150 [1] : vector<8x3072xi32> to vector<8xi32>
      %broadcast_in_dim3A_152 = vector.shape_cast %reduce_min3A_151 : vector<8xi32> to vector<8x1xi32>
      %eq3A_153 = vector.broadcast %scan3A_138 : i32 to vector<8x64xi32>
      %eq3A_154 = arith.cmpi eq, %iota3A_104, %eq3A_153 : vector<8x64xi32>
      %broadcast_in_dim3A_155 = vector.shape_cast %broadcast_in_dim3A_144 : vector<8x1xf32> to vector<8x1xf32>
      %broadcast_in_dim3A_156 = vector.broadcast %broadcast_in_dim3A_155 : vector<8x1xf32> to vector<8x64xf32>
      %select_n3A_157 = arith.select %eq3A_154, %broadcast_in_dim3A_156, %scan3A_140 : vector<8x64xi1>, vector<8x64xf32>
      %broadcast_in_dim3A_158 = vector.shape_cast %broadcast_in_dim3A_152 : vector<8x1xi32> to vector<8x1xi32>
      %broadcast_in_dim3A_159 = vector.broadcast %broadcast_in_dim3A_158 : vector<8x1xi32> to vector<8x64xi32>
      %select_n3A_160 = arith.select %eq3A_154, %broadcast_in_dim3A_159, %scan3A_141 : vector<8x64xi1>, vector<8x64xi32>
      %eq3A_161 = vector.broadcast %broadcast_in_dim3A_152 : vector<8x1xi32> to vector<8x3072xi32>
      %eq3A_162 = arith.cmpi eq, %concatenate3A_103, %eq3A_161 : vector<8x3072xi32>
      %jit3A_163 = arith.constant -1.000000e+00 : f32
      %broadcast_in_dim3A_164 = vector.broadcast %jit3A_163 : f32 to vector<8x3072xf32>
      %select_n3A_165 = arith.select %eq3A_162, %broadcast_in_dim3A_164, %scan3A_139 : vector<8x3072xi1>, vector<8x3072xf32>
      scf.yield %select_n3A_165, %select_n3A_157, %select_n3A_160 : vector<8x3072xf32>, vector<8x64xf32>, vector<8x64xi32>
    }
    %scan3A_113 = arith.constant 64 : i32
    %swap3A = arith.constant 0 : index
    %swap3A_114 = arith.constant 0 : index
    %swap3A_115 = vector.load %arg2[%swap3A, %swap3A_114] : memref<8x64xf32, #tpu.memory_space<vmem>>, vector<8x64xf32>
    tpu.vector_store %arg2[%swap3A, %swap3A_114], %scan3A_112#1 {strides = array<i32>} : memref<8x64xf32, #tpu.memory_space<vmem>>, vector<8x64xf32>,
    %swap3A_116 = arith.constant 0 : index
    %swap3A_117 = arith.constant 0 : index
    %swap3A_118 = vector.load %arg3[%swap3A_116, %swap3A_117] : memref<8x64xi32, #tpu.memory_space<vmem>>, vector<8x64xi32>
    tpu.vector_store %arg3[%swap3A_116, %swap3A_117], %scan3A_112#2 {strides = array<i32>} : memref<8x64xi32, #tpu.memory_space<vmem>>, vector<8x64xi32>,
    %slice3A = vector.extract_strided_slice %scan3A_112#1 {offsets = [0, 63], sizes = [8, 1], strides = [1, 1]} : vector<8x64xf32> to vector<8x1xf32>
    %eq3A_119 = vector.broadcast %slice3A : vector<8x1xf32> to vector<8x64xf32>
    %eq3A_120 = arith.cmpf oeq, %scan3A_112#1, %eq3A_119 : vector<8x64xf32>
    %jit3A_121 = arith.constant -1 : i32
    %broadcast_in_dim3A_122 = vector.broadcast %jit3A_121 : i32 to vector<8x64xi32>
    %select_n3A_123 = arith.select %eq3A_120, %scan3A_112#2, %broadcast_in_dim3A_122 : vector<8x64xi1>, vector<8x64xi32>
    %reduce_max3A_124 = arith.constant dense<-2147483648> : vector<8xi32>
    %reduce_max3A_125 = vector.multi_reduction <maxsi>, %select_n3A_123, %reduce_max3A_124 [1] : vector<8x64xi32> to vector<8xi32>
    %broadcast_in_dim3A_126 = vector.shape_cast %reduce_max3A_125 : vector<8xi32> to vector<8x1xi32>
    %iota3A_127 = tpu.iota {dimensions = array<i32: 1>} : vector<8x65536xi32>
    %gt3A = vector.broadcast %slice3A : vector<8x1xf32> to vector<8x65536xf32>
    %gt3A_128 = arith.cmpf ogt, %max3A_3, %gt3A : vector<8x65536xf32>
    %eq3A_129 = vector.broadcast %slice3A : vector<8x1xf32> to vector<8x65536xf32>
    %eq3A_130 = arith.cmpf oeq, %max3A_3, %eq3A_129 : vector<8x65536xf32>
    %le3A = vector.broadcast %broadcast_in_dim3A_126 : vector<8x1xi32> to vector<8x65536xi32>
    %le3A_131 = arith.cmpi sle, %iota3A_127, %le3A : vector<8x65536xi32>
    %and3A = arith.andi %eq3A_130, %le3A_131 : vector<8x65536xi1>
    %or3A = arith.ori %gt3A_128, %and3A : vector<8x65536xi1>
    %jit3A_132 = arith.constant 0.000000e+00 : f32
    %broadcast_in_dim3A_133 = vector.broadcast %jit3A_132 : f32 to vector<8x65536xf32>
    %select_n3A_134 = arith.select %or3A, %max3A_3, %broadcast_in_dim3A_133 : vector<8x65536xi1>, vector<8x65536xf32>
    %swap3A_135 = arith.constant 0 : index
    %swap3A_136 = arith.constant 0 : index
    %swap3A_137 = vector.load %arg4[%swap3A_135, %swap3A_136] : memref<8x65536xf32, #tpu.memory_space<vmem>>, vector<8x65536xf32>
    tpu.vector_store %arg4[%swap3A_135, %swap3A_136], %select_n3A_134 {strides = array<i32>} : memref<8x65536xf32, #tpu.memory_space<vmem>>, vector<8x65536xf32>,
    return
  }
  func.func @transform_0(%arg0: i32) -> (i32, i32) {
    %c0_i32 = arith.constant 0 : i32
    %c0_i32_0 = arith.constant 0 : i32
    return %arg0, %c0_i32 : i32, i32
  }
  func.func @transform_1(%arg0: i32) -> (i32, i32) {
    %c0_i32 = arith.constant 0 : i32
    %c0_i32_0 = arith.constant 0 : i32
    return %arg0, %c0_i32 : i32, i32
  }
  func.func @transform_2(%arg0: i32) -> (i32, i32) {
    %c0_i32 = arith.constant 0 : i32
    %c0_i32_0 = arith.constant 0 : i32
    return %arg0, %c0_i32 : i32, i32
  }
  func.func @transform_3(%arg0: i32) -> (i32, i32) {
    %c0_i32 = arith.constant 0 : i32
    %c0_i32_0 = arith.constant 0 : i32
    return %arg0, %c0_i32 : i32, i32
  }
}

</mosaic_0001>

<sc_bundles>
// kernel: kernel.5.cloned.1.call-start
scs
__scs_entry_jumppad:
0x0: {  	(pc) =	sbr.rel $0x88, $3  }
0x1: {  	(tag) =	ssettag $0x0;
	lr =	simm.s32 $0x1  }
0x2: {  	[smem:$0x3F9C] =	sst lr;
	_ =	strace $0xD0000000  }
0x3: {  	_ = 	snop  }
0x4: {  	_ = 	snop  }
0x5: {  	_ = 	snop  }
0x6: {  	_ = 	snop  }
0x7: {  	_ = 	snop  }
__scs_overlays_trampoline_lowered:
0x8: {  	[smem:$0x3FAB] =	sst s0  }
0x9: {  	[smem:$0x3FAC] =	sst s1  }
0xa: {  	[smem:$0x3FAD] =	sst s2  }
0xb: {  	[smem:$0x3FAE] =	sst s3  }
0xc: {  	[smem:$0x3FAF] =	sst s4  }
0xd: {  	[smem:$0x3FB0] =	sst s5  }
0xe: {  	[smem:$0x3FB1] =	sst s6  }
0xf: {  	[smem:$0x3FB2] =	sst s7  }
0x10: {  	[smem:$0x3FB3] =	sst s8  }
0x11: {  	[smem:$0x3FB4] =	sst s9;
	s0 =	simm.s32 @!p0 $0x0  }
0x12: {  	s1 =	sld [smem:$0x3F9A];
	s0 =	simm.s32 @p0 $0x1  }
0x13: {  	[smem:$0x3FB5] =	sst s0;
	s0 =	simm.s32 @!p1 $0x0  }
0x14: {  	s2 =	sld [smem:$0x3F99];
	s0 =	simm.s32 @p1 $0x1  }
0x15: {  	[smem:$0x3FB6] =	sst s0;
	s0 =	simm.s32 @!p2 $0x0  }
0x16: {  	s3 =	sld [smem:$0x3FDB];
	s0 =	simm.s32 @p2 $0x1  }
0x17: {  	s4 =	simm.s32 $0x1BF5;
	[smem:$0x3FB8] =	sst s0  }
0x18: {  	s0 =	sld [smem:$0x3F9B];
	_ =	swait.ge [sflag:s4], $0x0  }
0x19: {  	s7 =	sld [smem:$0x3F9C]  }
0x1a: {  	s8 =	sadd.s32 $0xFFFFE003, lr  }
0x1b: {  	s9 =	sadd.s32 $0xFFFFFEF7, lr;
	s5 =	simm.s32 $0xFFFFFFFF;
	p2 =	slt.u32 s8, $0xFFFFF086  }
0x1c: {  	p1 =	slt.u32 s9, $0xF7A;
	s5 =	simm.s32 @!p2 $0x0  }
0x1d: {  	s5 =	simm.s32 @p1 $0x1;
	p0 =	seq.s32 s7, s2  }
0x1e: {  	s7 =	smul.u32 @!p0 $0xF7A, s2;
	p2 =	seq.s32 @!p0 s5, $0x0  }
0x1f: {  	s9 =	smul.u32 $0xF7A, s1;
	s8 =	simm.s32 @!p0 $0x1BF5;
	p2 =	por !p2, p0  }
0x20: {  	[sflag:s8] =	ssyncset.s32 @!p0 $0xFFFFF086;
	s6 =	sadd.s32 @!p0 s3, s7;
	s7 =	simm.s32 @!p0 $0x108  }
0x21: {  	s3 =	sadd.s32 s3, s9;
	s6 =	sadd.s32 @!p0 $0x88, s6;
	s7 =	simm.s32 @p2 $0x1082  }
0x22: {  	[simem:s7], [sflag:s8] =	dma.local @!p0 [hbm:s6], $0xF7A  }
0x23: {  	s9 =	sor.u32 $0xD0000000, s2;
	s6 =	simm.s32 $0x108;
	_ =	swait.ge @!p0 [sflag:s8], $0x0  }
0x24: {  	s3 =	sadd.s32 $0x88, s3;
	s6 =	simm.s32 @!p1 $0x1082;
	[sflag:s4] =	ssyncset.s32 $0xFFFFF086  }
0x25: {  	[simem:s6], [sflag:s4] =	dma.local [hbm:s3], $0xF7A  }
0x26: {  	[smem:$0x3F9C] =	sst s1;
	(tag) =	ssettag s2;
	_ =	strace s9  }
0x27: {  	s1 =	sld [smem:$0x3FAC]  }
0x28: {  	s2 =	sld [smem:$0x3FAD]  }
0x29: {  	s4 =	sld [smem:$0x3FAF]  }
0x2a: {  	p0 =	seq.s32 s5, $0x0;
	s5 =	sld [smem:$0x3FB0]  }
0x2b: {  	s6 =	sld [smem:$0x3FB1]  }
0x2c: {  	s7 =	sld [smem:$0x3FB2]  }
0x2d: {  	s3 =	simm.s32 $0x108;
	s8 =	sld [smem:$0x3FB3]  }
0x2e: {  	s3 =	simm.s32 @!p0 $0x1082;
	s9 =	sld [smem:$0x3FB4]  }
0x2f: {  	lr =	sadd.s32 s0, s3;
	s0 =	sld [smem:$0x3FAB]  }
0x30: {  	s3 =	sld [smem:$0x3FAE]  }
0x31: {  	[smem:$0x3FB7] =	sst s10  }
0x32: {  	s10 =	sld [smem:$0x3FB5];
	_ =	sdelay $0x3  }
0x33: {  	p0 =	seq.s32 s10, $0x1;
	s10 =	sld [smem:$0x3FB7];
	_ =	sdelay $0x3  }
0x34: {  	[smem:$0x3FB7] =	sst s10  }
0x35: {  	s10 =	sld [smem:$0x3FB6];
	_ =	sdelay $0x3  }
0x36: {  	p1 =	seq.s32 s10, $0x1;
	s10 =	sld [smem:$0x3FB7];
	_ =	sdelay $0x3  }
0x37: {  	[smem:$0x3FB7] =	sst s10  }
0x38: {  	s10 =	sld [smem:$0x3FB8]  }
0x39: {  	_ = 	snop;
	(pc) =	sbr.ind lr, $3  }
0x3a: {  	_ = 	snop  }
0x3b: {  	_ = 	snop  }
0x3c: {  	p2 =	seq.s32 s10, $0x1;
	s10 =	sld [smem:$0x3FB7]  }
0x3d: {  	_ =	shalt  }
0x3e: {  	_ =	shalt  }
0x3f: {  	_ =	shalt  }
0x40: {  	_ =	shalt  }
0x41: {  	_ =	shalt  }
0x42: {  	_ =	shalt  }
0x43: {  	_ =	shalt  }
0x44: {  	_ =	shalt  }
0x45: {  	_ =	shalt  }
0x46: {  	_ =	shalt  }
0x47: {  	_ =	shalt  }
0x48: {  	_ =	shalt  }
0x49: {  	_ =	shalt  }
0x4a: {  	_ =	shalt  }
0x4b: {  	_ =	shalt  }
0x4c: {  	_ =	shalt  }
0x4d: {  	_ =	shalt  }
0x4e: {  	_ =	shalt  }
0x4f: {  	_ =	shalt  }
0x50: {  	_ =	shalt  }
0x51: {  	_ =	shalt  }
0x52: {  	_ =	shalt  }
0x53: {  	_ =	shalt  }
0x54: {  	_ =	shalt  }
0x55: {  	_ =	shalt  }
0x56: {  	_ =	shalt  }
0x57: {  	_ =	shalt  }
0x58: {  	_ =	shalt  }
0x59: {  	_ =	shalt  }
0x5a: {  	_ =	shalt  }
0x5b: {  	_ =	shalt  }
0x5c: {  	_ =	shalt  }
0x5d: {  	_ =	shalt  }
0x5e: {  	_ =	shalt  }
0x5f: {  	_ =	shalt  }
0x60: {  	_ =	shalt  }
0x61: {  	_ =	shalt  }
0x62: {  	_ =	shalt  }
0x63: {  	_ =	shalt  }
0x64: {  	_ =	shalt  }
0x65: {  	_ =	shalt  }
0x66: {  	_ =	shalt  }
0x67: {  	_ =	shalt  }
0x68: {  	_ =	shalt  }
0x69: {  	_ =	shalt  }
0x6a: {  	_ =	shalt  }
0x6b: {  	_ =	shalt  }
0x6c: {  	_ =	shalt  }
0x6d: {  	_ =	shalt  }
0x6e: {  	_ =	shalt  }
0x6f: {  	_ =	shalt  }
0x70: {  	_ =	shalt  }
0x71: {  	_ =	shalt  }
0x72: {  	_ =	shalt  }
0x73: {  	_ =	shalt  }
0x74: {  	_ =	shalt  }
0x75: {  	_ =	shalt  }
0x76: {  	_ =	shalt  }
0x77: {  	_ =	shalt  }
0x78: {  	_ =	shalt  }
0x79: {  	_ =	shalt  }
0x7a: {  	_ =	shalt  }
0x7b: {  	_ =	shalt  }
0x7c: {  	_ =	shalt  }
0x7d: {  	_ =	shalt  }
0x7e: {  	_ =	shalt  }
0x7f: {  	_ =	shalt  }
0x80: {  	_ =	shalt  }
0x81: {  	_ =	shalt  }
0x82: {  	_ =	shalt  }
0x83: {  	_ =	shalt  }
0x84: {  	_ =	shalt  }
0x85: {  	_ =	shalt  }
0x86: {  	_ =	shalt  }
0x87: {  	_ =	shalt  }
.Lfunc_end0:
.L_simem_size_0:
called_computation_lowered:
.L_overlay_start_0:
0x88: {  	s2 =	sld [smem:$0x3FD9]  }
0x89: {  	s3 =	sld [smem:$0x3FFE];
	_ =	sdelay $0x1  }
0x8a: {  	s1 =	srdreg.scid  }
0x8b: {  	s0 =	sand.u32 $0x1, s1  }
0x8c: {  	s14 =	sshll.u32 s0, $0xA;
	s2 =	sadd.s32 s3, s2  }
0x8d: {  	s2 =	sadd.s32 s2, s14  }
0x8e: {  	[smem:$0x3FC3] =	sst s2  }
0x8f: {  	_ = 	snop  }
0x90: {  	s2 =	sld [smem:$0x3FD0];
	_ =	sdelay $0x1  }
0x91: {  	s15 =	sld [smem:$0x3FC6]  }
0x92: {  	s5 =	simm.s32 $0xA;
	s6 =	simm.s32 $0x10;
	s4 =	sld [smem:$0x3FC5]  }
0x93: {  	[smem:s6], [sflag:s5] =	dma.local [hbm:s2], $0x1  }
0x94: {  	_ =	swait.eq [sflag:s5], $0x1  }
0x95: {  	[sflag:s5] =	ssyncset.done $0x0  }
0x96: {  	[sflag:s5] =	ssyncadd.s32 $0xFFFFFFFF  }
0x97: {  	s16 =	sld [smem:$0x10];
	(tm) =	ssettm $0x1  }
0x98: {  	s17 =	sld [smem:$0x3FFB];
	_ =	sdelay $0x3  }
0x99: {  	_ =	strace s17  }
0x9a: {  	s5 =	sld [smem:$0x3FFC];
	_ =	sdelay $0x3  }
0x9b: {  	_ =	strace s5  }
0x9c: {  	s5 =	sld [smem:$0x3FFD];
	_ =	sdelay $0x3  }
0x9d: {  	_ =	strace s5  }
0x9e: {  	_ =	strace $0x8FFFFFFF  }
0x9f: {  	s18 =	sld [smem:$0x3FDB];
	_ =	sdelay $0x1  }
0xa0: {  	s19 =	simm.s32 $_scs_section_size  }
0xa1: {  	s7 =	simm.s32 $_size__tile_overlayer_lowered;
	s8 =	simm.s32 $_tile_overlayer_lowered  }
0xa2: {  	s22 =	simm.s32 $0x1BFF;
	s21 =	sshll.u32 s8, $0x1;
	s5 =	sadd.s32 s19, s18  }
0xa3: {  	s9 =	simm.s32 $0x0;
	s20 =	sshll.u32 s7, $0x1;
	s7 =	sadd.s32 s21, s5  }
0xa4: {  	[timem:s9], [sflag:s22] =	dma.local [hbm:s7], s20  }
0xa5: {  	_ =	swait.ge [sflag:s22], s20  }
0xa6: {  	s6 =	ssub.s32 $0x0, s20;
	[sflag:s22] =	ssyncset.done $0x0  }
0xa7: {  	[sflag:s22] =	ssyncadd.s32 s6;
	_ =	sdelay $0x1  }
0xa8: {  	s23 =	simm.s32 $0x1B8B  }
0xa9: {  	_ =	swait.ge [sflag:s23], $0x1  }
0xaa: {  	[sflag:s23] =	ssyncset.done $0x0  }
0xab: {  	s25 =	simm.s32 $0x1B8E;
	s24 =	sld [smem:$0x3FFE];
	[sflag:s23] =	ssyncadd.s32 $0xFFFFFFFF  }
0xac: {  	s26 =	simm.s32 $execute0_lowered;
	[smem:$0x3FD2] =	sst s25  }
0xad: {  	s7 =	sshll.u32 s26, $0x1;
	_ =	strace $0x80000046;
	[dreg:$0x1] =	wrdreg $0xFFFFFFFF  }
0xae: {  	s28 =	simm.s32 $_size_execute0_lowered;
	s5 =	sadd.s32 s5, s7;
	[dreg:$0x0] =	wrdreg $0x0  }
0xaf: {  	s7 =	sshll.u32 s28, $0x1;
	[dreg:$0x2] =	wrdreg s5  }
0xb0: {  	[dreg:$0x3] =	wrdreg s7  }
0xb1: {  	[dreg:$0x4] =	wrdreg $0xC0  }
0xb2: {  	_ =	task [dreg:s9], $0x5FFFF  }
0xb3: {  	[dreg:$0x1] =	wrdreg $0xFFFFFFFF  }
0xb4: {  	[dreg:$0x0] =	wrdreg $0x60  }
0xb5: {  	[dreg:$0x2] =	wrdreg s24  }
0xb6: {  	[dreg:$0x3] =	wrdreg s15  }
0xb7: {  	[dreg:$0x4] =	wrdreg s4  }
0xb8: {  	[dreg:$0x5] =	wrdreg s16  }
0xb9: {  	[dreg:$0x6] =	wrdreg $0x9  }
0xba: {  	_ =	task.clear_ibuf [dreg:s9], $0x7FFFF;
	_ =	strace $0x90000046  }
0xbb: {  	s29 =	simm.s32 $0x9;
	_ =	strace $0x80000048  }
0xbc: {  	_ =	swait.ge [sflag:s29], $0x1  }
0xbd: {  	[sflag:s29] =	ssyncadd.s32 $0xFFFFFFFF  }
0xbe: {  	_ =	strace $0x90000048  }
0xbf: {  	_ =	sfence  }
0xc0: {  	s30 =	sld [smem:$0x0];
	_ =	sdelay $0x2  }
0xc1: {  	s31 =	sshll.u32 s1, $0xD;
	s1 =	sshrl.u32 s1, $0x2  }
0xc2: {  	s3 =	sand.u32 $0x4000, s31;
	s1 =	sadd.s32 s1, s30  }
0xc3: {  	s0 =	sor.u32 s3, s0;
	s1 =	sshll.u32 s1, $0x11  }
0xc4: {  	s0 =	sor.u32 s1, s0  }
0xc5: {  	s0 =	sadd.s32 $0x8F2B, s0  }
0xc6: {  	[sflag:s0] =	ssyncadd.remote.s32 $0x1  }
0xc7: {  	_ =	sfence.sel $0xFFFF  }
0xc8: {  	[dreg:$0x0] =	wrdreg $0xFFFFFFFF;
	(pc) =	sbr.abs _section_cstart, $3  }
0xc9: {  	[dreg:$0x1] =	wrdreg $0xFFFFFFFF  }
0xca: {  	_ =	task.clear_ibuf [dreg:s9], $0x2FFFF;
	_ =	strace $0x9FFFFFFF  }
0xcb: {  	(tm) =	ssettm $0x7FFFFFFF  }
tec
execute0_lowered:
.L_overlay_start_1:
0x0: {  	(tag) =	ssettag $0x1  }
0x1: {  	s0 =	rddreg [dreg:$0x0]  }
0x2: {  	s1 =	rddreg [dreg:$0x1]  }
0x3: {  	s2 =	rddreg [dreg:$0x3]  }
0x4: {  	s4 =	simm.s32 $0x0;
	s3 =	srdreg.scid;
	s18 =	stileid.u32  }
0x5: {  	s31 =	simm.s32 $0x3880;
	s20 =	simm.s32 $0x1;
	[smem:$0x7FF] =	sst s4  }
0x6: {  	s3 =	sand.u32 $0x1, s3;
	s5 =	sadd.s32 $0xE00, s0;
	s7 =	sshll.u32 s18, $0x1  }
0x7: {  	s13 =	sadd.s32 $0x1E00, s0;
	s9 =	sadd.s32 $0x300, s1;
	s10 =	sadd.s32 $0x400, s1  }
0x8: {  	s11 =	sadd.s32 $0x500, s1;
	s12 =	sadd.s32 $0x600, s1;
	s15 =	sadd.s32 $0xE10, s0  }
0x9: {  	s22 =	sadd.s32 $0xE20, s0;
	s18 =	sshll.u32 s18, $0xD;
	s0 =	sadd.s32 $0xE30, s0  }
0xa: {  	_ =	strace $0x80000047;
	s6 =	ssub.s32 $0x2, s3;
	s3 =	sor.u32 s3, s7  }
0xb: {  	s8 =	sshrl.u32 s6, $0x1;
	s7 =	sshll.u32 s3, $0xB;
	s14 =	sshll.u32 s3, $0x7  }
0xc: {  	s17 =	sshllo.u32 s3, $0x1;
	s3 =	sshll.u32 s3, $0x8;
	s6 =	ssub.s32 s6, s8  }
0xd: {  	s7 =	sadd.s32 s13, s7;
	s21 =	sadd.s32 s5, s14;
	s8 =	sadd.s32 $0x200, s1  }
0xe: {  	s16 =	sadd.s32 s14, s15;
	s19 =	sshll.u32 s17, $0xA;
	[dreg:$0x5] =	wrdreg s7  }
0xf: {  	s3 =	sor.u32 s18, s3;
	s23 =	sshll.u32 s17, $0x7;
	[dreg:$0x6] =	wrdreg s21  }
0x10: {  	s24 =	sadd.s32 s14, s22;
	s14 =	sadd.s32 s14, s0;
	[dreg:$0x7] =	wrdreg s16  }
0x11: {  	s25 =	sshll.u32 s17, $0x6;
	s17 =	simm.s32 $0x8880;
	[dreg:$0x9] =	wrdreg s24  }
0x12: {  	s7 =	sadd.s32 $0x100, s1;
	s13 =	sadd.s32 s13, s19;
	[dreg:$0xa] =	wrdreg s14  }
0x13: {  	s3 =	sand.u32 $0x1C300, s3;
	s5 =	sadd.s32 s5, s25;
	s26 =	sadd.s32 s25, s15  }
0x14: {  	s28 =	sadd.s32 s25, s22;
	s0 =	sadd.s32 s25, s0;
	s21 =	sadd.s32 $0x700, s1  }
0x15: {  	s30 =	smax.u32 s6, $0x1;
	s25 =	simm.s32 $0x2;
	[dreg:$0x8] =	wrdreg s13  }
0x16: {  	s24 =	simm.s32 $0x80;
	s6 =	simm.s32 $0x6080;
	[dreg:$0xb] =	wrdreg s5  }
0x17: {  	s14 =	simm.s32 $0x7080;
	s15 =	simm.s32 $0x7880;
	[dreg:$0xc] =	wrdreg s26  }
0x18: {  	s16 =	simm.s32 $0x8080;
	s19 =	simm.s32 $0x9880;
	[dreg:$0xd] =	wrdreg s28  }
0x19: {  	s13 =	sor.u32 s18, s23;
	s3 =	sshrl.u32 s3, $0x3;
	[dreg:$0xe] =	wrdreg s0  }
0x1a: {  	[dreg:$0x11] =	wrdreg s30;
	s5 =	simm.s32 $0x5880;
	s18 =	simm.s32 $0x9080  }
0x1b: {  	s26 =	simm.s32 $0xA080;
	s23 =	simm.s32 $0x0;
	s29 =	sand.u32 $0x1C380, s13  }
0x1c: {  	v2 =	vlaneseq.u32;
	s3 =	sadd.s32 s2, s3;
	s13 =	simm.s32 $0x6880;
	s0 =	sshrl.u32 s29, $0x3  }
0x1d: {  	vm0 =	vmmov $0xffff;
	v1 =	vshrl.u32 v2, $0x3;
	[dreg:$0xf] =	wrdreg s3;
	s3 =	simm.s32 $0x4880;
	s0 =	sadd.s32 s2, s0  }
0x1e: {  	v0 =	vand.u32 $0x7, v2;
	v2 =	vor.u32 $0x8, v2;
	v1 =	vmul.u32 $0x8, v1;
	s2 =	simm.s32 $0x5080;
	[dreg:$0x10] =	wrdreg s0;
	s0 =	simm.s32 $0x4080  }
.LBB2_1:
0x1f: {  	s22 =	rddreg [dreg:$0x2]  }
0x20: {  	[tilespmem:s26], [sflag:$0x2] =	stream.linear.gather [hbm4b:s22+s4], $0x800, $0x38;
	[tilespmem:$0xA880] =	vst v63  }
0x21: {  	_ =	swait.ge [sflag:s25], $0x800  }
0x22: {  	[sflag:s25] =	ssyncset.done $0x0  }
0x23: {  	s22 =	rddreg [dreg:$0x5];
	[sflag:s25] =	ssyncadd.s32 $0xFFFFF800  }
0x24: {  	[tilespmem:s24], [sflag:$0x2] =	stream.linear.gather [hbm4b:s22+s4], $0x2000, $0x38;
	[tilespmem:$0xA880] =	vst v63  }
0x25: {  	_ =	swait.ge [sflag:s25], $0x2000  }
0x26: {  	[sflag:s25] =	ssyncset.done $0x0  }
0x27: {  	s24 =	rddreg [dreg:$0x6];
	[sflag:s25] =	ssyncadd.s32 $0xFFFFE000  }
0x28: {  	[tilespmem:s4], [sflag:$0x2] =	stream.linear.gather [hbm4b:s24+s4], $0x80, $0x38;
	[tilespmem:$0xA880] =	vst v63  }
0x29: {  	_ =	swait.ge [sflag:s25], $0x80  }
0x2a: {  	[sflag:s25] =	ssyncset.done $0x0  }
0x2b: {  	[sflag:s25] =	ssyncadd.s32 $0xFFFFFF80  }
0x2c: {  	v3 =	vld [tilespmem:$0x0];
	_ =	sdelay $0x4  }
0x2d: {  	v4 =	vshll.u32 v3, $0x4  }
0x2e: {  	v3 =	vand.u32 $0x7, v3;
	v4 =	vand.u32 $0xFFFFFF80, v4  }
0x2f: {  	v3 =	vor.u32 v3, v4  }
0x30: {  	v4 =	vperm.xlane v3, v0;
	_ =	sdelay $0x1  }
0x31: {  	v4 =	vadd.s32 v1, v4;
	_ =	sdelay $0x3  }
0x32: {  	s24 =	simm.s32 $0x2080  }
0x33: {  	[tilespmem:s24], [sflag:$0x1] =	stream.indirect_vreg.gather [hbm4b:s1+s4], $0x80, v4, vm0, $0xb8;
	[tilespmem:$0xA880] =	vst v63  }
0x34: {  	s24 =	simm.s32 $0x2880  }
0x35: {  	[tilespmem:s24], [sflag:$0x1] =	stream.indirect_vreg.gather [hbm4b:s7+s4], $0x80, v4, vm0, $0xb8;
	[tilespmem:$0xA880] =	vst v63  }
0x36: {  	s24 =	simm.s32 $0x3080  }
0x37: {  	[tilespmem:s24], [sflag:$0x1] =	stream.indirect_vreg.gather [hbm4b:s8+s4], $0x80, v4, vm0, $0xb8;
	[tilespmem:$0xA880] =	vst v63  }
0x38: {  	_ = 	snop  }
0x39: {  	[tilespmem:s31], [sflag:$0x1] =	stream.indirect_vreg.gather [hbm4b:s9+s4], $0x80, v4, vm0, $0xb8;
	[tilespmem:$0xA880] =	vst v63  }
0x3a: {  	_ = 	snop  }
0x3b: {  	[tilespmem:s0], [sflag:$0x1] =	stream.indirect_vreg.gather [hbm4b:s10+s4], $0x80, v4, vm0, $0xb8;
	[tilespmem:$0xA880] =	vst v63  }
0x3c: {  	v3 =	vperm.xlane v3, v2  }
0x3d: {  	[tilespmem:s3], [sflag:$0x1] =	stream.indirect_vreg.gather [hbm4b:s11+s4], $0x80, v4, vm0, $0xb8;
	[tilespmem:$0xA880] =	vst v63  }
0x3e: {  	v3 =	vadd.s32 v1, v3  }
0x3f: {  	[tilespmem:s2], [sflag:$0x1] =	stream.indirect_vreg.gather [hbm4b:s12+s4], $0x80, v4, vm0, $0xb8;
	[tilespmem:$0xA880] =	vst v63  }
0x40: {  	_ = 	snop  }
0x41: {  	[tilespmem:s5], [sflag:$0x1] =	stream.indirect_vreg.gather [hbm4b:s21+s4], $0x80, v4, vm0, $0xb8;
	[tilespmem:$0xA880] =	vst v63  }
0x42: {  	_ = 	snop  }
0x43: {  	[tilespmem:s6], [sflag:$0x1] =	stream.indirect_vreg.gather [hbm4b:s1+s4], $0x80, v3, vm0, $0xb8;
	[tilespmem:$0xA880] =	vst v63  }
0x44: {  	_ = 	snop  }
0x45: {  	[tilespmem:s13], [sflag:$0x1] =	stream.indirect_vreg.gather [hbm4b:s7+s4], $0x80, v3, vm0, $0xb8;
	[tilespmem:$0xA880] =	vst v63  }
0x46: {  	_ = 	snop  }
0x47: {  	[tilespmem:s14], [sflag:$0x1] =	stream.indirect_vreg.gather [hbm4b:s8+s4], $0x80, v3, vm0, $0xb8;
	[tilespmem:$0xA880] =	vst v63  }
0x48: {  	_ = 	snop  }
0x49: {  	[tilespmem:s15], [sflag:$0x1] =	stream.indirect_vreg.gather [hbm4b:s9+s4], $0x80, v3, vm0, $0xb8;
	[tilespmem:$0xA880] =	vst v63  }
0x4a: {  	_ = 	snop  }
0x4b: {  	[tilespmem:s16], [sflag:$0x1] =	stream.indirect_vreg.gather [hbm4b:s10+s4], $0x80, v3, vm0, $0xb8;
	[tilespmem:$0xA880] =	vst v63  }
0x4c: {  	_ = 	snop  }
0x4d: {  	[tilespmem:s17], [sflag:$0x1] =	stream.indirect_vreg.gather [hbm4b:s11+s4], $0x80, v3, vm0, $0xb8;
	[tilespmem:$0xA880] =	vst v63  }
0x4e: {  	_ = 	snop  }
0x4f: {  	[tilespmem:s18], [sflag:$0x1] =	stream.indirect_vreg.gather [hbm4b:s12+s4], $0x80, v3, vm0, $0xb8;
	[tilespmem:$0xA880] =	vst v63  }
0x50: {  	_ = 	snop  }
0x51: {  	[tilespmem:s19], [sflag:$0x1] =	stream.indirect_vreg.gather [hbm4b:s21+s4], $0x80, v3, vm0, $0xb8;
	[tilespmem:$0xA880] =	vst v63  }
0x52: {  	_ =	swait.ge [sflag:s20], $0x8000  }
0x53: {  	[sflag:s20] =	ssyncset.done $0x0  }
0x54: {  	[sflag:s20] =	ssyncadd.s32 $0xFFFF8000  }
0x55: {  	s22 =	sand.u32 $0x70, s4;
	s24 =	sand.u32 $0x3C00, s4;
	v7 =	vld [tilespmem:$0x80]  }
0x56: {  	s22 =	sor.u32 s22, s24;
	v8 =	vld [tilespmem:$0x100]  }
0x57: {  	v3 =	vld [tilespmem:s22+$0x2080]  }
0x58: {  	v4 =	vld [tilespmem:s26+$0x0]  }
0x59: {  	v6 =	vld [tilespmem:s22+$0x2100]  }
0x5a: {  	v9 =	vld [tilespmem:$0x180]  }
0x5b: {  	v10 =	vld [tilespmem:s22+$0x2180]  }
0x5c: {  	v5 =	vld [tilespmem:$0x200];
	v11 =	vmul.f32 v3, v7  }
0x5d: {  	v12 =	vld [tilespmem:s22+$0x2200]  }
0x5e: {  	v13 =	vld [tilespmem:s22+$0x2280];
	v6 =	vmul.f32 v6, v8;
	v11 =	vadd.f32 v11, v4  }
0x5f: {  	v3 =	vld [tilespmem:$0x280]  }
0x60: {  	s26 =	sand.u32 $0x7, s4;
	v14 =	vld [tilespmem:s22+$0x2300];
	v10 =	vmul.f32 v10, v9;
	v11 =	vadd.f32 v6, v11  }
0x61: {  	s24 =	sshll.u32 s26, $0x4;
	v4 =	vld [tilespmem:$0x300]  }
0x62: {  	v15 =	vld [tilespmem:s22+$0x2380];
	s24 =	sadd.s32 $0x0, s24;
	v12 =	vmul.f32 v12, v5;
	v11 =	vadd.f32 v10, v11  }
0x63: {  	s24 =	sor.u32 $0x380, s24;
	v6 =	vld [tilespmem:$0x380]  }
0x64: {  	v16 =	vld [tilespmem:s24+$0x2080];
	v13 =	vmul.f32 v13, v3;
	v12 =	vadd.f32 v12, v11  }
0x65: {  	v10 =	vld [tilespmem:$0x400]  }
0x66: {  	v17 =	vld [tilespmem:s22+$0x6080];
	v14 =	vmul.f32 v14, v4;
	v13 =	vadd.f32 v13, v12  }
0x67: {  	v11 =	vld [tilespmem:$0x480]  }
0x68: {  	v18 =	vld [tilespmem:s22+$0x6100];
	v15 =	vmul.f32 v15, v6;
	v14 =	vadd.f32 v14, v13  }
0x69: {  	v12 =	vld [tilespmem:$0x500]  }
0x6a: {  	v19 =	vld [tilespmem:s22+$0x6180];
	v16 =	vmul.f32 v16, v10;
	v15 =	vadd.f32 v15, v14  }
0x6b: {  	v13 =	vld [tilespmem:$0x580]  }
0x6c: {  	v20 =	vld [tilespmem:s22+$0x6200];
	v17 =	vmul.f32 v17, v11;
	v16 =	vadd.f32 v16, v15  }
0x6d: {  	v14 =	vld [tilespmem:$0x600]  }
0x6e: {  	v21 =	vld [tilespmem:s22+$0x6280];
	v18 =	vmul.f32 v18, v12;
	v17 =	vadd.f32 v17, v16  }
0x6f: {  	v15 =	vld [tilespmem:$0x680]  }
0x70: {  	v22 =	vld [tilespmem:s22+$0x6300];
	v19 =	vmul.f32 v19, v13;
	v18 =	vadd.f32 v18, v17  }
0x71: {  	v16 =	vld [tilespmem:$0x700]  }
0x72: {  	v23 =	vld [tilespmem:s22+$0x6380];
	v20 =	vmul.f32 v20, v14;
	v19 =	vadd.f32 v19, v18  }
0x73: {  	v17 =	vld [tilespmem:$0x780]  }
0x74: {  	v63 =	vld [tilespmem:s22+$0x6400];
	v19 =	vadd.f32 v20, v19;
	v20 =	vmul.f32 v21, v15  }
0x75: {  	v18 =	vld [tilespmem:$0x800]  }
0x76: {  	v19 =	vadd.f32 v20, v19;
	v20 =	vmul.f32 v22, v16;
	_ =	sdelay $0x1  }
0x77: {  	v19 =	vadd.f32 v20, v19;
	v20 =	vmul.f32 v23, v17;
	_ =	sdelay $0x1  }
0x78: {  	v19 =	vadd.f32 v20, v19;
	v20 =	vmul.f32 v63, v18  }
0x79: {  	s22 =	simm.s32 $0x80  }
0x7a: {  	s28 =	simm.s32 $0x20;
	s26 =	simm.s32 $0x10;
	s30 =	sand.u32 $0x3C00, s22;
	v19 =	vadd.f32 v20, v19  }
0x7b: {  	s29 =	sand.u32 $0x70, s26;
	s26 =	simm.s32 $0xA080;
	s24 =	simm.s32 $0x0  }
.LBB2_2:
0x7c: {  	p0 =	sne.s32 s28, $0x7F0;
	s29 =	sor.u32 s29, s30;
	[tilespmem:s26+$0x0] =	vst v19  }
0x7d: {  	s26 =	sadd.s32 $0x10, s26;
	v19 =	vld [tilespmem:s29+$0x2080]  }
0x7e: {  	v20 =	vld [tilespmem:s26+$0x0]  }
0x7f: {  	v21 =	vld [tilespmem:s29+$0x2100];
	_ =	sdelay $0x1  }
0x80: {  	v22 =	vld [tilespmem:s29+$0x2180]  }
0x81: {  	v19 =	vmul.f32 v19, v7  }
0x82: {  	v23 =	vld [tilespmem:s29+$0x2200]  }
0x83: {  	v19 =	vadd.f32 v19, v20;
	v20 =	vmul.f32 v21, v8  }
0x84: {  	v21 =	vld [tilespmem:s29+$0x2280]  }
0x85: {  	s24 =	sadd.s32 $0x1, s24;
	v19 =	vadd.f32 v20, v19;
	v20 =	vmul.f32 v22, v9  }
0x86: {  	s30 =	sand.u32 $0x7, s24;
	v22 =	vld [tilespmem:s29+$0x2300]  }
0x87: {  	s30 =	sshll.u32 s30, $0x4;
	v19 =	vadd.f32 v20, v19;
	v20 =	vmul.f32 v23, v5  }
0x88: {  	s30 =	sadd.s32 s30, s22;
	v23 =	vld [tilespmem:s29+$0x2380]  }
0x89: {  	s30 =	sor.u32 $0x380, s30;
	v19 =	vadd.f32 v20, v19;
	v20 =	vmul.f32 v21, v3  }
0x8a: {  	v21 =	vld [tilespmem:s30+$0x2080]  }
0x8b: {  	v19 =	vadd.f32 v20, v19;
	v20 =	vmul.f32 v22, v4  }
0x8c: {  	v22 =	vld [tilespmem:s29+$0x6080]  }
0x8d: {  	v19 =	vadd.f32 v20, v19;
	v20 =	vmul.f32 v23, v6  }
0x8e: {  	v23 =	vld [tilespmem:s29+$0x6100]  }
0x8f: {  	v19 =	vadd.f32 v20, v19;
	v20 =	vmul.f32 v21, v10  }
0x90: {  	v21 =	vld [tilespmem:s29+$0x6180]  }
0x91: {  	v19 =	vadd.f32 v20, v19;
	v20 =	vmul.f32 v22, v11  }
0x92: {  	v22 =	vld [tilespmem:s29+$0x6200]  }
0x93: {  	v19 =	vadd.f32 v20, v19;
	v20 =	vmul.f32 v23, v12  }
0x94: {  	v23 =	vld [tilespmem:s29+$0x6280]  }
0x95: {  	v19 =	vadd.f32 v20, v19;
	v20 =	vmul.f32 v21, v13  }
0x96: {  	v21 =	vld [tilespmem:s29+$0x6300]  }
0x97: {  	v19 =	vadd.f32 v20, v19;
	v20 =	vmul.f32 v22, v14  }
0x98: {  	v22 =	vld [tilespmem:s29+$0x6380]  }
0x99: {  	v19 =	vadd.f32 v20, v19;
	v20 =	vmul.f32 v23, v15  }
0x9a: {  	v23 =	vld [tilespmem:s29+$0x6400]  }
0x9b: {  	v19 =	vadd.f32 v20, v19;
	v20 =	vmul.f32 v21, v16;
	_ =	sdelay $0x1  }
0x9c: {  	v19 =	vadd.f32 v20, v19;
	v20 =	vmul.f32 v22, v17  }
.Ltmp0:
0x9d: {  	(pc) =	sbr.rel @p0 .LBB2_2-.Ltmp0, $3  }
0x9e: {  	v19 =	vadd.f32 v20, v19;
	v20 =	vmul.f32 v23, v18;
	_ =	sdelay $0x1  }
0x9f: {  	s22 =	sadd.s32 $0x80, s22;
	v19 =	vadd.f32 v20, v19  }
0xa0: {  	s30 =	sand.u32 $0x3C00, s22;
	s29 =	sand.u32 $0x70, s28;
	s28 =	sadd.s32 $0x10, s28  }
0xa1: {  	s28 =	sor.u32 s29, s30;
	[tilespmem:s26+$0x0] =	vst v19  }
0xa2: {  	s26 =	sadd.s32 $0x10, s26;
	v19 =	vld [tilespmem:s28+$0x2080]  }
0xa3: {  	v20 =	vld [tilespmem:s26+$0x0]  }
0xa4: {  	v21 =	vld [tilespmem:s28+$0x2100];
	_ =	sdelay $0x1  }
0xa5: {  	v22 =	vld [tilespmem:s28+$0x2180]  }
0xa6: {  	v7 =	vmul.f32 v19, v7  }
0xa7: {  	v19 =	vld [tilespmem:s28+$0x2200]  }
0xa8: {  	v8 =	vmul.f32 v21, v8;
	v7 =	vadd.f32 v7, v20  }
0xa9: {  	v20 =	vld [tilespmem:s28+$0x2280]  }
0xaa: {  	s24 =	sadd.s32 $0x1, s24;
	v7 =	vadd.f32 v8, v7;
	v8 =	vmul.f32 v22, v9  }
0xab: {  	s24 =	sand.u32 $0x7, s24;
	v9 =	vld [tilespmem:s28+$0x2300]  }
0xac: {  	s24 =	sshll.u32 s24, $0x4;
	v5 =	vmul.f32 v19, v5;
	v7 =	vadd.f32 v8, v7  }
0xad: {  	s22 =	sadd.s32 s24, s22;
	v8 =	vld [tilespmem:s28+$0x2380]  }
0xae: {  	s22 =	sor.u32 $0x380, s22;
	v3 =	vmul.f32 v20, v3;
	v5 =	vadd.f32 v5, v7  }
0xaf: {  	v7 =	vld [tilespmem:s22+$0x2080]  }
0xb0: {  	v4 =	vmul.f32 v9, v4;
	v3 =	vadd.f32 v3, v5  }
0xb1: {  	v5 =	vld [tilespmem:s28+$0x6080]  }
0xb2: {  	v3 =	vadd.f32 v4, v3;
	v4 =	vmul.f32 v8, v6  }
0xb3: {  	v6 =	vld [tilespmem:s28+$0x6100]  }
0xb4: {  	v3 =	vadd.f32 v4, v3;
	v4 =	vmul.f32 v7, v10  }
0xb5: {  	v7 =	vld [tilespmem:s28+$0x6180]  }
0xb6: {  	v3 =	vadd.f32 v4, v3;
	v4 =	vmul.f32 v5, v11  }
0xb7: {  	v5 =	vld [tilespmem:s28+$0x6200]  }
0xb8: {  	v3 =	vadd.f32 v4, v3;
	v4 =	vmul.f32 v6, v12  }
0xb9: {  	v6 =	vld [tilespmem:s28+$0x6280]  }
0xba: {  	v3 =	vadd.f32 v4, v3;
	v4 =	vmul.f32 v7, v13  }
0xbb: {  	v7 =	vld [tilespmem:s28+$0x6300]  }
0xbc: {  	v3 =	vadd.f32 v4, v3;
	v4 =	vmul.f32 v5, v14  }
0xbd: {  	v5 =	vld [tilespmem:s28+$0x6380]  }
0xbe: {  	v3 =	vadd.f32 v4, v3;
	v4 =	vmul.f32 v6, v15  }
0xbf: {  	v6 =	vld [tilespmem:s28+$0x6400]  }
0xc0: {  	v3 =	vadd.f32 v4, v3;
	v4 =	vmul.f32 v7, v16;
	_ =	sdelay $0x1  }
0xc1: {  	v3 =	vadd.f32 v4, v3;
	v4 =	vmul.f32 v5, v17;
	_ =	sdelay $0x1  }
0xc2: {  	v3 =	vadd.f32 v4, v3;
	v4 =	vmul.f32 v6, v18;
	_ =	sdelay $0x1  }
0xc3: {  	v3 =	vadd.f32 v4, v3;
	_ =	sdelay $0x1  }
0xc4: {  	s22 =	simm.s32 $0x0;
	[tilespmem:s26+$0x0] =	vst v3;
	s26 =	rddreg [dreg:$0x7]  }
0xc5: {  	[tilespmem:s22], [sflag:$0x2] =	stream.linear.gather [hbm4b:s26+s22], $0x80, $0x38;
	[tilespmem:$0xA880] =	vst v63  }
0xc6: {  	_ =	swait.ge [sflag:s25], $0x80  }
0xc7: {  	[sflag:s25] =	ssyncset.done $0x0  }
0xc8: {  	[sflag:s25] =	ssyncadd.s32 $0xFFFFFF80  }
0xc9: {  	v3 =	vld [tilespmem:$0x0];
	_ =	sdelay $0x4  }
0xca: {  	v4 =	vshll.u32 v3, $0x4  }
0xcb: {  	v3 =	vand.u32 $0x7, v3;
	v4 =	vand.u32 $0xFFFFFF80, v4  }
0xcc: {  	v3 =	vor.u32 v3, v4  }
0xcd: {  	v4 =	vperm.xlane v3, v0;
	_ =	sdelay $0x1  }
0xce: {  	v4 =	vadd.s32 v1, v4;
	_ =	sdelay $0x3  }
0xcf: {  	s26 =	simm.s32 $0x2080  }
0xd0: {  	[tilespmem:s26], [sflag:$0x1] =	stream.indirect_vreg.gather [hbm4b:s1+s22], $0x80, v4, vm0, $0xb8;
	[tilespmem:$0xA880] =	vst v63  }
0xd1: {  	s26 =	simm.s32 $0x2880  }
0xd2: {  	[tilespmem:s26], [sflag:$0x1] =	stream.indirect_vreg.gather [hbm4b:s7+s22], $0x80, v4, vm0, $0xb8;
	[tilespmem:$0xA880] =	vst v63  }
0xd3: {  	s26 =	simm.s32 $0x3080  }
0xd4: {  	[tilespmem:s26], [sflag:$0x1] =	stream.indirect_vreg.gather [hbm4b:s8+s22], $0x80, v4, vm0, $0xb8;
	[tilespmem:$0xA880] =	vst v63  }
0xd5: {  	_ = 	snop  }
0xd6: {  	[tilespmem:s31], [sflag:$0x1] =	stream.indirect_vreg.gather [hbm4b:s9+s22], $0x80, v4, vm0, $0xb8;
	[tilespmem:$0xA880] =	vst v63  }
0xd7: {  	_ = 	snop  }
0xd8: {  	[tilespmem:s0], [sflag:$0x1] =	stream.indirect_vreg.gather [hbm4b:s10+s22], $0x80, v4, vm0, $0xb8;
	[tilespmem:$0xA880] =	vst v63  }
0xd9: {  	v3 =	vperm.xlane v3, v2  }
0xda: {  	[tilespmem:s3], [sflag:$0x1] =	stream.indirect_vreg.gather [hbm4b:s11+s22], $0x80, v4, vm0, $0xb8;
	[tilespmem:$0xA880] =	vst v63  }
0xdb: {  	v3 =	vadd.s32 v1, v3  }
0xdc: {  	[tilespmem:s2], [sflag:$0x1] =	stream.indirect_vreg.gather [hbm4b:s12+s22], $0x80, v4, vm0, $0xb8;
	[tilespmem:$0xA880] =	vst v63  }
0xdd: {  	_ = 	snop  }
0xde: {  	[tilespmem:s5], [sflag:$0x1] =	stream.indirect_vreg.gather [hbm4b:s21+s22], $0x80, v4, vm0, $0xb8;
	[tilespmem:$0xA880] =	vst v63  }
0xdf: {  	_ = 	snop  }
0xe0: {  	[tilespmem:s6], [sflag:$0x1] =	stream.indirect_vreg.gather [hbm4b:s1+s22], $0x80, v3, vm0, $0xb8;
	[tilespmem:$0xA880] =	vst v63  }
0xe1: {  	_ = 	snop  }
0xe2: {  	[tilespmem:s13], [sflag:$0x1] =	stream.indirect_vreg.gather [hbm4b:s7+s22], $0x80, v3, vm0, $0xb8;
	[tilespmem:$0xA880] =	vst v63  }
0xe3: {  	_ = 	snop  }
0xe4: {  	[tilespmem:s14], [sflag:$0x1] =	stream.indirect_vreg.gather [hbm4b:s8+s22], $0x80, v3, vm0, $0xb8;
	[tilespmem:$0xA880] =	vst v63  }
0xe5: {  	_ = 	snop  }
0xe6: {  	[tilespmem:s15], [sflag:$0x1] =	stream.indirect_vreg.gather [hbm4b:s9+s22], $0x80, v3, vm0, $0xb8;
	[tilespmem:$0xA880] =	vst v63  }
0xe7: {  	_ = 	snop  }
0xe8: {  	[tilespmem:s16], [sflag:$0x1] =	stream.indirect_vreg.gather [hbm4b:s10+s22], $0x80, v3, vm0, $0xb8;
	[tilespmem:$0xA880] =	vst v63  }
0xe9: {  	_ = 	snop  }
0xea: {  	[tilespmem:s17], [sflag:$0x1] =	stream.indirect_vreg.gather [hbm4b:s11+s22], $0x80, v3, vm0, $0xb8;
	[tilespmem:$0xA880] =	vst v63  }
0xeb: {  	_ = 	snop  }
0xec: {  	[tilespmem:s18], [sflag:$0x1] =	stream.indirect_vreg.gather [hbm4b:s12+s22], $0x80, v3, vm0, $0xb8;
	[tilespmem:$0xA880] =	vst v63  }
0xed: {  	_ = 	snop  }
0xee: {  	[tilespmem:s19], [sflag:$0x1] =	stream.indirect_vreg.gather [hbm4b:s21+s22], $0x80, v3, vm0, $0xb8;
	[tilespmem:$0xA880] =	vst v63  }
0xef: {  	_ =	swait.ge [sflag:s20], $0x8000  }
0xf0: {  	[sflag:s20] =	ssyncset.done $0x0  }
0xf1: {  	[sflag:s20] =	ssyncadd.s32 $0xFFFF8000  }
0xf2: {  	s24 =	sand.u32 $0x70, s22;
	s26 =	sand.u32 $0x3C00, s22;
	v6 =	vld [tilespmem:$0x880]  }
0xf3: {  	s26 =	sor.u32 s24, s26;
	v7 =	vld [tilespmem:$0x900]  }
0xf4: {  	s24 =	simm.s32 $0xA080;
	v3 =	vld [tilespmem:s26+$0x2080]  }
0xf5: {  	v4 =	vld [tilespmem:s24+$0x0]  }
0xf6: {  	v8 =	vld [tilespmem:s26+$0x2100]  }
0xf7: {  	v9 =	vld [tilespmem:$0x980]  }
0xf8: {  	v10 =	vld [tilespmem:s26+$0x2180]  }
0xf9: {  	v5 =	vld [tilespmem:$0xA00];
	v11 =	vmul.f32 v3, v6  }
0xfa: {  	v12 =	vld [tilespmem:s26+$0x2200]  }
0xfb: {  	v13 =	vld [tilespmem:s26+$0x2280];
	v8 =	vmul.f32 v8, v7;
	v11 =	vadd.f32 v11, v4  }
0xfc: {  	v3 =	vld [tilespmem:$0xA80]  }
0xfd: {  	s28 =	sand.u32 $0x7, s22;
	v14 =	vld [tilespmem:s26+$0x2300];
	v10 =	vmul.f32 v10, v9;
	v11 =	vadd.f32 v8, v11  }
0xfe: {  	s28 =	sshll.u32 s28, $0x4;
	v4 =	vld [tilespmem:$0xB00]  }
0xff: {  	s28 =	sadd.s32 $0x0, s28;
	v15 =	vld [tilespmem:s26+$0x2380];
	v12 =	vmul.f32 v12, v5;
	v11 =	vadd.f32 v10, v11  }
0x100: {  	s28 =	sor.u32 $0x380, s28;
	v8 =	vld [tilespmem:$0xB80]  }
0x101: {  	v16 =	vld [tilespmem:s28+$0x2080];
	v13 =	vmul.f32 v13, v3;
	v12 =	vadd.f32 v12, v11  }
0x102: {  	v10 =	vld [tilespmem:$0xC00]  }
0x103: {  	v17 =	vld [tilespmem:s26+$0x6080];
	v14 =	vmul.f32 v14, v4;
	v13 =	vadd.f32 v13, v12  }
0x104: {  	v11 =	vld [tilespmem:$0xC80]  }
0x105: {  	v18 =	vld [tilespmem:s26+$0x6100];
	v15 =	vmul.f32 v15, v8;
	v14 =	vadd.f32 v14, v13  }
0x106: {  	v12 =	vld [tilespmem:$0xD00]  }
0x107: {  	v19 =	vld [tilespmem:s26+$0x6180];
	v16 =	vmul.f32 v16, v10;
	v15 =	vadd.f32 v15, v14  }
0x108: {  	v13 =	vld [tilespmem:$0xD80]  }
0x109: {  	v20 =	vld [tilespmem:s26+$0x6200];
	v17 =	vmul.f32 v17, v11;
	v16 =	vadd.f32 v16, v15  }
0x10a: {  	v14 =	vld [tilespmem:$0xE00]  }
0x10b: {  	v61 =	vld [tilespmem:s26+$0x6280];
	v18 =	vmul.f32 v18, v12;
	v17 =	vadd.f32 v17, v16  }
0x10c: {  	v15 =	vld [tilespmem:$0xE80]  }
0x10d: {  	v62 =	vld [tilespmem:s26+$0x6300];
	v19 =	vmul.f32 v19, v13;
	v18 =	vadd.f32 v18, v17  }
0x10e: {  	v16 =	vld [tilespmem:$0xF00]  }
0x10f: {  	v23 =	vld [tilespmem:s26+$0x6380];
	v20 =	vmul.f32 v20, v14;
	v19 =	vadd.f32 v19, v18  }
0x110: {  	v17 =	vld [tilespmem:$0xF80]  }
0x111: {  	v63 =	vld [tilespmem:s26+$0x6400];
	v19 =	vadd.f32 v20, v19;
	v20 =	vmul.f32 v61, v15  }
0x112: {  	v18 =	vld [tilespmem:$0x1000]  }
0x113: {  	v19 =	vadd.f32 v20, v19;
	v20 =	vmul.f32 v62, v16;
	_ =	sdelay $0x1  }
0x114: {  	v19 =	vadd.f32 v20, v19;
	v20 =	vmul.f32 v23, v17;
	_ =	sdelay $0x1  }
0x115: {  	v19 =	vadd.f32 v20, v19;
	v20 =	vmul.f32 v63, v18;
	_ =	sdelay $0x1  }
0x116: {  	s28 =	simm.s32 $0x10;
	s26 =	simm.s32 $0x80;
	v19 =	vadd.f32 v20, v19  }
0x117: {  	s29 =	sand.u32 $0x70, s28;
	s30 =	sand.u32 $0x3C00, s26;
	s28 =	simm.s32 $0x20  }
.LBB2_4:
0x118: {  	p0 =	sne.s32 s28, $0x7F0;
	s29 =	sor.u32 s29, s30;
	[tilespmem:s24+$0x0] =	vst v19  }
0x119: {  	s24 =	sadd.s32 $0x10, s24;
	v19 =	vld [tilespmem:s29+$0x2080]  }
0x11a: {  	v20 =	vld [tilespmem:s24+$0x0]  }
0x11b: {  	v21 =	vld [tilespmem:s29+$0x2100];
	_ =	sdelay $0x1  }
0x11c: {  	v22 =	vld [tilespmem:s29+$0x2180]  }
0x11d: {  	v19 =	vmul.f32 v19, v6  }
0x11e: {  	v23 =	vld [tilespmem:s29+$0x2200]  }
0x11f: {  	v19 =	vadd.f32 v19, v20;
	v20 =	vmul.f32 v21, v7  }
0x120: {  	v21 =	vld [tilespmem:s29+$0x2280]  }
0x121: {  	s22 =	sadd.s32 $0x1, s22;
	v19 =	vadd.f32 v20, v19;
	v20 =	vmul.f32 v22, v9  }
0x122: {  	s30 =	sand.u32 $0x7, s22;
	v22 =	vld [tilespmem:s29+$0x2300]  }
0x123: {  	s30 =	sshll.u32 s30, $0x4;
	v19 =	vadd.f32 v20, v19;
	v20 =	vmul.f32 v23, v5  }
0x124: {  	s30 =	sadd.s32 s30, s26;
	v23 =	vld [tilespmem:s29+$0x2380]  }
0x125: {  	s30 =	sor.u32 $0x380, s30;
	v19 =	vadd.f32 v20, v19;
	v20 =	vmul.f32 v21, v3  }
0x126: {  	v21 =	vld [tilespmem:s30+$0x2080]  }
0x127: {  	v19 =	vadd.f32 v20, v19;
	v20 =	vmul.f32 v22, v4  }
0x128: {  	v22 =	vld [tilespmem:s29+$0x6080]  }
0x129: {  	v19 =	vadd.f32 v20, v19;
	v20 =	vmul.f32 v23, v8  }
0x12a: {  	v23 =	vld [tilespmem:s29+$0x6100]  }
0x12b: {  	v19 =	vadd.f32 v20, v19;
	v20 =	vmul.f32 v21, v10  }
0x12c: {  	v21 =	vld [tilespmem:s29+$0x6180]  }
0x12d: {  	v19 =	vadd.f32 v20, v19;
	v20 =	vmul.f32 v22, v11  }
0x12e: {  	v22 =	vld [tilespmem:s29+$0x6200]  }
0x12f: {  	v19 =	vadd.f32 v20, v19;
	v20 =	vmul.f32 v23, v12  }
0x130: {  	v23 =	vld [tilespmem:s29+$0x6280]  }
0x131: {  	v19 =	vadd.f32 v20, v19;
	v20 =	vmul.f32 v21, v13  }
0x132: {  	v21 =	vld [tilespmem:s29+$0x6300]  }
0x133: {  	v19 =	vadd.f32 v20, v19;
	v20 =	vmul.f32 v22, v14  }
0x134: {  	v22 =	vld [tilespmem:s29+$0x6380]  }
0x135: {  	v19 =	vadd.f32 v20, v19;
	v20 =	vmul.f32 v23, v15  }
0x136: {  	v23 =	vld [tilespmem:s29+$0x6400]  }
0x137: {  	v19 =	vadd.f32 v20, v19;
	v20 =	vmul.f32 v21, v16;
	_ =	sdelay $0x1  }
0x138: {  	v19 =	vadd.f32 v20, v19;
	v20 =	vmul.f32 v22, v17  }
.Ltmp1:
0x139: {  	(pc) =	sbr.rel @p0 .LBB2_4-.Ltmp1, $3  }
0x13a: {  	v19 =	vadd.f32 v20, v19;
	v20 =	vmul.f32 v23, v18;
	_ =	sdelay $0x1  }
0x13b: {  	s26 =	sadd.s32 $0x80, s26;
	v19 =	vadd.f32 v20, v19  }
0x13c: {  	s30 =	sand.u32 $0x3C00, s26;
	s29 =	sand.u32 $0x70, s28;
	s28 =	sadd.s32 $0x10, s28  }
0x13d: {  	s28 =	sor.u32 s29, s30;
	[tilespmem:s24+$0x0] =	vst v19  }
0x13e: {  	s24 =	sadd.s32 $0x10, s24;
	v19 =	vld [tilespmem:s28+$0x2080]  }
0x13f: {  	v20 =	vld [tilespmem:s24+$0x0]  }
0x140: {  	v21 =	vld [tilespmem:s28+$0x2100];
	_ =	sdelay $0x1  }
0x141: {  	v22 =	vld [tilespmem:s28+$0x2180]  }
0x142: {  	v6 =	vmul.f32 v19, v6  }
0x143: {  	v19 =	vld [tilespmem:s28+$0x2200]  }
0x144: {  	v7 =	vmul.f32 v21, v7;
	v6 =	vadd.f32 v6, v20  }
0x145: {  	v20 =	vld [tilespmem:s28+$0x2280]  }
0x146: {  	s22 =	sadd.s32 $0x1, s22;
	v6 =	vadd.f32 v7, v6;
	v7 =	vmul.f32 v22, v9  }
0x147: {  	s22 =	sand.u32 $0x7, s22;
	v9 =	vld [tilespmem:s28+$0x2300]  }
0x148: {  	s22 =	sshll.u32 s22, $0x4;
	v5 =	vmul.f32 v19, v5;
	v6 =	vadd.f32 v7, v6  }
0x149: {  	s22 =	sadd.s32 s22, s26;
	v7 =	vld [tilespmem:s28+$0x2380]  }
0x14a: {  	s22 =	sor.u32 $0x380, s22;
	v3 =	vmul.f32 v20, v3;
	v5 =	vadd.f32 v5, v6  }
0x14b: {  	v6 =	vld [tilespmem:s22+$0x2080]  }
0x14c: {  	v4 =	vmul.f32 v9, v4;
	v3 =	vadd.f32 v3, v5  }
0x14d: {  	v5 =	vld [tilespmem:s28+$0x6080]  }
0x14e: {  	v3 =	vadd.f32 v4, v3;
	v4 =	vmul.f32 v7, v8  }
0x14f: {  	v7 =	vld [tilespmem:s28+$0x6100]  }
0x150: {  	v3 =	vadd.f32 v4, v3;
	v4 =	vmul.f32 v6, v10  }
0x151: {  	v6 =	vld [tilespmem:s28+$0x6180]  }
0x152: {  	v3 =	vadd.f32 v4, v3;
	v4 =	vmul.f32 v5, v11  }
0x153: {  	v5 =	vld [tilespmem:s28+$0x6200]  }
0x154: {  	v3 =	vadd.f32 v4, v3;
	v4 =	vmul.f32 v7, v12  }
0x155: {  	v7 =	vld [tilespmem:s28+$0x6280]  }
0x156: {  	v3 =	vadd.f32 v4, v3;
	v4 =	vmul.f32 v6, v13  }
0x157: {  	v6 =	vld [tilespmem:s28+$0x6300]  }
0x158: {  	v3 =	vadd.f32 v4, v3;
	v4 =	vmul.f32 v5, v14  }
0x159: {  	v5 =	vld [tilespmem:s28+$0x6380]  }
0x15a: {  	v3 =	vadd.f32 v4, v3;
	v4 =	vmul.f32 v7, v15  }
0x15b: {  	v7 =	vld [tilespmem:s28+$0x6400]  }
0x15c: {  	v3 =	vadd.f32 v4, v3;
	v4 =	vmul.f32 v6, v16;
	_ =	sdelay $0x1  }
0x15d: {  	v3 =	vadd.f32 v4, v3;
	v4 =	vmul.f32 v5, v17;
	_ =	sdelay $0x1  }
0x15e: {  	v3 =	vadd.f32 v4, v3;
	v4 =	vmul.f32 v7, v18;
	_ =	sdelay $0x1  }
0x15f: {  	v3 =	vadd.f32 v4, v3;
	_ =	sdelay $0x1  }
0x160: {  	s26 =	rddreg [dreg:$0x9];
	s22 =	simm.s32 $0x0;
	[tilespmem:s24+$0x0] =	vst v3  }
0x161: {  	[tilespmem:s22], [sflag:$0x2] =	stream.linear.gather [hbm4b:s26+s22], $0x80, $0x38;
	[tilespmem:$0xA880] =	vst v63  }
0x162: {  	_ =	swait.ge [sflag:s25], $0x80  }
0x163: {  	[sflag:s25] =	ssyncset.done $0x0  }
0x164: {  	[sflag:s25] =	ssyncadd.s32 $0xFFFFFF80  }
0x165: {  	v3 =	vld [tilespmem:$0x0];
	_ =	sdelay $0x4  }
0x166: {  	v4 =	vshll.u32 v3, $0x4  }
0x167: {  	v3 =	vand.u32 $0x7, v3;
	v4 =	vand.u32 $0xFFFFFF80, v4  }
0x168: {  	v3 =	vor.u32 v3, v4  }
0x169: {  	v4 =	vperm.xlane v3, v0;
	_ =	sdelay $0x1  }
0x16a: {  	v4 =	vadd.s32 v1, v4;
	_ =	sdelay $0x3  }
0x16b: {  	s26 =	simm.s32 $0x2080  }
0x16c: {  	[tilespmem:s26], [sflag:$0x1] =	stream.indirect_vreg.gather [hbm4b:s1+s22], $0x80, v4, vm0, $0xb8;
	[tilespmem:$0xA880] =	vst v63  }
0x16d: {  	s26 =	simm.s32 $0x2880  }
0x16e: {  	[tilespmem:s26], [sflag:$0x1] =	stream.indirect_vreg.gather [hbm4b:s7+s22], $0x80, v4, vm0, $0xb8;
	[tilespmem:$0xA880] =	vst v63  }
0x16f: {  	s26 =	simm.s32 $0x3080  }
0x170: {  	[tilespmem:s26], [sflag:$0x1] =	stream.indirect_vreg.gather [hbm4b:s8+s22], $0x80, v4, vm0, $0xb8;
	[tilespmem:$0xA880] =	vst v63  }
0x171: {  	_ = 	snop  }
0x172: {  	[tilespmem:s31], [sflag:$0x1] =	stream.indirect_vreg.gather [hbm4b:s9+s22], $0x80, v4, vm0, $0xb8;
	[tilespmem:$0xA880] =	vst v63  }
0x173: {  	_ = 	snop  }
0x174: {  	[tilespmem:s0], [sflag:$0x1] =	stream.indirect_vreg.gather [hbm4b:s10+s22], $0x80, v4, vm0, $0xb8;
	[tilespmem:$0xA880] =	vst v63  }
0x175: {  	v3 =	vperm.xlane v3, v2  }
0x176: {  	[tilespmem:s3], [sflag:$0x1] =	stream.indirect_vreg.gather [hbm4b:s11+s22], $0x80, v4, vm0, $0xb8;
	[tilespmem:$0xA880] =	vst v63  }
0x177: {  	v3 =	vadd.s32 v1, v3  }
0x178: {  	[tilespmem:s2], [sflag:$0x1] =	stream.indirect_vreg.gather [hbm4b:s12+s22], $0x80, v4, vm0, $0xb8;
	[tilespmem:$0xA880] =	vst v63  }
0x179: {  	_ = 	snop  }
0x17a: {  	[tilespmem:s5], [sflag:$0x1] =	stream.indirect_vreg.gather [hbm4b:s21+s22], $0x80, v4, vm0, $0xb8;
	[tilespmem:$0xA880] =	vst v63  }
0x17b: {  	_ = 	snop  }
0x17c: {  	[tilespmem:s6], [sflag:$0x1] =	stream.indirect_vreg.gather [hbm4b:s1+s22], $0x80, v3, vm0, $0xb8;
	[tilespmem:$0xA880] =	vst v63  }
0x17d: {  	_ = 	snop  }
0x17e: {  	[tilespmem:s13], [sflag:$0x1] =	stream.indirect_vreg.gather [hbm4b:s7+s22], $0x80, v3, vm0, $0xb8;
	[tilespmem:$0xA880] =	vst v63  }
0x17f: {  	_ = 	snop  }
0x180: {  	[tilespmem:s14], [sflag:$0x1] =	stream.indirect_vreg.gather [hbm4b:s8+s22], $0x80, v3, vm0, $0xb8;
	[tilespmem:$0xA880] =	vst v63  }
0x181: {  	_ = 	snop  }
0x182: {  	[tilespmem:s15], [sflag:$0x1] =	stream.indirect_vreg.gather [hbm4b:s9+s22], $0x80, v3, vm0, $0xb8;
	[tilespmem:$0xA880] =	vst v63  }
0x183: {  	_ = 	snop  }
0x184: {  	[tilespmem:s16], [sflag:$0x1] =	stream.indirect_vreg.gather [hbm4b:s10+s22], $0x80, v3, vm0, $0xb8;
	[tilespmem:$0xA880] =	vst v63  }
0x185: {  	_ = 	snop  }
0x186: {  	[tilespmem:s17], [sflag:$0x1] =	stream.indirect_vreg.gather [hbm4b:s11+s22], $0x80, v3, vm0, $0xb8;
	[tilespmem:$0xA880] =	vst v63  }
0x187: {  	_ = 	snop  }
0x188: {  	[tilespmem:s18], [sflag:$0x1] =	stream.indirect_vreg.gather [hbm4b:s12+s22], $0x80, v3, vm0, $0xb8;
	[tilespmem:$0xA880] =	vst v63  }
0x189: {  	_ = 	snop  }
0x18a: {  	[tilespmem:s19], [sflag:$0x1] =	stream.indirect_vreg.gather [hbm4b:s21+s22], $0x80, v3, vm0, $0xb8;
	[tilespmem:$0xA880] =	vst v63  }
0x18b: {  	_ =	swait.ge [sflag:s20], $0x8000  }
0x18c: {  	[sflag:s20] =	ssyncset.done $0x0  }
0x18d: {  	[sflag:s20] =	ssyncadd.s32 $0xFFFF8000  }
0x18e: {  	s24 =	sand.u32 $0x70, s22;
	s26 =	sand.u32 $0x3C00, s22;
	v6 =	vld [tilespmem:$0x1080]  }
0x18f: {  	s26 =	sor.u32 s24, s26;
	v7 =	vld [tilespmem:$0x1100]  }
0x190: {  	s24 =	simm.s32 $0xA080;
	v3 =	vld [tilespmem:s26+$0x2080]  }
0x191: {  	v4 =	vld [tilespmem:s24+$0x0]  }
0x192: {  	v8 =	vld [tilespmem:s26+$0x2100]  }
0x193: {  	v9 =	vld [tilespmem:$0x1180]  }
0x194: {  	v10 =	vld [tilespmem:s26+$0x2180]  }
0x195: {  	v5 =	vld [tilespmem:$0x1200];
	v11 =	vmul.f32 v3, v6  }
0x196: {  	v12 =	vld [tilespmem:s26+$0x2200]  }
0x197: {  	v13 =	vld [tilespmem:s26+$0x2280];
	v8 =	vmul.f32 v8, v7;
	v11 =	vadd.f32 v11, v4  }
0x198: {  	v3 =	vld [tilespmem:$0x1280]  }
0x199: {  	s28 =	sand.u32 $0x7, s22;
	v14 =	vld [tilespmem:s26+$0x2300];
	v10 =	vmul.f32 v10, v9;
	v11 =	vadd.f32 v8, v11  }
0x19a: {  	s28 =	sshll.u32 s28, $0x4;
	v4 =	vld [tilespmem:$0x1300]  }
0x19b: {  	s28 =	sadd.s32 $0x0, s28;
	v15 =	vld [tilespmem:s26+$0x2380];
	v12 =	vmul.f32 v12, v5;
	v11 =	vadd.f32 v10, v11  }
0x19c: {  	s28 =	sor.u32 $0x380, s28;
	v8 =	vld [tilespmem:$0x1380]  }
0x19d: {  	v16 =	vld [tilespmem:s28+$0x2080];
	v13 =	vmul.f32 v13, v3;
	v12 =	vadd.f32 v12, v11  }
0x19e: {  	v10 =	vld [tilespmem:$0x1400]  }
0x19f: {  	v17 =	vld [tilespmem:s26+$0x6080];
	v14 =	vmul.f32 v14, v4;
	v13 =	vadd.f32 v13, v12  }
0x1a0: {  	v11 =	vld [tilespmem:$0x1480]  }
0x1a1: {  	v18 =	vld [tilespmem:s26+$0x6100];
	v15 =	vmul.f32 v15, v8;
	v14 =	vadd.f32 v14, v13  }
0x1a2: {  	v12 =	vld [tilespmem:$0x1500]  }
0x1a3: {  	v19 =	vld [tilespmem:s26+$0x6180];
	v16 =	vmul.f32 v16, v10;
	v15 =	vadd.f32 v15, v14  }
0x1a4: {  	v13 =	vld [tilespmem:$0x1580]  }
0x1a5: {  	v20 =	vld [tilespmem:s26+$0x6200];
	v17 =	vmul.f32 v17, v11;
	v16 =	vadd.f32 v16, v15  }
0x1a6: {  	v14 =	vld [tilespmem:$0x1600]  }
0x1a7: {  	v61 =	vld [tilespmem:s26+$0x6280];
	v18 =	vmul.f32 v18, v12;
	v17 =	vadd.f32 v17, v16  }
0x1a8: {  	v15 =	vld [tilespmem:$0x1680]  }
0x1a9: {  	v62 =	vld [tilespmem:s26+$0x6300];
	v19 =	vmul.f32 v19, v13;
	v18 =	vadd.f32 v18, v17  }
0x1aa: {  	v16 =	vld [tilespmem:$0x1700]  }
0x1ab: {  	v23 =	vld [tilespmem:s26+$0x6380];
	v20 =	vmul.f32 v20, v14;
	v19 =	vadd.f32 v19, v18  }
0x1ac: {  	v17 =	vld [tilespmem:$0x1780]  }
0x1ad: {  	v63 =	vld [tilespmem:s26+$0x6400];
	v19 =	vadd.f32 v20, v19;
	v20 =	vmul.f32 v61, v15  }
0x1ae: {  	v18 =	vld [tilespmem:$0x1800]  }
0x1af: {  	v19 =	vadd.f32 v20, v19;
	v20 =	vmul.f32 v62, v16;
	_ =	sdelay $0x1  }
0x1b0: {  	v19 =	vadd.f32 v20, v19;
	v20 =	vmul.f32 v23, v17;
	_ =	sdelay $0x1  }
0x1b1: {  	v19 =	vadd.f32 v20, v19;
	v20 =	vmul.f32 v63, v18;
	_ =	sdelay $0x1  }
0x1b2: {  	s28 =	simm.s32 $0x10;
	s26 =	simm.s32 $0x80;
	v19 =	vadd.f32 v20, v19  }
0x1b3: {  	s29 =	sand.u32 $0x70, s28;
	s30 =	sand.u32 $0x3C00, s26;
	s28 =	simm.s32 $0x20  }
.LBB2_6:
0x1b4: {  	p0 =	sne.s32 s28, $0x7F0;
	s29 =	sor.u32 s29, s30;
	[tilespmem:s24+$0x0] =	vst v19  }
0x1b5: {  	s24 =	sadd.s32 $0x10, s24;
	v19 =	vld [tilespmem:s29+$0x2080]  }
0x1b6: {  	v20 =	vld [tilespmem:s24+$0x0]  }
0x1b7: {  	v21 =	vld [tilespmem:s29+$0x2100];
	_ =	sdelay $0x1  }
0x1b8: {  	v22 =	vld [tilespmem:s29+$0x2180]  }
0x1b9: {  	v19 =	vmul.f32 v19, v6  }
0x1ba: {  	v23 =	vld [tilespmem:s29+$0x2200]  }
0x1bb: {  	v19 =	vadd.f32 v19, v20;
	v20 =	vmul.f32 v21, v7  }
0x1bc: {  	v21 =	vld [tilespmem:s29+$0x2280]  }
0x1bd: {  	s22 =	sadd.s32 $0x1, s22;
	v19 =	vadd.f32 v20, v19;
	v20 =	vmul.f32 v22, v9  }
0x1be: {  	s30 =	sand.u32 $0x7, s22;
	v22 =	vld [tilespmem:s29+$0x2300]  }
0x1bf: {  	s30 =	sshll.u32 s30, $0x4;
	v19 =	vadd.f32 v20, v19;
	v20 =	vmul.f32 v23, v5  }
0x1c0: {  	s30 =	sadd.s32 s30, s26;
	v23 =	vld [tilespmem:s29+$0x2380]  }
0x1c1: {  	s30 =	sor.u32 $0x380, s30;
	v19 =	vadd.f32 v20, v19;
	v20 =	vmul.f32 v21, v3  }
0x1c2: {  	v21 =	vld [tilespmem:s30+$0x2080]  }
0x1c3: {  	v19 =	vadd.f32 v20, v19;
	v20 =	vmul.f32 v22, v4  }
0x1c4: {  	v22 =	vld [tilespmem:s29+$0x6080]  }
0x1c5: {  	v19 =	vadd.f32 v20, v19;
	v20 =	vmul.f32 v23, v8  }
0x1c6: {  	v23 =	vld [tilespmem:s29+$0x6100]  }
0x1c7: {  	v19 =	vadd.f32 v20, v19;
	v20 =	vmul.f32 v21, v10  }
0x1c8: {  	v21 =	vld [tilespmem:s29+$0x6180]  }
0x1c9: {  	v19 =	vadd.f32 v20, v19;
	v20 =	vmul.f32 v22, v11  }
0x1ca: {  	v22 =	vld [tilespmem:s29+$0x6200]  }
0x1cb: {  	v19 =	vadd.f32 v20, v19;
	v20 =	vmul.f32 v23, v12  }
0x1cc: {  	v23 =	vld [tilespmem:s29+$0x6280]  }
0x1cd: {  	v19 =	vadd.f32 v20, v19;
	v20 =	vmul.f32 v21, v13  }
0x1ce: {  	v21 =	vld [tilespmem:s29+$0x6300]  }
0x1cf: {  	v19 =	vadd.f32 v20, v19;
	v20 =	vmul.f32 v22, v14  }
0x1d0: {  	v22 =	vld [tilespmem:s29+$0x6380]  }
0x1d1: {  	v19 =	vadd.f32 v20, v19;
	v20 =	vmul.f32 v23, v15  }
0x1d2: {  	v23 =	vld [tilespmem:s29+$0x6400]  }
0x1d3: {  	v19 =	vadd.f32 v20, v19;
	v20 =	vmul.f32 v21, v16;
	_ =	sdelay $0x1  }
0x1d4: {  	v19 =	vadd.f32 v20, v19;
	v20 =	vmul.f32 v22, v17  }
.Ltmp2:
0x1d5: {  	(pc) =	sbr.rel @p0 .LBB2_6-.Ltmp2, $3  }
0x1d6: {  	v19 =	vadd.f32 v20, v19;
	v20 =	vmul.f32 v23, v18;
	_ =	sdelay $0x1  }
0x1d7: {  	s26 =	sadd.s32 $0x80, s26;
	v19 =	vadd.f32 v20, v19  }
0x1d8: {  	s30 =	sand.u32 $0x3C00, s26;
	s29 =	sand.u32 $0x70, s28;
	s28 =	sadd.s32 $0x10, s28  }
0x1d9: {  	s28 =	sor.u32 s29, s30;
	[tilespmem:s24+$0x0] =	vst v19  }
0x1da: {  	s24 =	sadd.s32 $0x10, s24;
	v19 =	vld [tilespmem:s28+$0x2080]  }
0x1db: {  	v20 =	vld [tilespmem:s24+$0x0]  }
0x1dc: {  	v21 =	vld [tilespmem:s28+$0x2100];
	_ =	sdelay $0x1  }
0x1dd: {  	v22 =	vld [tilespmem:s28+$0x2180]  }
0x1de: {  	v6 =	vmul.f32 v19, v6  }
0x1df: {  	v19 =	vld [tilespmem:s28+$0x2200]  }
0x1e0: {  	v7 =	vmul.f32 v21, v7;
	v6 =	vadd.f32 v6, v20  }
0x1e1: {  	v20 =	vld [tilespmem:s28+$0x2280]  }
0x1e2: {  	s22 =	sadd.s32 $0x1, s22;
	v6 =	vadd.f32 v7, v6;
	v7 =	vmul.f32 v22, v9  }
0x1e3: {  	s22 =	sand.u32 $0x7, s22;
	v9 =	vld [tilespmem:s28+$0x2300]  }
0x1e4: {  	s22 =	sshll.u32 s22, $0x4;
	v5 =	vmul.f32 v19, v5;
	v6 =	vadd.f32 v7, v6  }
0x1e5: {  	s22 =	sadd.s32 s22, s26;
	v7 =	vld [tilespmem:s28+$0x2380]  }
0x1e6: {  	s22 =	sor.u32 $0x380, s22;
	v3 =	vmul.f32 v20, v3;
	v5 =	vadd.f32 v5, v6  }
0x1e7: {  	v6 =	vld [tilespmem:s22+$0x2080]  }
0x1e8: {  	v4 =	vmul.f32 v9, v4;
	v3 =	vadd.f32 v3, v5  }
0x1e9: {  	v5 =	vld [tilespmem:s28+$0x6080]  }
0x1ea: {  	v3 =	vadd.f32 v4, v3;
	v4 =	vmul.f32 v7, v8  }
0x1eb: {  	v7 =	vld [tilespmem:s28+$0x6100]  }
0x1ec: {  	v3 =	vadd.f32 v4, v3;
	v4 =	vmul.f32 v6, v10  }
0x1ed: {  	v6 =	vld [tilespmem:s28+$0x6180]  }
0x1ee: {  	v3 =	vadd.f32 v4, v3;
	v4 =	vmul.f32 v5, v11  }
0x1ef: {  	v5 =	vld [tilespmem:s28+$0x6200]  }
0x1f0: {  	v3 =	vadd.f32 v4, v3;
	v4 =	vmul.f32 v7, v12  }
0x1f1: {  	v7 =	vld [tilespmem:s28+$0x6280]  }
0x1f2: {  	v3 =	vadd.f32 v4, v3;
	v4 =	vmul.f32 v6, v13  }
0x1f3: {  	v6 =	vld [tilespmem:s28+$0x6300]  }
0x1f4: {  	v3 =	vadd.f32 v4, v3;
	v4 =	vmul.f32 v5, v14  }
0x1f5: {  	v5 =	vld [tilespmem:s28+$0x6380]  }
0x1f6: {  	v3 =	vadd.f32 v4, v3;
	v4 =	vmul.f32 v7, v15  }
0x1f7: {  	v7 =	vld [tilespmem:s28+$0x6400]  }
0x1f8: {  	v3 =	vadd.f32 v4, v3;
	v4 =	vmul.f32 v6, v16;
	_ =	sdelay $0x1  }
0x1f9: {  	v3 =	vadd.f32 v4, v3;
	v4 =	vmul.f32 v5, v17;
	_ =	sdelay $0x1  }
0x1fa: {  	v3 =	vadd.f32 v4, v3;
	v4 =	vmul.f32 v7, v18;
	_ =	sdelay $0x1  }
0x1fb: {  	v3 =	vadd.f32 v4, v3;
	_ =	sdelay $0x1  }
0x1fc: {  	s26 =	rddreg [dreg:$0xa];
	s22 =	simm.s32 $0x0;
	[tilespmem:s24+$0x0] =	vst v3  }
0x1fd: {  	[tilespmem:s22], [sflag:$0x2] =	stream.linear.gather [hbm4b:s26+s22], $0x80, $0x38;
	[tilespmem:$0xA880] =	vst v63  }
0x1fe: {  	_ =	swait.ge [sflag:s25], $0x80  }
0x1ff: {  	[sflag:s25] =	ssyncset.done $0x0  }
0x200: {  	[sflag:s25] =	ssyncadd.s32 $0xFFFFFF80  }
0x201: {  	v3 =	vld [tilespmem:$0x0];
	_ =	sdelay $0x4  }
0x202: {  	v4 =	vshll.u32 v3, $0x4  }
0x203: {  	v3 =	vand.u32 $0x7, v3;
	v4 =	vand.u32 $0xFFFFFF80, v4  }
0x204: {  	v3 =	vor.u32 v3, v4  }
0x205: {  	v4 =	vperm.xlane v3, v0;
	_ =	sdelay $0x1  }
0x206: {  	v4 =	vadd.s32 v1, v4;
	_ =	sdelay $0x3  }
0x207: {  	s26 =	simm.s32 $0x2080  }
0x208: {  	[tilespmem:s26], [sflag:$0x1] =	stream.indirect_vreg.gather [hbm4b:s1+s22], $0x80, v4, vm0, $0xb8;
	[tilespmem:$0xA880] =	vst v63  }
0x209: {  	s26 =	simm.s32 $0x2880  }
0x20a: {  	[tilespmem:s26], [sflag:$0x1] =	stream.indirect_vreg.gather [hbm4b:s7+s22], $0x80, v4, vm0, $0xb8;
	[tilespmem:$0xA880] =	vst v63  }
0x20b: {  	s26 =	simm.s32 $0x3080  }
0x20c: {  	[tilespmem:s26], [sflag:$0x1] =	stream.indirect_vreg.gather [hbm4b:s8+s22], $0x80, v4, vm0, $0xb8;
	[tilespmem:$0xA880] =	vst v63  }
0x20d: {  	_ = 	snop  }
0x20e: {  	[tilespmem:s31], [sflag:$0x1] =	stream.indirect_vreg.gather [hbm4b:s9+s22], $0x80, v4, vm0, $0xb8;
	[tilespmem:$0xA880] =	vst v63  }
0x20f: {  	_ = 	snop  }
0x210: {  	[tilespmem:s0], [sflag:$0x1] =	stream.indirect_vreg.gather [hbm4b:s10+s22], $0x80, v4, vm0, $0xb8;
	[tilespmem:$0xA880] =	vst v63  }
0x211: {  	v3 =	vperm.xlane v3, v2  }
0x212: {  	[tilespmem:s3], [sflag:$0x1] =	stream.indirect_vreg.gather [hbm4b:s11+s22], $0x80, v4, vm0, $0xb8;
	[tilespmem:$0xA880] =	vst v63  }
0x213: {  	v3 =	vadd.s32 v1, v3  }
0x214: {  	[tilespmem:s2], [sflag:$0x1] =	stream.indirect_vreg.gather [hbm4b:s12+s22], $0x80, v4, vm0, $0xb8;
	[tilespmem:$0xA880] =	vst v63  }
0x215: {  	_ = 	snop  }
0x216: {  	[tilespmem:s5], [sflag:$0x1] =	stream.indirect_vreg.gather [hbm4b:s21+s22], $0x80, v4, vm0, $0xb8;
	[tilespmem:$0xA880] =	vst v63  }
0x217: {  	_ = 	snop  }
0x218: {  	[tilespmem:s6], [sflag:$0x1] =	stream.indirect_vreg.gather [hbm4b:s1+s22], $0x80, v3, vm0, $0xb8;
	[tilespmem:$0xA880] =	vst v63  }
0x219: {  	_ = 	snop  }
0x21a: {  	[tilespmem:s13], [sflag:$0x1] =	stream.indirect_vreg.gather [hbm4b:s7+s22], $0x80, v3, vm0, $0xb8;
	[tilespmem:$0xA880] =	vst v63  }
0x21b: {  	_ = 	snop  }
0x21c: {  	[tilespmem:s14], [sflag:$0x1] =	stream.indirect_vreg.gather [hbm4b:s8+s22], $0x80, v3, vm0, $0xb8;
	[tilespmem:$0xA880] =	vst v63  }
0x21d: {  	_ = 	snop  }
0x21e: {  	[tilespmem:s15], [sflag:$0x1] =	stream.indirect_vreg.gather [hbm4b:s9+s22], $0x80, v3, vm0, $0xb8;
	[tilespmem:$0xA880] =	vst v63  }
0x21f: {  	_ = 	snop  }
0x220: {  	[tilespmem:s16], [sflag:$0x1] =	stream.indirect_vreg.gather [hbm4b:s10+s22], $0x80, v3, vm0, $0xb8;
	[tilespmem:$0xA880] =	vst v63  }
0x221: {  	_ = 	snop  }
0x222: {  	[tilespmem:s17], [sflag:$0x1] =	stream.indirect_vreg.gather [hbm4b:s11+s22], $0x80, v3, vm0, $0xb8;
	[tilespmem:$0xA880] =	vst v63  }
0x223: {  	_ = 	snop  }
0x224: {  	[tilespmem:s18], [sflag:$0x1] =	stream.indirect_vreg.gather [hbm4b:s12+s22], $0x80, v3, vm0, $0xb8;
	[tilespmem:$0xA880] =	vst v63  }
0x225: {  	_ = 	snop  }
0x226: {  	[tilespmem:s19], [sflag:$0x1] =	stream.indirect_vreg.gather [hbm4b:s21+s22], $0x80, v3, vm0, $0xb8;
	[tilespmem:$0xA880] =	vst v63  }
0x227: {  	_ =	swait.ge [sflag:s20], $0x8000  }
0x228: {  	[sflag:s20] =	ssyncset.done $0x0  }
0x229: {  	[sflag:s20] =	ssyncadd.s32 $0xFFFF8000  }
0x22a: {  	s24 =	sand.u32 $0x70, s22;
	s26 =	sand.u32 $0x3C00, s22;
	v6 =	vld [tilespmem:$0x1880]  }
0x22b: {  	s26 =	sor.u32 s24, s26;
	v7 =	vld [tilespmem:$0x1900]  }
0x22c: {  	s24 =	simm.s32 $0xA080;
	v3 =	vld [tilespmem:s26+$0x2080]  }
0x22d: {  	v4 =	vld [tilespmem:s24+$0x0]  }
0x22e: {  	v8 =	vld [tilespmem:s26+$0x2100]  }
0x22f: {  	v9 =	vld [tilespmem:$0x1980]  }
0x230: {  	v10 =	vld [tilespmem:s26+$0x2180]  }
0x231: {  	v5 =	vld [tilespmem:$0x1A00];
	v11 =	vmul.f32 v3, v6  }
0x232: {  	v12 =	vld [tilespmem:s26+$0x2200]  }
0x233: {  	v13 =	vld [tilespmem:s26+$0x2280];
	v8 =	vmul.f32 v8, v7;
	v11 =	vadd.f32 v11, v4  }
0x234: {  	v3 =	vld [tilespmem:$0x1A80]  }
0x235: {  	s28 =	sand.u32 $0x7, s22;
	v14 =	vld [tilespmem:s26+$0x2300];
	v10 =	vmul.f32 v10, v9;
	v11 =	vadd.f32 v8, v11  }
0x236: {  	s28 =	sshll.u32 s28, $0x4;
	v4 =	vld [tilespmem:$0x1B00]  }
0x237: {  	s28 =	sadd.s32 $0x0, s28;
	v15 =	vld [tilespmem:s26+$0x2380];
	v12 =	vmul.f32 v12, v5;
	v11 =	vadd.f32 v10, v11  }
0x238: {  	s28 =	sor.u32 $0x380, s28;
	v8 =	vld [tilespmem:$0x1B80]  }
0x239: {  	v16 =	vld [tilespmem:s28+$0x2080];
	v13 =	vmul.f32 v13, v3;
	v12 =	vadd.f32 v12, v11  }
0x23a: {  	v10 =	vld [tilespmem:$0x1C00]  }
0x23b: {  	v17 =	vld [tilespmem:s26+$0x6080];
	v14 =	vmul.f32 v14, v4;
	v13 =	vadd.f32 v13, v12  }
0x23c: {  	v11 =	vld [tilespmem:$0x1C80]  }
0x23d: {  	v18 =	vld [tilespmem:s26+$0x6100];
	v15 =	vmul.f32 v15, v8;
	v14 =	vadd.f32 v14, v13  }
0x23e: {  	v12 =	vld [tilespmem:$0x1D00]  }
0x23f: {  	v19 =	vld [tilespmem:s26+$0x6180];
	v16 =	vmul.f32 v16, v10;
	v15 =	vadd.f32 v15, v14  }
0x240: {  	v13 =	vld [tilespmem:$0x1D80]  }
0x241: {  	v20 =	vld [tilespmem:s26+$0x6200];
	v17 =	vmul.f32 v17, v11;
	v16 =	vadd.f32 v16, v15  }
0x242: {  	v14 =	vld [tilespmem:$0x1E00]  }
0x243: {  	v61 =	vld [tilespmem:s26+$0x6280];
	v18 =	vmul.f32 v18, v12;
	v17 =	vadd.f32 v17, v16  }
0x244: {  	v15 =	vld [tilespmem:$0x1E80]  }
0x245: {  	v62 =	vld [tilespmem:s26+$0x6300];
	v19 =	vmul.f32 v19, v13;
	v18 =	vadd.f32 v18, v17  }
0x246: {  	v16 =	vld [tilespmem:$0x1F00]  }
0x247: {  	v23 =	vld [tilespmem:s26+$0x6380];
	v20 =	vmul.f32 v20, v14;
	v19 =	vadd.f32 v19, v18  }
0x248: {  	v17 =	vld [tilespmem:$0x1F80]  }
0x249: {  	v63 =	vld [tilespmem:s26+$0x6400];
	v19 =	vadd.f32 v20, v19;
	v20 =	vmul.f32 v61, v15  }
0x24a: {  	v18 =	vld [tilespmem:$0x2000]  }
0x24b: {  	v19 =	vadd.f32 v20, v19;
	v20 =	vmul.f32 v62, v16;
	_ =	sdelay $0x1  }
0x24c: {  	v19 =	vadd.f32 v20, v19;
	v20 =	vmul.f32 v23, v17;
	_ =	sdelay $0x1  }
0x24d: {  	v19 =	vadd.f32 v20, v19;
	v20 =	vmul.f32 v63, v18;
	_ =	sdelay $0x1  }
0x24e: {  	s28 =	simm.s32 $0x10;
	s26 =	simm.s32 $0x80;
	v19 =	vadd.f32 v20, v19  }
0x24f: {  	s29 =	sand.u32 $0x70, s28;
	s30 =	sand.u32 $0x3C00, s26;
	s28 =	simm.s32 $0x20  }
.LBB2_8:
0x250: {  	p0 =	sne.s32 s28, $0x7F0;
	s29 =	sor.u32 s29, s30;
	[tilespmem:s24+$0x0] =	vst v19  }
0x251: {  	s24 =	sadd.s32 $0x10, s24;
	v19 =	vld [tilespmem:s29+$0x2080]  }
0x252: {  	v20 =	vld [tilespmem:s24+$0x0]  }
0x253: {  	v21 =	vld [tilespmem:s29+$0x2100];
	_ =	sdelay $0x1  }
0x254: {  	v22 =	vld [tilespmem:s29+$0x2180]  }
0x255: {  	v19 =	vmul.f32 v19, v6  }
0x256: {  	v23 =	vld [tilespmem:s29+$0x2200]  }
0x257: {  	v19 =	vadd.f32 v19, v20;
	v20 =	vmul.f32 v21, v7  }
0x258: {  	v21 =	vld [tilespmem:s29+$0x2280]  }
0x259: {  	s22 =	sadd.s32 $0x1, s22;
	v19 =	vadd.f32 v20, v19;
	v20 =	vmul.f32 v22, v9  }
0x25a: {  	s30 =	sand.u32 $0x7, s22;
	v22 =	vld [tilespmem:s29+$0x2300]  }
0x25b: {  	s30 =	sshll.u32 s30, $0x4;
	v19 =	vadd.f32 v20, v19;
	v20 =	vmul.f32 v23, v5  }
0x25c: {  	s30 =	sadd.s32 s30, s26;
	v23 =	vld [tilespmem:s29+$0x2380]  }
0x25d: {  	s30 =	sor.u32 $0x380, s30;
	v19 =	vadd.f32 v20, v19;
	v20 =	vmul.f32 v21, v3  }
0x25e: {  	v21 =	vld [tilespmem:s30+$0x2080]  }
0x25f: {  	v19 =	vadd.f32 v20, v19;
	v20 =	vmul.f32 v22, v4  }
0x260: {  	v22 =	vld [tilespmem:s29+$0x6080]  }
0x261: {  	v19 =	vadd.f32 v20, v19;
	v20 =	vmul.f32 v23, v8  }
0x262: {  	v23 =	vld [tilespmem:s29+$0x6100]  }
0x263: {  	v19 =	vadd.f32 v20, v19;
	v20 =	vmul.f32 v21, v10  }
0x264: {  	v21 =	vld [tilespmem:s29+$0x6180]  }
0x265: {  	v19 =	vadd.f32 v20, v19;
	v20 =	vmul.f32 v22, v11  }
0x266: {  	v22 =	vld [tilespmem:s29+$0x6200]  }
0x267: {  	v19 =	vadd.f32 v20, v19;
	v20 =	vmul.f32 v23, v12  }
0x268: {  	v23 =	vld [tilespmem:s29+$0x6280]  }
0x269: {  	v19 =	vadd.f32 v20, v19;
	v20 =	vmul.f32 v21, v13  }
0x26a: {  	v21 =	vld [tilespmem:s29+$0x6300]  }
0x26b: {  	v19 =	vadd.f32 v20, v19;
	v20 =	vmul.f32 v22, v14  }
0x26c: {  	v22 =	vld [tilespmem:s29+$0x6380]  }
0x26d: {  	v19 =	vadd.f32 v20, v19;
	v20 =	vmul.f32 v23, v15  }
0x26e: {  	v23 =	vld [tilespmem:s29+$0x6400]  }
0x26f: {  	v19 =	vadd.f32 v20, v19;
	v20 =	vmul.f32 v21, v16;
	_ =	sdelay $0x1  }
0x270: {  	v19 =	vadd.f32 v20, v19;
	v20 =	vmul.f32 v22, v17  }
.Ltmp3:
0x271: {  	(pc) =	sbr.rel @p0 .LBB2_8-.Ltmp3, $3  }
0x272: {  	v19 =	vadd.f32 v20, v19;
	v20 =	vmul.f32 v23, v18;
	_ =	sdelay $0x1  }
0x273: {  	s26 =	sadd.s32 $0x80, s26;
	v19 =	vadd.f32 v20, v19  }
0x274: {  	s30 =	sand.u32 $0x3C00, s26;
	s29 =	sand.u32 $0x70, s28;
	s28 =	sadd.s32 $0x10, s28  }
0x275: {  	s28 =	sor.u32 s29, s30;
	[tilespmem:s24+$0x0] =	vst v19  }
0x276: {  	s24 =	sadd.s32 $0x10, s24;
	v19 =	vld [tilespmem:s28+$0x2080]  }
0x277: {  	v20 =	vld [tilespmem:s24+$0x0]  }
0x278: {  	v21 =	vld [tilespmem:s28+$0x2100];
	_ =	sdelay $0x1  }
0x279: {  	v22 =	vld [tilespmem:s28+$0x2180]  }
0x27a: {  	v6 =	vmul.f32 v19, v6  }
0x27b: {  	v19 =	vld [tilespmem:s28+$0x2200]  }
0x27c: {  	v7 =	vmul.f32 v21, v7;
	v6 =	vadd.f32 v6, v20  }
0x27d: {  	v20 =	vld [tilespmem:s28+$0x2280]  }
0x27e: {  	s22 =	sadd.s32 $0x1, s22;
	v6 =	vadd.f32 v7, v6;
	v7 =	vmul.f32 v22, v9  }
0x27f: {  	s22 =	sand.u32 $0x7, s22;
	v9 =	vld [tilespmem:s28+$0x2300]  }
0x280: {  	s22 =	sshll.u32 s22, $0x4;
	v5 =	vmul.f32 v19, v5;
	v6 =	vadd.f32 v7, v6  }
0x281: {  	s22 =	sadd.s32 s22, s26;
	v7 =	vld [tilespmem:s28+$0x2380]  }
0x282: {  	s22 =	sor.u32 $0x380, s22;
	v3 =	vmul.f32 v20, v3;
	v5 =	vadd.f32 v5, v6  }
0x283: {  	v6 =	vld [tilespmem:s22+$0x2080]  }
0x284: {  	v4 =	vmul.f32 v9, v4;
	v3 =	vadd.f32 v3, v5  }
0x285: {  	v5 =	vld [tilespmem:s28+$0x6080]  }
0x286: {  	v3 =	vadd.f32 v4, v3;
	v4 =	vmul.f32 v7, v8  }
0x287: {  	v7 =	vld [tilespmem:s28+$0x6100]  }
0x288: {  	v3 =	vadd.f32 v4, v3;
	v4 =	vmul.f32 v6, v10  }
0x289: {  	v6 =	vld [tilespmem:s28+$0x6180]  }
0x28a: {  	v3 =	vadd.f32 v4, v3;
	v4 =	vmul.f32 v5, v11  }
0x28b: {  	v5 =	vld [tilespmem:s28+$0x6200]  }
0x28c: {  	v3 =	vadd.f32 v4, v3;
	v4 =	vmul.f32 v7, v12  }
0x28d: {  	v7 =	vld [tilespmem:s28+$0x6280]  }
0x28e: {  	v3 =	vadd.f32 v4, v3;
	v4 =	vmul.f32 v6, v13  }
0x28f: {  	v6 =	vld [tilespmem:s28+$0x6300]  }
0x290: {  	v3 =	vadd.f32 v4, v3;
	v4 =	vmul.f32 v5, v14  }
0x291: {  	v5 =	vld [tilespmem:s28+$0x6380]  }
0x292: {  	v3 =	vadd.f32 v4, v3;
	v4 =	vmul.f32 v7, v15  }
0x293: {  	v7 =	vld [tilespmem:s28+$0x6400]  }
0x294: {  	v3 =	vadd.f32 v4, v3;
	v4 =	vmul.f32 v6, v16;
	_ =	sdelay $0x1  }
0x295: {  	v3 =	vadd.f32 v4, v3;
	v4 =	vmul.f32 v5, v17;
	_ =	sdelay $0x1  }
0x296: {  	v3 =	vadd.f32 v4, v3;
	v4 =	vmul.f32 v7, v18;
	_ =	sdelay $0x1  }
0x297: {  	v3 =	vadd.f32 v4, v3  }
0x298: {  	s26 =	simm.s32 $0x400  }
0x299: {  	s22 =	simm.s32 $0xA080;
	s28 =	simm.s32 $0x80;
	[tilespmem:s24+$0x0] =	vst v3;
	s24 =	rddreg [dreg:$0xf]  }
0x29a: {  	[hbm4b:s24+s28] =	stream.strided.scatter [tilespmem:s22], [sflag:$0x2], $0x800, s26, s28, $0x38;
	[tilespmem:$0xA880] =	vst v63  }
0x29b: {  	_ =	swait.ge [sflag:s25], $0x800  }
0x29c: {  	[sflag:s25] =	ssyncset.done $0x0  }
0x29d: {  	[sflag:s25] =	ssyncadd.s32 $0xFFFFF800  }
0x29e: {  	s24 =	simm.s32 $0x0;
	s26 =	rddreg [dreg:$0x2]  }
0x29f: {  	[tilespmem:s22], [sflag:$0x2] =	stream.linear.gather [hbm4b:s26+s24], $0x800, $0x38;
	[tilespmem:$0xA880] =	vst v63  }
0x2a0: {  	_ =	swait.ge [sflag:s25], $0x800  }
0x2a1: {  	[sflag:s25] =	ssyncset.done $0x0  }
0x2a2: {  	s26 =	rddreg [dreg:$0x8];
	[sflag:s25] =	ssyncadd.s32 $0xFFFFF800  }
0x2a3: {  	[tilespmem:s28], [sflag:$0x2] =	stream.linear.gather [hbm4b:s26+s24], $0x2000, $0x38;
	[tilespmem:$0xA880] =	vst v63  }
0x2a4: {  	_ =	swait.ge [sflag:s25], $0x2000  }
0x2a5: {  	[sflag:s25] =	ssyncset.done $0x0  }
0x2a6: {  	s26 =	rddreg [dreg:$0xb];
	[sflag:s25] =	ssyncadd.s32 $0xFFFFE000  }
0x2a7: {  	[tilespmem:s24], [sflag:$0x2] =	stream.linear.gather [hbm4b:s26+s24], $0x80, $0x38;
	[tilespmem:$0xA880] =	vst v63  }
0x2a8: {  	_ =	swait.ge [sflag:s25], $0x80  }
0x2a9: {  	[sflag:s25] =	ssyncset.done $0x0  }
0x2aa: {  	[sflag:s25] =	ssyncadd.s32 $0xFFFFFF80  }
0x2ab: {  	v3 =	vld [tilespmem:$0x0];
	_ =	sdelay $0x4  }
0x2ac: {  	v4 =	vshll.u32 v3, $0x4  }
0x2ad: {  	v3 =	vand.u32 $0x7, v3;
	v4 =	vand.u32 $0xFFFFFF80, v4  }
0x2ae: {  	v3 =	vor.u32 v3, v4  }
0x2af: {  	v4 =	vperm.xlane v3, v0;
	_ =	sdelay $0x1  }
0x2b0: {  	v4 =	vadd.s32 v1, v4;
	_ =	sdelay $0x3  }
0x2b1: {  	s26 =	simm.s32 $0x2080  }
0x2b2: {  	[tilespmem:s26], [sflag:$0x1] =	stream.indirect_vreg.gather [hbm4b:s1+s24], $0x80, v4, vm0, $0xb8;
	[tilespmem:$0xA880] =	vst v63  }
0x2b3: {  	s26 =	simm.s32 $0x2880  }
0x2b4: {  	[tilespmem:s26], [sflag:$0x1] =	stream.indirect_vreg.gather [hbm4b:s7+s24], $0x80, v4, vm0, $0xb8;
	[tilespmem:$0xA880] =	vst v63  }
0x2b5: {  	s26 =	simm.s32 $0x3080  }
0x2b6: {  	[tilespmem:s26], [sflag:$0x1] =	stream.indirect_vreg.gather [hbm4b:s8+s24], $0x80, v4, vm0, $0xb8;
	[tilespmem:$0xA880] =	vst v63  }
0x2b7: {  	_ = 	snop  }
0x2b8: {  	[tilespmem:s31], [sflag:$0x1] =	stream.indirect_vreg.gather [hbm4b:s9+s24], $0x80, v4, vm0, $0xb8;
	[tilespmem:$0xA880] =	vst v63  }
0x2b9: {  	_ = 	snop  }
0x2ba: {  	[tilespmem:s0], [sflag:$0x1] =	stream.indirect_vreg.gather [hbm4b:s10+s24], $0x80, v4, vm0, $0xb8;
	[tilespmem:$0xA880] =	vst v63  }
0x2bb: {  	v3 =	vperm.xlane v3, v2  }
0x2bc: {  	[tilespmem:s3], [sflag:$0x1] =	stream.indirect_vreg.gather [hbm4b:s11+s24], $0x80, v4, vm0, $0xb8;
	[tilespmem:$0xA880] =	vst v63  }
0x2bd: {  	v3 =	vadd.s32 v1, v3  }
0x2be: {  	[tilespmem:s2], [sflag:$0x1] =	stream.indirect_vreg.gather [hbm4b:s12+s24], $0x80, v4, vm0, $0xb8;
	[tilespmem:$0xA880] =	vst v63  }
0x2bf: {  	_ = 	snop  }
0x2c0: {  	[tilespmem:s5], [sflag:$0x1] =	stream.indirect_vreg.gather [hbm4b:s21+s24], $0x80, v4, vm0, $0xb8;
	[tilespmem:$0xA880] =	vst v63  }
0x2c1: {  	_ = 	snop  }
0x2c2: {  	[tilespmem:s6], [sflag:$0x1] =	stream.indirect_vreg.gather [hbm4b:s1+s24], $0x80, v3, vm0, $0xb8;
	[tilespmem:$0xA880] =	vst v63  }
0x2c3: {  	_ = 	snop  }
0x2c4: {  	[tilespmem:s13], [sflag:$0x1] =	stream.indirect_vreg.gather [hbm4b:s7+s24], $0x80, v3, vm0, $0xb8;
	[tilespmem:$0xA880] =	vst v63  }
0x2c5: {  	_ = 	snop  }
0x2c6: {  	[tilespmem:s14], [sflag:$0x1] =	stream.indirect_vreg.gather [hbm4b:s8+s24], $0x80, v3, vm0, $0xb8;
	[tilespmem:$0xA880] =	vst v63  }
0x2c7: {  	_ = 	snop  }
0x2c8: {  	[tilespmem:s15], [sflag:$0x1] =	stream.indirect_vreg.gather [hbm4b:s9+s24], $0x80, v3, vm0, $0xb8;
	[tilespmem:$0xA880] =	vst v63  }
0x2c9: {  	_ = 	snop  }
0x2ca: {  	[tilespmem:s16], [sflag:$0x1] =	stream.indirect_vreg.gather [hbm4b:s10+s24], $0x80, v3, vm0, $0xb8;
	[tilespmem:$0xA880] =	vst v63  }
0x2cb: {  	_ = 	snop  }
0x2cc: {  	[tilespmem:s17], [sflag:$0x1] =	stream.indirect_vreg.gather [hbm4b:s11+s24], $0x80, v3, vm0, $0xb8;
	[tilespmem:$0xA880] =	vst v63  }
0x2cd: {  	_ = 	snop  }
0x2ce: {  	[tilespmem:s18], [sflag:$0x1] =	stream.indirect_vreg.gather [hbm4b:s12+s24], $0x80, v3, vm0, $0xb8;
	[tilespmem:$0xA880] =	vst v63  }
0x2cf: {  	_ = 	snop  }
0x2d0: {  	[tilespmem:s19], [sflag:$0x1] =	stream.indirect_vreg.gather [hbm4b:s21+s24], $0x80, v3, vm0, $0xb8;
	[tilespmem:$0xA880] =	vst v63  }
0x2d1: {  	_ =	swait.ge [sflag:s20], $0x8000  }
0x2d2: {  	[sflag:s20] =	ssyncset.done $0x0  }
0x2d3: {  	[sflag:s20] =	ssyncadd.s32 $0xFFFF8000  }
0x2d4: {  	s28 =	sand.u32 $0x3C00, s24;
	s26 =	sand.u32 $0x70, s24;
	v7 =	vld [tilespmem:$0x80]  }
0x2d5: {  	s26 =	sor.u32 s26, s28;
	v8 =	vld [tilespmem:$0x100]  }
0x2d6: {  	v3 =	vld [tilespmem:s26+$0x2080]  }
0x2d7: {  	v4 =	vld [tilespmem:s22+$0x0]  }
0x2d8: {  	v6 =	vld [tilespmem:s26+$0x2100]  }
0x2d9: {  	v9 =	vld [tilespmem:$0x180]  }
0x2da: {  	v10 =	vld [tilespmem:s26+$0x2180]  }
0x2db: {  	v5 =	vld [tilespmem:$0x200];
	v11 =	vmul.f32 v3, v7  }
0x2dc: {  	v12 =	vld [tilespmem:s26+$0x2200]  }
0x2dd: {  	v13 =	vld [tilespmem:s26+$0x2280];
	v6 =	vmul.f32 v6, v8;
	v11 =	vadd.f32 v11, v4  }
0x2de: {  	v3 =	vld [tilespmem:$0x280]  }
0x2df: {  	s28 =	sand.u32 $0x7, s24;
	v14 =	vld [tilespmem:s26+$0x2300];
	v10 =	vmul.f32 v10, v9;
	v11 =	vadd.f32 v6, v11  }
0x2e0: {  	s28 =	sshll.u32 s28, $0x4;
	v4 =	vld [tilespmem:$0x300]  }
0x2e1: {  	s28 =	sadd.s32 $0x0, s28;
	v15 =	vld [tilespmem:s26+$0x2380];
	v12 =	vmul.f32 v12, v5;
	v11 =	vadd.f32 v10, v11  }
0x2e2: {  	s28 =	sor.u32 $0x380, s28;
	v6 =	vld [tilespmem:$0x380]  }
0x2e3: {  	v16 =	vld [tilespmem:s28+$0x2080];
	v13 =	vmul.f32 v13, v3;
	v12 =	vadd.f32 v12, v11  }
0x2e4: {  	v10 =	vld [tilespmem:$0x400]  }
0x2e5: {  	v17 =	vld [tilespmem:s26+$0x6080];
	v14 =	vmul.f32 v14, v4;
	v13 =	vadd.f32 v13, v12  }
0x2e6: {  	v11 =	vld [tilespmem:$0x480]  }
0x2e7: {  	v18 =	vld [tilespmem:s26+$0x6100];
	v15 =	vmul.f32 v15, v6;
	v14 =	vadd.f32 v14, v13  }
0x2e8: {  	v12 =	vld [tilespmem:$0x500]  }
0x2e9: {  	v19 =	vld [tilespmem:s26+$0x6180];
	v16 =	vmul.f32 v16, v10;
	v15 =	vadd.f32 v15, v14  }
0x2ea: {  	v13 =	vld [tilespmem:$0x580]  }
0x2eb: {  	v20 =	vld [tilespmem:s26+$0x6200];
	v17 =	vmul.f32 v17, v11;
	v16 =	vadd.f32 v16, v15  }
0x2ec: {  	v14 =	vld [tilespmem:$0x600]  }
0x2ed: {  	v61 =	vld [tilespmem:s26+$0x6280];
	v18 =	vmul.f32 v18, v12;
	v17 =	vadd.f32 v17, v16  }
0x2ee: {  	v15 =	vld [tilespmem:$0x680]  }
0x2ef: {  	v62 =	vld [tilespmem:s26+$0x6300];
	v19 =	vmul.f32 v19, v13;
	v18 =	vadd.f32 v18, v17  }
0x2f0: {  	v16 =	vld [tilespmem:$0x700]  }
0x2f1: {  	v23 =	vld [tilespmem:s26+$0x6380];
	v20 =	vmul.f32 v20, v14;
	v19 =	vadd.f32 v19, v18  }
0x2f2: {  	v17 =	vld [tilespmem:$0x780]  }
0x2f3: {  	v63 =	vld [tilespmem:s26+$0x6400];
	v19 =	vadd.f32 v20, v19;
	v20 =	vmul.f32 v61, v15  }
0x2f4: {  	v18 =	vld [tilespmem:$0x800]  }
0x2f5: {  	v19 =	vadd.f32 v20, v19;
	v20 =	vmul.f32 v62, v16;
	_ =	sdelay $0x1  }
0x2f6: {  	v19 =	vadd.f32 v20, v19;
	v20 =	vmul.f32 v23, v17;
	_ =	sdelay $0x1  }
0x2f7: {  	v19 =	vadd.f32 v20, v19;
	v20 =	vmul.f32 v63, v18;
	_ =	sdelay $0x1  }
0x2f8: {  	s28 =	simm.s32 $0x10;
	s26 =	simm.s32 $0x80;
	v19 =	vadd.f32 v20, v19  }
0x2f9: {  	s29 =	sand.u32 $0x70, s28;
	s30 =	sand.u32 $0x3C00, s26;
	s28 =	simm.s32 $0x20  }
.LBB2_10:
0x2fa: {  	p0 =	sne.s32 s28, $0x7F0;
	s29 =	sor.u32 s29, s30;
	[tilespmem:s22+$0x0] =	vst v19  }
0x2fb: {  	s22 =	sadd.s32 $0x10, s22;
	v19 =	vld [tilespmem:s29+$0x2080]  }
0x2fc: {  	v20 =	vld [tilespmem:s22+$0x0]  }
0x2fd: {  	v21 =	vld [tilespmem:s29+$0x2100];
	_ =	sdelay $0x1  }
0x2fe: {  	v22 =	vld [tilespmem:s29+$0x2180]  }
0x2ff: {  	v19 =	vmul.f32 v19, v7  }
0x300: {  	v23 =	vld [tilespmem:s29+$0x2200]  }
0x301: {  	v19 =	vadd.f32 v19, v20;
	v20 =	vmul.f32 v21, v8  }
0x302: {  	v21 =	vld [tilespmem:s29+$0x2280]  }
0x303: {  	s24 =	sadd.s32 $0x1, s24;
	v19 =	vadd.f32 v20, v19;
	v20 =	vmul.f32 v22, v9  }
0x304: {  	s30 =	sand.u32 $0x7, s24;
	v22 =	vld [tilespmem:s29+$0x2300]  }
0x305: {  	s30 =	sshll.u32 s30, $0x4;
	v19 =	vadd.f32 v20, v19;
	v20 =	vmul.f32 v23, v5  }
0x306: {  	s30 =	sadd.s32 s30, s26;
	v23 =	vld [tilespmem:s29+$0x2380]  }
0x307: {  	s30 =	sor.u32 $0x380, s30;
	v19 =	vadd.f32 v20, v19;
	v20 =	vmul.f32 v21, v3  }
0x308: {  	v21 =	vld [tilespmem:s30+$0x2080]  }
0x309: {  	v19 =	vadd.f32 v20, v19;
	v20 =	vmul.f32 v22, v4  }
0x30a: {  	v22 =	vld [tilespmem:s29+$0x6080]  }
0x30b: {  	v19 =	vadd.f32 v20, v19;
	v20 =	vmul.f32 v23, v6  }
0x30c: {  	v23 =	vld [tilespmem:s29+$0x6100]  }
0x30d: {  	v19 =	vadd.f32 v20, v19;
	v20 =	vmul.f32 v21, v10  }
0x30e: {  	v21 =	vld [tilespmem:s29+$0x6180]  }
0x30f: {  	v19 =	vadd.f32 v20, v19;
	v20 =	vmul.f32 v22, v11  }
0x310: {  	v22 =	vld [tilespmem:s29+$0x6200]  }
0x311: {  	v19 =	vadd.f32 v20, v19;
	v20 =	vmul.f32 v23, v12  }
0x312: {  	v23 =	vld [tilespmem:s29+$0x6280]  }
0x313: {  	v19 =	vadd.f32 v20, v19;
	v20 =	vmul.f32 v21, v13  }
0x314: {  	v21 =	vld [tilespmem:s29+$0x6300]  }
0x315: {  	v19 =	vadd.f32 v20, v19;
	v20 =	vmul.f32 v22, v14  }
0x316: {  	v22 =	vld [tilespmem:s29+$0x6380]  }
0x317: {  	v19 =	vadd.f32 v20, v19;
	v20 =	vmul.f32 v23, v15  }
0x318: {  	v23 =	vld [tilespmem:s29+$0x6400]  }
0x319: {  	v19 =	vadd.f32 v20, v19;
	v20 =	vmul.f32 v21, v16;
	_ =	sdelay $0x1  }
0x31a: {  	v19 =	vadd.f32 v20, v19;
	v20 =	vmul.f32 v22, v17  }
.Ltmp4:
0x31b: {  	(pc) =	sbr.rel @p0 .LBB2_10-.Ltmp4, $3  }
0x31c: {  	v19 =	vadd.f32 v20, v19;
	v20 =	vmul.f32 v23, v18;
	_ =	sdelay $0x1  }
0x31d: {  	s26 =	sadd.s32 $0x80, s26;
	v19 =	vadd.f32 v20, v19  }
0x31e: {  	s30 =	sand.u32 $0x3C00, s26;
	s29 =	sand.u32 $0x70, s28;
	s28 =	sadd.s32 $0x10, s28  }
0x31f: {  	s28 =	sor.u32 s29, s30;
	[tilespmem:s22+$0x0] =	vst v19  }
0x320: {  	s22 =	sadd.s32 $0x10, s22;
	v19 =	vld [tilespmem:s28+$0x2080]  }
0x321: {  	v20 =	vld [tilespmem:s22+$0x0]  }
0x322: {  	v21 =	vld [tilespmem:s28+$0x2100];
	_ =	sdelay $0x1  }
0x323: {  	v22 =	vld [tilespmem:s28+$0x2180]  }
0x324: {  	v7 =	vmul.f32 v19, v7  }
0x325: {  	v19 =	vld [tilespmem:s28+$0x2200]  }
0x326: {  	v8 =	vmul.f32 v21, v8;
	v7 =	vadd.f32 v7, v20  }
0x327: {  	v20 =	vld [tilespmem:s28+$0x2280]  }
0x328: {  	s24 =	sadd.s32 $0x1, s24;
	v7 =	vadd.f32 v8, v7;
	v8 =	vmul.f32 v22, v9  }
0x329: {  	s24 =	sand.u32 $0x7, s24;
	v9 =	vld [tilespmem:s28+$0x2300]  }
0x32a: {  	s24 =	sshll.u32 s24, $0x4;
	v5 =	vmul.f32 v19, v5;
	v7 =	vadd.f32 v8, v7  }
0x32b: {  	s24 =	sadd.s32 s24, s26;
	v8 =	vld [tilespmem:s28+$0x2380]  }
0x32c: {  	s24 =	sor.u32 $0x380, s24;
	v3 =	vmul.f32 v20, v3;
	v5 =	vadd.f32 v5, v7  }
0x32d: {  	v7 =	vld [tilespmem:s24+$0x2080]  }
0x32e: {  	v4 =	vmul.f32 v9, v4;
	v3 =	vadd.f32 v3, v5  }
0x32f: {  	v5 =	vld [tilespmem:s28+$0x6080]  }
0x330: {  	v3 =	vadd.f32 v4, v3;
	v4 =	vmul.f32 v8, v6  }
0x331: {  	v6 =	vld [tilespmem:s28+$0x6100]  }
0x332: {  	v3 =	vadd.f32 v4, v3;
	v4 =	vmul.f32 v7, v10  }
0x333: {  	v7 =	vld [tilespmem:s28+$0x6180]  }
0x334: {  	v3 =	vadd.f32 v4, v3;
	v4 =	vmul.f32 v5, v11  }
0x335: {  	v5 =	vld [tilespmem:s28+$0x6200]  }
0x336: {  	v3 =	vadd.f32 v4, v3;
	v4 =	vmul.f32 v6, v12  }
0x337: {  	v6 =	vld [tilespmem:s28+$0x6280]  }
0x338: {  	v3 =	vadd.f32 v4, v3;
	v4 =	vmul.f32 v7, v13  }
0x339: {  	v7 =	vld [tilespmem:s28+$0x6300]  }
0x33a: {  	v3 =	vadd.f32 v4, v3;
	v4 =	vmul.f32 v5, v14  }
0x33b: {  	v5 =	vld [tilespmem:s28+$0x6380]  }
0x33c: {  	v3 =	vadd.f32 v4, v3;
	v4 =	vmul.f32 v6, v15  }
0x33d: {  	v6 =	vld [tilespmem:s28+$0x6400]  }
0x33e: {  	v3 =	vadd.f32 v4, v3;
	v4 =	vmul.f32 v7, v16;
	_ =	sdelay $0x1  }
0x33f: {  	v3 =	vadd.f32 v4, v3;
	v4 =	vmul.f32 v5, v17;
	_ =	sdelay $0x1  }
0x340: {  	v3 =	vadd.f32 v4, v3;
	v4 =	vmul.f32 v6, v18;
	_ =	sdelay $0x1  }
0x341: {  	v3 =	vadd.f32 v4, v3;
	_ =	sdelay $0x1  }
0x342: {  	s26 =	rddreg [dreg:$0xc];
	[tilespmem:s22+$0x0] =	vst v3;
	s22 =	simm.s32 $0x0  }
0x343: {  	[tilespmem:s22], [sflag:$0x2] =	stream.linear.gather [hbm4b:s26+s22], $0x80, $0x38;
	[tilespmem:$0xA880] =	vst v63  }
0x344: {  	_ =	swait.ge [sflag:s25], $0x80  }
0x345: {  	[sflag:s25] =	ssyncset.done $0x0  }
0x346: {  	[sflag:s25] =	ssyncadd.s32 $0xFFFFFF80  }
0x347: {  	v3 =	vld [tilespmem:$0x0];
	_ =	sdelay $0x4  }
0x348: {  	v4 =	vshll.u32 v3, $0x4  }
0x349: {  	v3 =	vand.u32 $0x7, v3;
	v4 =	vand.u32 $0xFFFFFF80, v4  }
0x34a: {  	v3 =	vor.u32 v3, v4  }
0x34b: {  	v4 =	vperm.xlane v3, v0;
	_ =	sdelay $0x1  }
0x34c: {  	v4 =	vadd.s32 v1, v4;
	_ =	sdelay $0x3  }
0x34d: {  	s26 =	simm.s32 $0x2080  }
0x34e: {  	[tilespmem:s26], [sflag:$0x1] =	stream.indirect_vreg.gather [hbm4b:s1+s22], $0x80, v4, vm0, $0xb8;
	[tilespmem:$0xA880] =	vst v63  }
0x34f: {  	s26 =	simm.s32 $0x2880  }
0x350: {  	[tilespmem:s26], [sflag:$0x1] =	stream.indirect_vreg.gather [hbm4b:s7+s22], $0x80, v4, vm0, $0xb8;
	[tilespmem:$0xA880] =	vst v63  }
0x351: {  	s26 =	simm.s32 $0x3080  }
0x352: {  	[tilespmem:s26], [sflag:$0x1] =	stream.indirect_vreg.gather [hbm4b:s8+s22], $0x80, v4, vm0, $0xb8;
	[tilespmem:$0xA880] =	vst v63  }
0x353: {  	_ = 	snop  }
0x354: {  	[tilespmem:s31], [sflag:$0x1] =	stream.indirect_vreg.gather [hbm4b:s9+s22], $0x80, v4, vm0, $0xb8;
	[tilespmem:$0xA880] =	vst v63  }
0x355: {  	_ = 	snop  }
0x356: {  	[tilespmem:s0], [sflag:$0x1] =	stream.indirect_vreg.gather [hbm4b:s10+s22], $0x80, v4, vm0, $0xb8;
	[tilespmem:$0xA880] =	vst v63  }
0x357: {  	v3 =	vperm.xlane v3, v2  }
0x358: {  	[tilespmem:s3], [sflag:$0x1] =	stream.indirect_vreg.gather [hbm4b:s11+s22], $0x80, v4, vm0, $0xb8;
	[tilespmem:$0xA880] =	vst v63  }
0x359: {  	v3 =	vadd.s32 v1, v3  }
0x35a: {  	[tilespmem:s2], [sflag:$0x1] =	stream.indirect_vreg.gather [hbm4b:s12+s22], $0x80, v4, vm0, $0xb8;
	[tilespmem:$0xA880] =	vst v63  }
0x35b: {  	_ = 	snop  }
0x35c: {  	[tilespmem:s5], [sflag:$0x1] =	stream.indirect_vreg.gather [hbm4b:s21+s22], $0x80, v4, vm0, $0xb8;
	[tilespmem:$0xA880] =	vst v63  }
0x35d: {  	_ = 	snop  }
0x35e: {  	[tilespmem:s6], [sflag:$0x1] =	stream.indirect_vreg.gather [hbm4b:s1+s22], $0x80, v3, vm0, $0xb8;
	[tilespmem:$0xA880] =	vst v63  }
0x35f: {  	_ = 	snop  }
0x360: {  	[tilespmem:s13], [sflag:$0x1] =	stream.indirect_vreg.gather [hbm4b:s7+s22], $0x80, v3, vm0, $0xb8;
	[tilespmem:$0xA880] =	vst v63  }
0x361: {  	_ = 	snop  }
0x362: {  	[tilespmem:s14], [sflag:$0x1] =	stream.indirect_vreg.gather [hbm4b:s8+s22], $0x80, v3, vm0, $0xb8;
	[tilespmem:$0xA880] =	vst v63  }
0x363: {  	_ = 	snop  }
0x364: {  	[tilespmem:s15], [sflag:$0x1] =	stream.indirect_vreg.gather [hbm4b:s9+s22], $0x80, v3, vm0, $0xb8;
	[tilespmem:$0xA880] =	vst v63  }
0x365: {  	_ = 	snop  }
0x366: {  	[tilespmem:s16], [sflag:$0x1] =	stream.indirect_vreg.gather [hbm4b:s10+s22], $0x80, v3, vm0, $0xb8;
	[tilespmem:$0xA880] =	vst v63  }
0x367: {  	_ = 	snop  }
0x368: {  	[tilespmem:s17], [sflag:$0x1] =	stream.indirect_vreg.gather [hbm4b:s11+s22], $0x80, v3, vm0, $0xb8;
	[tilespmem:$0xA880] =	vst v63  }
0x369: {  	_ = 	snop  }
0x36a: {  	[tilespmem:s18], [sflag:$0x1] =	stream.indirect_vreg.gather [hbm4b:s12+s22], $0x80, v3, vm0, $0xb8;
	[tilespmem:$0xA880] =	vst v63  }
0x36b: {  	_ = 	snop  }
0x36c: {  	[tilespmem:s19], [sflag:$0x1] =	stream.indirect_vreg.gather [hbm4b:s21+s22], $0x80, v3, vm0, $0xb8;
	[tilespmem:$0xA880] =	vst v63  }
0x36d: {  	_ =	swait.ge [sflag:s20], $0x8000  }
0x36e: {  	[sflag:s20] =	ssyncset.done $0x0  }
0x36f: {  	[sflag:s20] =	ssyncadd.s32 $0xFFFF8000  }
0x370: {  	s24 =	sand.u32 $0x70, s22;
	s26 =	sand.u32 $0x3C00, s22;
	v6 =	vld [tilespmem:$0x880]  }
0x371: {  	s26 =	sor.u32 s24, s26;
	v7 =	vld [tilespmem:$0x900]  }
0x372: {  	s24 =	simm.s32 $0xA080;
	v3 =	vld [tilespmem:s26+$0x2080]  }
0x373: {  	v4 =	vld [tilespmem:s24+$0x0]  }
0x374: {  	v8 =	vld [tilespmem:s26+$0x2100]  }
0x375: {  	v9 =	vld [tilespmem:$0x980]  }
0x376: {  	v10 =	vld [tilespmem:s26+$0x2180]  }
0x377: {  	v5 =	vld [tilespmem:$0xA00];
	v11 =	vmul.f32 v3, v6  }
0x378: {  	v12 =	vld [tilespmem:s26+$0x2200]  }
0x379: {  	v13 =	vld [tilespmem:s26+$0x2280];
	v8 =	vmul.f32 v8, v7;
	v11 =	vadd.f32 v11, v4  }
0x37a: {  	v3 =	vld [tilespmem:$0xA80]  }
0x37b: {  	s28 =	sand.u32 $0x7, s22;
	v14 =	vld [tilespmem:s26+$0x2300];
	v10 =	vmul.f32 v10, v9;
	v11 =	vadd.f32 v8, v11  }
0x37c: {  	s28 =	sshll.u32 s28, $0x4;
	v4 =	vld [tilespmem:$0xB00]  }
0x37d: {  	s28 =	sadd.s32 $0x0, s28;
	v15 =	vld [tilespmem:s26+$0x2380];
	v12 =	vmul.f32 v12, v5;
	v11 =	vadd.f32 v10, v11  }
0x37e: {  	s28 =	sor.u32 $0x380, s28;
	v8 =	vld [tilespmem:$0xB80]  }
0x37f: {  	v16 =	vld [tilespmem:s28+$0x2080];
	v13 =	vmul.f32 v13, v3;
	v12 =	vadd.f32 v12, v11  }
0x380: {  	v10 =	vld [tilespmem:$0xC00]  }
0x381: {  	v17 =	vld [tilespmem:s26+$0x6080];
	v14 =	vmul.f32 v14, v4;
	v13 =	vadd.f32 v13, v12  }
0x382: {  	v11 =	vld [tilespmem:$0xC80]  }
0x383: {  	v18 =	vld [tilespmem:s26+$0x6100];
	v15 =	vmul.f32 v15, v8;
	v14 =	vadd.f32 v14, v13  }
0x384: {  	v12 =	vld [tilespmem:$0xD00]  }
0x385: {  	v19 =	vld [tilespmem:s26+$0x6180];
	v16 =	vmul.f32 v16, v10;
	v15 =	vadd.f32 v15, v14  }
0x386: {  	v13 =	vld [tilespmem:$0xD80]  }
0x387: {  	v20 =	vld [tilespmem:s26+$0x6200];
	v17 =	vmul.f32 v17, v11;
	v16 =	vadd.f32 v16, v15  }
0x388: {  	v14 =	vld [tilespmem:$0xE00]  }
0x389: {  	v61 =	vld [tilespmem:s26+$0x6280];
	v18 =	vmul.f32 v18, v12;
	v17 =	vadd.f32 v17, v16  }
0x38a: {  	v15 =	vld [tilespmem:$0xE80]  }
0x38b: {  	v62 =	vld [tilespmem:s26+$0x6300];
	v19 =	vmul.f32 v19, v13;
	v18 =	vadd.f32 v18, v17  }
0x38c: {  	v16 =	vld [tilespmem:$0xF00]  }
0x38d: {  	v23 =	vld [tilespmem:s26+$0x6380];
	v20 =	vmul.f32 v20, v14;
	v19 =	vadd.f32 v19, v18  }
0x38e: {  	v17 =	vld [tilespmem:$0xF80]  }
0x38f: {  	v63 =	vld [tilespmem:s26+$0x6400];
	v19 =	vadd.f32 v20, v19;
	v20 =	vmul.f32 v61, v15  }
0x390: {  	v18 =	vld [tilespmem:$0x1000]  }
0x391: {  	v19 =	vadd.f32 v20, v19;
	v20 =	vmul.f32 v62, v16;
	_ =	sdelay $0x1  }
0x392: {  	v19 =	vadd.f32 v20, v19;
	v20 =	vmul.f32 v23, v17;
	_ =	sdelay $0x1  }
0x393: {  	v19 =	vadd.f32 v20, v19;
	v20 =	vmul.f32 v63, v18;
	_ =	sdelay $0x1  }
0x394: {  	s28 =	simm.s32 $0x10;
	s26 =	simm.s32 $0x80;
	v19 =	vadd.f32 v20, v19  }
0x395: {  	s29 =	sand.u32 $0x70, s28;
	s30 =	sand.u32 $0x3C00, s26;
	s28 =	simm.s32 $0x20  }
.LBB2_12:
0x396: {  	p0 =	sne.s32 s28, $0x7F0;
	s29 =	sor.u32 s29, s30;
	[tilespmem:s24+$0x0] =	vst v19  }
0x397: {  	s24 =	sadd.s32 $0x10, s24;
	v19 =	vld [tilespmem:s29+$0x2080]  }
0x398: {  	v20 =	vld [tilespmem:s24+$0x0]  }
0x399: {  	v21 =	vld [tilespmem:s29+$0x2100];
	_ =	sdelay $0x1  }
0x39a: {  	v22 =	vld [tilespmem:s29+$0x2180]  }
0x39b: {  	v19 =	vmul.f32 v19, v6  }
0x39c: {  	v23 =	vld [tilespmem:s29+$0x2200]  }
0x39d: {  	v19 =	vadd.f32 v19, v20;
	v20 =	vmul.f32 v21, v7  }
0x39e: {  	v21 =	vld [tilespmem:s29+$0x2280]  }
0x39f: {  	s22 =	sadd.s32 $0x1, s22;
	v19 =	vadd.f32 v20, v19;
	v20 =	vmul.f32 v22, v9  }
0x3a0: {  	s30 =	sand.u32 $0x7, s22;
	v22 =	vld [tilespmem:s29+$0x2300]  }
0x3a1: {  	s30 =	sshll.u32 s30, $0x4;
	v19 =	vadd.f32 v20, v19;
	v20 =	vmul.f32 v23, v5  }
0x3a2: {  	s30 =	sadd.s32 s30, s26;
	v23 =	vld [tilespmem:s29+$0x2380]  }
0x3a3: {  	s30 =	sor.u32 $0x380, s30;
	v19 =	vadd.f32 v20, v19;
	v20 =	vmul.f32 v21, v3  }
0x3a4: {  	v21 =	vld [tilespmem:s30+$0x2080]  }
0x3a5: {  	v19 =	vadd.f32 v20, v19;
	v20 =	vmul.f32 v22, v4  }
0x3a6: {  	v22 =	vld [tilespmem:s29+$0x6080]  }
0x3a7: {  	v19 =	vadd.f32 v20, v19;
	v20 =	vmul.f32 v23, v8  }
0x3a8: {  	v23 =	vld [tilespmem:s29+$0x6100]  }
0x3a9: {  	v19 =	vadd.f32 v20, v19;
	v20 =	vmul.f32 v21, v10  }
0x3aa: {  	v21 =	vld [tilespmem:s29+$0x6180]  }
0x3ab: {  	v19 =	vadd.f32 v20, v19;
	v20 =	vmul.f32 v22, v11  }
0x3ac: {  	v22 =	vld [tilespmem:s29+$0x6200]  }
0x3ad: {  	v19 =	vadd.f32 v20, v19;
	v20 =	vmul.f32 v23, v12  }
0x3ae: {  	v23 =	vld [tilespmem:s29+$0x6280]  }
0x3af: {  	v19 =	vadd.f32 v20, v19;
	v20 =	vmul.f32 v21, v13  }
0x3b0: {  	v21 =	vld [tilespmem:s29+$0x6300]  }
0x3b1: {  	v19 =	vadd.f32 v20, v19;
	v20 =	vmul.f32 v22, v14  }
0x3b2: {  	v22 =	vld [tilespmem:s29+$0x6380]  }
0x3b3: {  	v19 =	vadd.f32 v20, v19;
	v20 =	vmul.f32 v23, v15  }
0x3b4: {  	v23 =	vld [tilespmem:s29+$0x6400]  }
0x3b5: {  	v19 =	vadd.f32 v20, v19;
	v20 =	vmul.f32 v21, v16;
	_ =	sdelay $0x1  }
0x3b6: {  	v19 =	vadd.f32 v20, v19;
	v20 =	vmul.f32 v22, v17  }
.Ltmp5:
0x3b7: {  	(pc) =	sbr.rel @p0 .LBB2_12-.Ltmp5, $3  }
0x3b8: {  	v19 =	vadd.f32 v20, v19;
	v20 =	vmul.f32 v23, v18;
	_ =	sdelay $0x1  }
0x3b9: {  	s26 =	sadd.s32 $0x80, s26;
	v19 =	vadd.f32 v20, v19  }
0x3ba: {  	s30 =	sand.u32 $0x3C00, s26;
	s29 =	sand.u32 $0x70, s28;
	s28 =	sadd.s32 $0x10, s28  }
0x3bb: {  	s28 =	sor.u32 s29, s30;
	[tilespmem:s24+$0x0] =	vst v19  }
0x3bc: {  	s24 =	sadd.s32 $0x10, s24;
	v19 =	vld [tilespmem:s28+$0x2080]  }
0x3bd: {  	v20 =	vld [tilespmem:s24+$0x0]  }
0x3be: {  	v21 =	vld [tilespmem:s28+$0x2100];
	_ =	sdelay $0x1  }
0x3bf: {  	v22 =	vld [tilespmem:s28+$0x2180]  }
0x3c0: {  	v6 =	vmul.f32 v19, v6  }
0x3c1: {  	v19 =	vld [tilespmem:s28+$0x2200]  }
0x3c2: {  	v7 =	vmul.f32 v21, v7;
	v6 =	vadd.f32 v6, v20  }
0x3c3: {  	v20 =	vld [tilespmem:s28+$0x2280]  }
0x3c4: {  	s22 =	sadd.s32 $0x1, s22;
	v6 =	vadd.f32 v7, v6;
	v7 =	vmul.f32 v22, v9  }
0x3c5: {  	s22 =	sand.u32 $0x7, s22;
	v9 =	vld [tilespmem:s28+$0x2300]  }
0x3c6: {  	s22 =	sshll.u32 s22, $0x4;
	v5 =	vmul.f32 v19, v5;
	v6 =	vadd.f32 v7, v6  }
0x3c7: {  	s22 =	sadd.s32 s22, s26;
	v7 =	vld [tilespmem:s28+$0x2380]  }
0x3c8: {  	s22 =	sor.u32 $0x380, s22;
	v3 =	vmul.f32 v20, v3;
	v5 =	vadd.f32 v5, v6  }
0x3c9: {  	v6 =	vld [tilespmem:s22+$0x2080]  }
0x3ca: {  	v4 =	vmul.f32 v9, v4;
	v3 =	vadd.f32 v3, v5  }
0x3cb: {  	v5 =	vld [tilespmem:s28+$0x6080]  }
0x3cc: {  	v3 =	vadd.f32 v4, v3;
	v4 =	vmul.f32 v7, v8  }
0x3cd: {  	v7 =	vld [tilespmem:s28+$0x6100]  }
0x3ce: {  	v3 =	vadd.f32 v4, v3;
	v4 =	vmul.f32 v6, v10  }
0x3cf: {  	v6 =	vld [tilespmem:s28+$0x6180]  }
0x3d0: {  	v3 =	vadd.f32 v4, v3;
	v4 =	vmul.f32 v5, v11  }
0x3d1: {  	v5 =	vld [tilespmem:s28+$0x6200]  }
0x3d2: {  	v3 =	vadd.f32 v4, v3;
	v4 =	vmul.f32 v7, v12  }
0x3d3: {  	v7 =	vld [tilespmem:s28+$0x6280]  }
0x3d4: {  	v3 =	vadd.f32 v4, v3;
	v4 =	vmul.f32 v6, v13  }
0x3d5: {  	v6 =	vld [tilespmem:s28+$0x6300]  }
0x3d6: {  	v3 =	vadd.f32 v4, v3;
	v4 =	vmul.f32 v5, v14  }
0x3d7: {  	v5 =	vld [tilespmem:s28+$0x6380]  }
0x3d8: {  	v3 =	vadd.f32 v4, v3;
	v4 =	vmul.f32 v7, v15  }
0x3d9: {  	v7 =	vld [tilespmem:s28+$0x6400]  }
0x3da: {  	v3 =	vadd.f32 v4, v3;
	v4 =	vmul.f32 v6, v16;
	_ =	sdelay $0x1  }
0x3db: {  	v3 =	vadd.f32 v4, v3;
	v4 =	vmul.f32 v5, v17;
	_ =	sdelay $0x1  }
0x3dc: {  	v3 =	vadd.f32 v4, v3;
	v4 =	vmul.f32 v7, v18;
	_ =	sdelay $0x1  }
0x3dd: {  	v3 =	vadd.f32 v4, v3;
	_ =	sdelay $0x1  }
0x3de: {  	s26 =	rddreg [dreg:$0xd];
	s22 =	simm.s32 $0x0;
	[tilespmem:s24+$0x0] =	vst v3  }
0x3df: {  	[tilespmem:s22], [sflag:$0x2] =	stream.linear.gather [hbm4b:s26+s22], $0x80, $0x38;
	[tilespmem:$0xA880] =	vst v63  }
0x3e0: {  	_ =	swait.ge [sflag:s25], $0x80  }
0x3e1: {  	[sflag:s25] =	ssyncset.done $0x0  }
0x3e2: {  	[sflag:s25] =	ssyncadd.s32 $0xFFFFFF80  }
0x3e3: {  	v3 =	vld [tilespmem:$0x0];
	_ =	sdelay $0x4  }
0x3e4: {  	v4 =	vshll.u32 v3, $0x4  }
0x3e5: {  	v3 =	vand.u32 $0x7, v3;
	v4 =	vand.u32 $0xFFFFFF80, v4  }
0x3e6: {  	v3 =	vor.u32 v3, v4  }
0x3e7: {  	v4 =	vperm.xlane v3, v0;
	_ =	sdelay $0x1  }
0x3e8: {  	v4 =	vadd.s32 v1, v4;
	_ =	sdelay $0x3  }
0x3e9: {  	s26 =	simm.s32 $0x2080  }
0x3ea: {  	[tilespmem:s26], [sflag:$0x1] =	stream.indirect_vreg.gather [hbm4b:s1+s22], $0x80, v4, vm0, $0xb8;
	[tilespmem:$0xA880] =	vst v63  }
0x3eb: {  	s26 =	simm.s32 $0x2880  }
0x3ec: {  	[tilespmem:s26], [sflag:$0x1] =	stream.indirect_vreg.gather [hbm4b:s7+s22], $0x80, v4, vm0, $0xb8;
	[tilespmem:$0xA880] =	vst v63  }
0x3ed: {  	s26 =	simm.s32 $0x3080  }
0x3ee: {  	[tilespmem:s26], [sflag:$0x1] =	stream.indirect_vreg.gather [hbm4b:s8+s22], $0x80, v4, vm0, $0xb8;
	[tilespmem:$0xA880] =	vst v63  }
0x3ef: {  	_ = 	snop  }
0x3f0: {  	[tilespmem:s31], [sflag:$0x1] =	stream.indirect_vreg.gather [hbm4b:s9+s22], $0x80, v4, vm0, $0xb8;
	[tilespmem:$0xA880] =	vst v63  }
0x3f1: {  	_ = 	snop  }
0x3f2: {  	[tilespmem:s0], [sflag:$0x1] =	stream.indirect_vreg.gather [hbm4b:s10+s22], $0x80, v4, vm0, $0xb8;
	[tilespmem:$0xA880] =	vst v63  }
0x3f3: {  	v3 =	vperm.xlane v3, v2  }
0x3f4: {  	[tilespmem:s3], [sflag:$0x1] =	stream.indirect_vreg.gather [hbm4b:s11+s22], $0x80, v4, vm0, $0xb8;
	[tilespmem:$0xA880] =	vst v63  }
0x3f5: {  	v3 =	vadd.s32 v1, v3  }
0x3f6: {  	[tilespmem:s2], [sflag:$0x1] =	stream.indirect_vreg.gather [hbm4b:s12+s22], $0x80, v4, vm0, $0xb8;
	[tilespmem:$0xA880] =	vst v63  }
0x3f7: {  	_ = 	snop  }
0x3f8: {  	[tilespmem:s5], [sflag:$0x1] =	stream.indirect_vreg.gather [hbm4b:s21+s22], $0x80, v4, vm0, $0xb8;
	[tilespmem:$0xA880] =	vst v63  }
0x3f9: {  	_ = 	snop  }
0x3fa: {  	[tilespmem:s6], [sflag:$0x1] =	stream.indirect_vreg.gather [hbm4b:s1+s22], $0x80, v3, vm0, $0xb8;
	[tilespmem:$0xA880] =	vst v63  }
0x3fb: {  	_ = 	snop  }
0x3fc: {  	[tilespmem:s13], [sflag:$0x1] =	stream.indirect_vreg.gather [hbm4b:s7+s22], $0x80, v3, vm0, $0xb8;
	[tilespmem:$0xA880] =	vst v63  }
0x3fd: {  	_ = 	snop  }
0x3fe: {  	[tilespmem:s14], [sflag:$0x1] =	stream.indirect_vreg.gather [hbm4b:s8+s22], $0x80, v3, vm0, $0xb8;
	[tilespmem:$0xA880] =	vst v63  }
0x3ff: {  	_ = 	snop  }
0x400: {  	[tilespmem:s15], [sflag:$0x1] =	stream.indirect_vreg.gather [hbm4b:s9+s22], $0x80, v3, vm0, $0xb8;
	[tilespmem:$0xA880] =	vst v63  }
0x401: {  	_ = 	snop  }
0x402: {  	[tilespmem:s16], [sflag:$0x1] =	stream.indirect_vreg.gather [hbm4b:s10+s22], $0x80, v3, vm0, $0xb8;
	[tilespmem:$0xA880] =	vst v63  }
0x403: {  	_ = 	snop  }
0x404: {  	[tilespmem:s17], [sflag:$0x1] =	stream.indirect_vreg.gather [hbm4b:s11+s22], $0x80, v3, vm0, $0xb8;
	[tilespmem:$0xA880] =	vst v63  }
0x405: {  	_ = 	snop  }
0x406: {  	[tilespmem:s18], [sflag:$0x1] =	stream.indirect_vreg.gather [hbm4b:s12+s22], $0x80, v3, vm0, $0xb8;
	[tilespmem:$0xA880] =	vst v63  }
0x407: {  	_ = 	snop  }
0x408: {  	[tilespmem:s19], [sflag:$0x1] =	stream.indirect_vreg.gather [hbm4b:s21+s22], $0x80, v3, vm0, $0xb8;
	[tilespmem:$0xA880] =	vst v63  }
0x409: {  	_ =	swait.ge [sflag:s20], $0x8000  }
0x40a: {  	[sflag:s20] =	ssyncset.done $0x0  }
0x40b: {  	[sflag:s20] =	ssyncadd.s32 $0xFFFF8000  }
0x40c: {  	s24 =	sand.u32 $0x70, s22;
	s26 =	sand.u32 $0x3C00, s22;
	v6 =	vld [tilespmem:$0x1080]  }
0x40d: {  	s26 =	sor.u32 s24, s26;
	v7 =	vld [tilespmem:$0x1100]  }
0x40e: {  	s24 =	simm.s32 $0xA080;
	v3 =	vld [tilespmem:s26+$0x2080]  }
0x40f: {  	v4 =	vld [tilespmem:s24+$0x0]  }
0x410: {  	v8 =	vld [tilespmem:s26+$0x2100]  }
0x411: {  	v9 =	vld [tilespmem:$0x1180]  }
0x412: {  	v10 =	vld [tilespmem:s26+$0x2180]  }
0x413: {  	v5 =	vld [tilespmem:$0x1200];
	v11 =	vmul.f32 v3, v6  }
0x414: {  	v12 =	vld [tilespmem:s26+$0x2200]  }
0x415: {  	v13 =	vld [tilespmem:s26+$0x2280];
	v8 =	vmul.f32 v8, v7;
	v11 =	vadd.f32 v11, v4  }
0x416: {  	v3 =	vld [tilespmem:$0x1280]  }
0x417: {  	s28 =	sand.u32 $0x7, s22;
	v14 =	vld [tilespmem:s26+$0x2300];
	v10 =	vmul.f32 v10, v9;
	v11 =	vadd.f32 v8, v11  }
0x418: {  	s28 =	sshll.u32 s28, $0x4;
	v4 =	vld [tilespmem:$0x1300]  }
0x419: {  	s28 =	sadd.s32 $0x0, s28;
	v15 =	vld [tilespmem:s26+$0x2380];
	v12 =	vmul.f32 v12, v5;
	v11 =	vadd.f32 v10, v11  }
0x41a: {  	s28 =	sor.u32 $0x380, s28;
	v8 =	vld [tilespmem:$0x1380]  }
0x41b: {  	v16 =	vld [tilespmem:s28+$0x2080];
	v13 =	vmul.f32 v13, v3;
	v12 =	vadd.f32 v12, v11  }
0x41c: {  	v10 =	vld [tilespmem:$0x1400]  }
0x41d: {  	v17 =	vld [tilespmem:s26+$0x6080];
	v14 =	vmul.f32 v14, v4;
	v13 =	vadd.f32 v13, v12  }
0x41e: {  	v11 =	vld [tilespmem:$0x1480]  }
0x41f: {  	v18 =	vld [tilespmem:s26+$0x6100];
	v15 =	vmul.f32 v15, v8;
	v14 =	vadd.f32 v14, v13  }
0x420: {  	v12 =	vld [tilespmem:$0x1500]  }
0x421: {  	v19 =	vld [tilespmem:s26+$0x6180];
	v16 =	vmul.f32 v16, v10;
	v15 =	vadd.f32 v15, v14  }
0x422: {  	v13 =	vld [tilespmem:$0x1580]  }
0x423: {  	v20 =	vld [tilespmem:s26+$0x6200];
	v17 =	vmul.f32 v17, v11;
	v16 =	vadd.f32 v16, v15  }
0x424: {  	v14 =	vld [tilespmem:$0x1600]  }
0x425: {  	v61 =	vld [tilespmem:s26+$0x6280];
	v18 =	vmul.f32 v18, v12;
	v17 =	vadd.f32 v17, v16  }
0x426: {  	v15 =	vld [tilespmem:$0x1680]  }
0x427: {  	v62 =	vld [tilespmem:s26+$0x6300];
	v19 =	vmul.f32 v19, v13;
	v18 =	vadd.f32 v18, v17  }
0x428: {  	v16 =	vld [tilespmem:$0x1700]  }
0x429: {  	v23 =	vld [tilespmem:s26+$0x6380];
	v20 =	vmul.f32 v20, v14;
	v19 =	vadd.f32 v19, v18  }
0x42a: {  	v17 =	vld [tilespmem:$0x1780]  }
0x42b: {  	v63 =	vld [tilespmem:s26+$0x6400];
	v19 =	vadd.f32 v20, v19;
	v20 =	vmul.f32 v61, v15  }
0x42c: {  	v18 =	vld [tilespmem:$0x1800]  }
0x42d: {  	v19 =	vadd.f32 v20, v19;
	v20 =	vmul.f32 v62, v16;
	_ =	sdelay $0x1  }
0x42e: {  	v19 =	vadd.f32 v20, v19;
	v20 =	vmul.f32 v23, v17;
	_ =	sdelay $0x1  }
0x42f: {  	v19 =	vadd.f32 v20, v19;
	v20 =	vmul.f32 v63, v18;
	_ =	sdelay $0x1  }
0x430: {  	s28 =	simm.s32 $0x10;
	s26 =	simm.s32 $0x80;
	v19 =	vadd.f32 v20, v19  }
0x431: {  	s29 =	sand.u32 $0x70, s28;
	s30 =	sand.u32 $0x3C00, s26;
	s28 =	simm.s32 $0x20  }
.LBB2_14:
0x432: {  	p0 =	sne.s32 s28, $0x7F0;
	s29 =	sor.u32 s29, s30;
	[tilespmem:s24+$0x0] =	vst v19  }
0x433: {  	s24 =	sadd.s32 $0x10, s24;
	v19 =	vld [tilespmem:s29+$0x2080]  }
0x434: {  	v20 =	vld [tilespmem:s24+$0x0]  }
0x435: {  	v21 =	vld [tilespmem:s29+$0x2100];
	_ =	sdelay $0x1  }
0x436: {  	v22 =	vld [tilespmem:s29+$0x2180]  }
0x437: {  	v19 =	vmul.f32 v19, v6  }
0x438: {  	v23 =	vld [tilespmem:s29+$0x2200]  }
0x439: {  	v19 =	vadd.f32 v19, v20;
	v20 =	vmul.f32 v21, v7  }
0x43a: {  	v21 =	vld [tilespmem:s29+$0x2280]  }
0x43b: {  	s22 =	sadd.s32 $0x1, s22;
	v19 =	vadd.f32 v20, v19;
	v20 =	vmul.f32 v22, v9  }
0x43c: {  	s30 =	sand.u32 $0x7, s22;
	v22 =	vld [tilespmem:s29+$0x2300]  }
0x43d: {  	s30 =	sshll.u32 s30, $0x4;
	v19 =	vadd.f32 v20, v19;
	v20 =	vmul.f32 v23, v5  }
0x43e: {  	s30 =	sadd.s32 s30, s26;
	v23 =	vld [tilespmem:s29+$0x2380]  }
0x43f: {  	s30 =	sor.u32 $0x380, s30;
	v19 =	vadd.f32 v20, v19;
	v20 =	vmul.f32 v21, v3  }
0x440: {  	v21 =	vld [tilespmem:s30+$0x2080]  }
0x441: {  	v19 =	vadd.f32 v20, v19;
	v20 =	vmul.f32 v22, v4  }
0x442: {  	v22 =	vld [tilespmem:s29+$0x6080]  }
0x443: {  	v19 =	vadd.f32 v20, v19;
	v20 =	vmul.f32 v23, v8  }
0x444: {  	v23 =	vld [tilespmem:s29+$0x6100]  }
0x445: {  	v19 =	vadd.f32 v20, v19;
	v20 =	vmul.f32 v21, v10  }
0x446: {  	v21 =	vld [tilespmem:s29+$0x6180]  }
0x447: {  	v19 =	vadd.f32 v20, v19;
	v20 =	vmul.f32 v22, v11  }
0x448: {  	v22 =	vld [tilespmem:s29+$0x6200]  }
0x449: {  	v19 =	vadd.f32 v20, v19;
	v20 =	vmul.f32 v23, v12  }
0x44a: {  	v23 =	vld [tilespmem:s29+$0x6280]  }
0x44b: {  	v19 =	vadd.f32 v20, v19;
	v20 =	vmul.f32 v21, v13  }
0x44c: {  	v21 =	vld [tilespmem:s29+$0x6300]  }
0x44d: {  	v19 =	vadd.f32 v20, v19;
	v20 =	vmul.f32 v22, v14  }
0x44e: {  	v22 =	vld [tilespmem:s29+$0x6380]  }
0x44f: {  	v19 =	vadd.f32 v20, v19;
	v20 =	vmul.f32 v23, v15  }
0x450: {  	v23 =	vld [tilespmem:s29+$0x6400]  }
0x451: {  	v19 =	vadd.f32 v20, v19;
	v20 =	vmul.f32 v21, v16;
	_ =	sdelay $0x1  }
0x452: {  	v19 =	vadd.f32 v20, v19;
	v20 =	vmul.f32 v22, v17  }
.Ltmp6:
0x453: {  	(pc) =	sbr.rel @p0 .LBB2_14-.Ltmp6, $3  }
0x454: {  	v19 =	vadd.f32 v20, v19;
	v20 =	vmul.f32 v23, v18;
	_ =	sdelay $0x1  }
0x455: {  	s26 =	sadd.s32 $0x80, s26;
	v19 =	vadd.f32 v20, v19  }
0x456: {  	s30 =	sand.u32 $0x3C00, s26;
	s29 =	sand.u32 $0x70, s28;
	s28 =	sadd.s32 $0x10, s28  }
0x457: {  	s28 =	sor.u32 s29, s30;
	[tilespmem:s24+$0x0] =	vst v19  }
0x458: {  	s24 =	sadd.s32 $0x10, s24;
	v19 =	vld [tilespmem:s28+$0x2080]  }
0x459: {  	v20 =	vld [tilespmem:s24+$0x0]  }
0x45a: {  	v21 =	vld [tilespmem:s28+$0x2100];
	_ =	sdelay $0x1  }
0x45b: {  	v22 =	vld [tilespmem:s28+$0x2180]  }
0x45c: {  	v6 =	vmul.f32 v19, v6  }
0x45d: {  	v19 =	vld [tilespmem:s28+$0x2200]  }
0x45e: {  	v7 =	vmul.f32 v21, v7;
	v6 =	vadd.f32 v6, v20  }
0x45f: {  	v20 =	vld [tilespmem:s28+$0x2280]  }
0x460: {  	s22 =	sadd.s32 $0x1, s22;
	v6 =	vadd.f32 v7, v6;
	v7 =	vmul.f32 v22, v9  }
0x461: {  	s22 =	sand.u32 $0x7, s22;
	v9 =	vld [tilespmem:s28+$0x2300]  }
0x462: {  	s22 =	sshll.u32 s22, $0x4;
	v5 =	vmul.f32 v19, v5;
	v6 =	vadd.f32 v7, v6  }
0x463: {  	s22 =	sadd.s32 s22, s26;
	v7 =	vld [tilespmem:s28+$0x2380]  }
0x464: {  	s22 =	sor.u32 $0x380, s22;
	v3 =	vmul.f32 v20, v3;
	v5 =	vadd.f32 v5, v6  }
0x465: {  	v6 =	vld [tilespmem:s22+$0x2080]  }
0x466: {  	v4 =	vmul.f32 v9, v4;
	v3 =	vadd.f32 v3, v5  }
0x467: {  	v5 =	vld [tilespmem:s28+$0x6080]  }
0x468: {  	v3 =	vadd.f32 v4, v3;
	v4 =	vmul.f32 v7, v8  }
0x469: {  	v7 =	vld [tilespmem:s28+$0x6100]  }
0x46a: {  	v3 =	vadd.f32 v4, v3;
	v4 =	vmul.f32 v6, v10  }
0x46b: {  	v6 =	vld [tilespmem:s28+$0x6180]  }
0x46c: {  	v3 =	vadd.f32 v4, v3;
	v4 =	vmul.f32 v5, v11  }
0x46d: {  	v5 =	vld [tilespmem:s28+$0x6200]  }
0x46e: {  	v3 =	vadd.f32 v4, v3;
	v4 =	vmul.f32 v7, v12  }
0x46f: {  	v7 =	vld [tilespmem:s28+$0x6280]  }
0x470: {  	v3 =	vadd.f32 v4, v3;
	v4 =	vmul.f32 v6, v13  }
0x471: {  	v6 =	vld [tilespmem:s28+$0x6300]  }
0x472: {  	v3 =	vadd.f32 v4, v3;
	v4 =	vmul.f32 v5, v14  }
0x473: {  	v5 =	vld [tilespmem:s28+$0x6380]  }
0x474: {  	v3 =	vadd.f32 v4, v3;
	v4 =	vmul.f32 v7, v15  }
0x475: {  	v7 =	vld [tilespmem:s28+$0x6400]  }
0x476: {  	v3 =	vadd.f32 v4, v3;
	v4 =	vmul.f32 v6, v16;
	_ =	sdelay $0x1  }
0x477: {  	v3 =	vadd.f32 v4, v3;
	v4 =	vmul.f32 v5, v17;
	_ =	sdelay $0x1  }
0x478: {  	v3 =	vadd.f32 v4, v3;
	v4 =	vmul.f32 v7, v18;
	_ =	sdelay $0x1  }
0x479: {  	v3 =	vadd.f32 v4, v3;
	_ =	sdelay $0x1  }
0x47a: {  	s26 =	rddreg [dreg:$0xe];
	s22 =	simm.s32 $0x0;
	[tilespmem:s24+$0x0] =	vst v3  }
0x47b: {  	[tilespmem:s22], [sflag:$0x2] =	stream.linear.gather [hbm4b:s26+s22], $0x80, $0x38;
	[tilespmem:$0xA880] =	vst v63  }
0x47c: {  	_ =	swait.ge [sflag:s25], $0x80  }
0x47d: {  	[sflag:s25] =	ssyncset.done $0x0  }
0x47e: {  	[sflag:s25] =	ssyncadd.s32 $0xFFFFFF80  }
0x47f: {  	v3 =	vld [tilespmem:$0x0];
	_ =	sdelay $0x4  }
0x480: {  	v4 =	vshll.u32 v3, $0x4  }
0x481: {  	v3 =	vand.u32 $0x7, v3;
	v4 =	vand.u32 $0xFFFFFF80, v4  }
0x482: {  	v3 =	vor.u32 v3, v4  }
0x483: {  	v4 =	vperm.xlane v3, v0;
	_ =	sdelay $0x1  }
0x484: {  	v4 =	vadd.s32 v1, v4;
	_ =	sdelay $0x3  }
0x485: {  	s26 =	simm.s32 $0x2080  }
0x486: {  	[tilespmem:s26], [sflag:$0x1] =	stream.indirect_vreg.gather [hbm4b:s1+s22], $0x80, v4, vm0, $0xb8;
	[tilespmem:$0xA880] =	vst v63  }
0x487: {  	s26 =	simm.s32 $0x2880  }
0x488: {  	[tilespmem:s26], [sflag:$0x1] =	stream.indirect_vreg.gather [hbm4b:s7+s22], $0x80, v4, vm0, $0xb8;
	[tilespmem:$0xA880] =	vst v63  }
0x489: {  	s26 =	simm.s32 $0x3080  }
0x48a: {  	[tilespmem:s26], [sflag:$0x1] =	stream.indirect_vreg.gather [hbm4b:s8+s22], $0x80, v4, vm0, $0xb8;
	[tilespmem:$0xA880] =	vst v63  }
0x48b: {  	_ = 	snop  }
0x48c: {  	[tilespmem:s31], [sflag:$0x1] =	stream.indirect_vreg.gather [hbm4b:s9+s22], $0x80, v4, vm0, $0xb8;
	[tilespmem:$0xA880] =	vst v63  }
0x48d: {  	_ = 	snop  }
0x48e: {  	[tilespmem:s0], [sflag:$0x1] =	stream.indirect_vreg.gather [hbm4b:s10+s22], $0x80, v4, vm0, $0xb8;
	[tilespmem:$0xA880] =	vst v63  }
0x48f: {  	v3 =	vperm.xlane v3, v2  }
0x490: {  	[tilespmem:s3], [sflag:$0x1] =	stream.indirect_vreg.gather [hbm4b:s11+s22], $0x80, v4, vm0, $0xb8;
	[tilespmem:$0xA880] =	vst v63  }
0x491: {  	v3 =	vadd.s32 v1, v3  }
0x492: {  	[tilespmem:s2], [sflag:$0x1] =	stream.indirect_vreg.gather [hbm4b:s12+s22], $0x80, v4, vm0, $0xb8;
	[tilespmem:$0xA880] =	vst v63  }
0x493: {  	_ = 	snop  }
0x494: {  	[tilespmem:s5], [sflag:$0x1] =	stream.indirect_vreg.gather [hbm4b:s21+s22], $0x80, v4, vm0, $0xb8;
	[tilespmem:$0xA880] =	vst v63  }
0x495: {  	_ = 	snop  }
0x496: {  	[tilespmem:s6], [sflag:$0x1] =	stream.indirect_vreg.gather [hbm4b:s1+s22], $0x80, v3, vm0, $0xb8;
	[tilespmem:$0xA880] =	vst v63  }
0x497: {  	_ = 	snop  }
0x498: {  	[tilespmem:s13], [sflag:$0x1] =	stream.indirect_vreg.gather [hbm4b:s7+s22], $0x80, v3, vm0, $0xb8;
	[tilespmem:$0xA880] =	vst v63  }
0x499: {  	_ = 	snop  }
0x49a: {  	[tilespmem:s14], [sflag:$0x1] =	stream.indirect_vreg.gather [hbm4b:s8+s22], $0x80, v3, vm0, $0xb8;
	[tilespmem:$0xA880] =	vst v63  }
0x49b: {  	_ = 	snop  }
0x49c: {  	[tilespmem:s15], [sflag:$0x1] =	stream.indirect_vreg.gather [hbm4b:s9+s22], $0x80, v3, vm0, $0xb8;
	[tilespmem:$0xA880] =	vst v63  }
0x49d: {  	_ = 	snop  }
0x49e: {  	[tilespmem:s16], [sflag:$0x1] =	stream.indirect_vreg.gather [hbm4b:s10+s22], $0x80, v3, vm0, $0xb8;
	[tilespmem:$0xA880] =	vst v63  }
0x49f: {  	_ = 	snop  }
0x4a0: {  	[tilespmem:s17], [sflag:$0x1] =	stream.indirect_vreg.gather [hbm4b:s11+s22], $0x80, v3, vm0, $0xb8;
	[tilespmem:$0xA880] =	vst v63  }
0x4a1: {  	_ = 	snop  }
0x4a2: {  	[tilespmem:s18], [sflag:$0x1] =	stream.indirect_vreg.gather [hbm4b:s12+s22], $0x80, v3, vm0, $0xb8;
	[tilespmem:$0xA880] =	vst v63  }
0x4a3: {  	_ = 	snop  }
0x4a4: {  	[tilespmem:s19], [sflag:$0x1] =	stream.indirect_vreg.gather [hbm4b:s21+s22], $0x80, v3, vm0, $0xb8;
	[tilespmem:$0xA880] =	vst v63  }
0x4a5: {  	_ =	swait.ge [sflag:s20], $0x8000  }
0x4a6: {  	[sflag:s20] =	ssyncset.done $0x0  }
0x4a7: {  	[sflag:s20] =	ssyncadd.s32 $0xFFFF8000  }
0x4a8: {  	s24 =	sand.u32 $0x70, s22;
	s26 =	sand.u32 $0x3C00, s22;
	v6 =	vld [tilespmem:$0x1880]  }
0x4a9: {  	s26 =	sor.u32 s24, s26;
	v7 =	vld [tilespmem:$0x1900]  }
0x4aa: {  	s24 =	simm.s32 $0xA080;
	v3 =	vld [tilespmem:s26+$0x2080]  }
0x4ab: {  	v4 =	vld [tilespmem:s24+$0x0]  }
0x4ac: {  	v8 =	vld [tilespmem:s26+$0x2100]  }
0x4ad: {  	v9 =	vld [tilespmem:$0x1980]  }
0x4ae: {  	v10 =	vld [tilespmem:s26+$0x2180]  }
0x4af: {  	v5 =	vld [tilespmem:$0x1A00];
	v11 =	vmul.f32 v3, v6  }
0x4b0: {  	v12 =	vld [tilespmem:s26+$0x2200]  }
0x4b1: {  	v13 =	vld [tilespmem:s26+$0x2280];
	v8 =	vmul.f32 v8, v7;
	v11 =	vadd.f32 v11, v4  }
0x4b2: {  	v3 =	vld [tilespmem:$0x1A80]  }
0x4b3: {  	s28 =	sand.u32 $0x7, s22;
	v14 =	vld [tilespmem:s26+$0x2300];
	v10 =	vmul.f32 v10, v9;
	v11 =	vadd.f32 v8, v11  }
0x4b4: {  	s28 =	sshll.u32 s28, $0x4;
	v4 =	vld [tilespmem:$0x1B00]  }
0x4b5: {  	s28 =	sadd.s32 $0x0, s28;
	v15 =	vld [tilespmem:s26+$0x2380];
	v12 =	vmul.f32 v12, v5;
	v11 =	vadd.f32 v10, v11  }
0x4b6: {  	s28 =	sor.u32 $0x380, s28;
	v8 =	vld [tilespmem:$0x1B80]  }
0x4b7: {  	v16 =	vld [tilespmem:s28+$0x2080];
	v13 =	vmul.f32 v13, v3;
	v12 =	vadd.f32 v12, v11  }
0x4b8: {  	v10 =	vld [tilespmem:$0x1C00]  }
0x4b9: {  	v17 =	vld [tilespmem:s26+$0x6080];
	v14 =	vmul.f32 v14, v4;
	v13 =	vadd.f32 v13, v12  }
0x4ba: {  	v11 =	vld [tilespmem:$0x1C80]  }
0x4bb: {  	v18 =	vld [tilespmem:s26+$0x6100];
	v15 =	vmul.f32 v15, v8;
	v14 =	vadd.f32 v14, v13  }
0x4bc: {  	v12 =	vld [tilespmem:$0x1D00]  }
0x4bd: {  	v19 =	vld [tilespmem:s26+$0x6180];
	v16 =	vmul.f32 v16, v10;
	v15 =	vadd.f32 v15, v14  }
0x4be: {  	v13 =	vld [tilespmem:$0x1D80]  }
0x4bf: {  	v20 =	vld [tilespmem:s26+$0x6200];
	v17 =	vmul.f32 v17, v11;
	v16 =	vadd.f32 v16, v15  }
0x4c0: {  	v14 =	vld [tilespmem:$0x1E00]  }
0x4c1: {  	v61 =	vld [tilespmem:s26+$0x6280];
	v18 =	vmul.f32 v18, v12;
	v17 =	vadd.f32 v17, v16  }
0x4c2: {  	v15 =	vld [tilespmem:$0x1E80]  }
0x4c3: {  	v62 =	vld [tilespmem:s26+$0x6300];
	v19 =	vmul.f32 v19, v13;
	v18 =	vadd.f32 v18, v17  }
0x4c4: {  	v16 =	vld [tilespmem:$0x1F00]  }
0x4c5: {  	v23 =	vld [tilespmem:s26+$0x6380];
	v20 =	vmul.f32 v20, v14;
	v19 =	vadd.f32 v19, v18  }
0x4c6: {  	v17 =	vld [tilespmem:$0x1F80]  }
0x4c7: {  	v63 =	vld [tilespmem:s26+$0x6400];
	v19 =	vadd.f32 v20, v19;
	v20 =	vmul.f32 v61, v15  }
0x4c8: {  	v18 =	vld [tilespmem:$0x2000]  }
0x4c9: {  	v19 =	vadd.f32 v20, v19;
	v20 =	vmul.f32 v62, v16;
	_ =	sdelay $0x1  }
0x4ca: {  	v19 =	vadd.f32 v20, v19;
	v20 =	vmul.f32 v23, v17;
	_ =	sdelay $0x1  }
0x4cb: {  	v19 =	vadd.f32 v20, v19;
	v20 =	vmul.f32 v63, v18;
	_ =	sdelay $0x1  }
0x4cc: {  	s28 =	simm.s32 $0x10;
	s26 =	simm.s32 $0x80;
	v19 =	vadd.f32 v20, v19  }
0x4cd: {  	s29 =	sand.u32 $0x70, s28;
	s30 =	sand.u32 $0x3C00, s26;
	s28 =	simm.s32 $0x20  }
.LBB2_16:
0x4ce: {  	p0 =	sne.s32 s28, $0x7F0;
	s29 =	sor.u32 s29, s30;
	[tilespmem:s24+$0x0] =	vst v19  }
0x4cf: {  	s24 =	sadd.s32 $0x10, s24;
	v19 =	vld [tilespmem:s29+$0x2080]  }
0x4d0: {  	v20 =	vld [tilespmem:s24+$0x0]  }
0x4d1: {  	v21 =	vld [tilespmem:s29+$0x2100];
	_ =	sdelay $0x1  }
0x4d2: {  	v22 =	vld [tilespmem:s29+$0x2180]  }
0x4d3: {  	v19 =	vmul.f32 v19, v6  }
0x4d4: {  	v23 =	vld [tilespmem:s29+$0x2200]  }
0x4d5: {  	v19 =	vadd.f32 v19, v20;
	v20 =	vmul.f32 v21, v7  }
0x4d6: {  	v21 =	vld [tilespmem:s29+$0x2280]  }
0x4d7: {  	s22 =	sadd.s32 $0x1, s22;
	v19 =	vadd.f32 v20, v19;
	v20 =	vmul.f32 v22, v9  }
0x4d8: {  	s30 =	sand.u32 $0x7, s22;
	v22 =	vld [tilespmem:s29+$0x2300]  }
0x4d9: {  	s30 =	sshll.u32 s30, $0x4;
	v19 =	vadd.f32 v20, v19;
	v20 =	vmul.f32 v23, v5  }
0x4da: {  	s30 =	sadd.s32 s30, s26;
	v23 =	vld [tilespmem:s29+$0x2380]  }
0x4db: {  	s30 =	sor.u32 $0x380, s30;
	v19 =	vadd.f32 v20, v19;
	v20 =	vmul.f32 v21, v3  }
0x4dc: {  	v21 =	vld [tilespmem:s30+$0x2080]  }
0x4dd: {  	v19 =	vadd.f32 v20, v19;
	v20 =	vmul.f32 v22, v4  }
0x4de: {  	v22 =	vld [tilespmem:s29+$0x6080]  }
0x4df: {  	v19 =	vadd.f32 v20, v19;
	v20 =	vmul.f32 v23, v8  }
0x4e0: {  	v23 =	vld [tilespmem:s29+$0x6100]  }
0x4e1: {  	v19 =	vadd.f32 v20, v19;
	v20 =	vmul.f32 v21, v10  }
0x4e2: {  	v21 =	vld [tilespmem:s29+$0x6180]  }
0x4e3: {  	v19 =	vadd.f32 v20, v19;
	v20 =	vmul.f32 v22, v11  }
0x4e4: {  	v22 =	vld [tilespmem:s29+$0x6200]  }
0x4e5: {  	v19 =	vadd.f32 v20, v19;
	v20 =	vmul.f32 v23, v12  }
0x4e6: {  	v23 =	vld [tilespmem:s29+$0x6280]  }
0x4e7: {  	v19 =	vadd.f32 v20, v19;
	v20 =	vmul.f32 v21, v13  }
0x4e8: {  	v21 =	vld [tilespmem:s29+$0x6300]  }
0x4e9: {  	v19 =	vadd.f32 v20, v19;
	v20 =	vmul.f32 v22, v14  }
0x4ea: {  	v22 =	vld [tilespmem:s29+$0x6380]  }
0x4eb: {  	v19 =	vadd.f32 v20, v19;
	v20 =	vmul.f32 v23, v15  }
0x4ec: {  	v23 =	vld [tilespmem:s29+$0x6400]  }
0x4ed: {  	v19 =	vadd.f32 v20, v19;
	v20 =	vmul.f32 v21, v16;
	_ =	sdelay $0x1  }
0x4ee: {  	v19 =	vadd.f32 v20, v19;
	v20 =	vmul.f32 v22, v17  }
.Ltmp7:
0x4ef: {  	(pc) =	sbr.rel @p0 .LBB2_16-.Ltmp7, $3  }
0x4f0: {  	v19 =	vadd.f32 v20, v19;
	v20 =	vmul.f32 v23, v18;
	_ =	sdelay $0x1  }
0x4f1: {  	s26 =	sadd.s32 $0x80, s26;
	v19 =	vadd.f32 v20, v19  }
0x4f2: {  	s30 =	sand.u32 $0x3C00, s26;
	s29 =	sand.u32 $0x70, s28;
	s28 =	sadd.s32 $0x10, s28  }
0x4f3: {  	s28 =	sor.u32 s29, s30;
	[tilespmem:s24+$0x0] =	vst v19  }
0x4f4: {  	s30 =	sadd.s32 $0x10, s24;
	v19 =	vld [tilespmem:s28+$0x2080]  }
0x4f5: {  	v20 =	vld [tilespmem:s30+$0x0]  }
0x4f6: {  	v21 =	vld [tilespmem:s28+$0x2100];
	_ =	sdelay $0x1  }
0x4f7: {  	v22 =	vld [tilespmem:s28+$0x2180]  }
0x4f8: {  	v6 =	vmul.f32 v19, v6  }
0x4f9: {  	v40 =	vld [tilespmem:s28+$0x2200]  }
0x4fa: {  	v7 =	vmul.f32 v21, v7;
	v6 =	vadd.f32 v6, v20  }
0x4fb: {  	v41 =	vld [tilespmem:s28+$0x2280]  }
0x4fc: {  	s22 =	sadd.s32 $0x1, s22;
	v42 =	vmul.f32 v22, v9;
	v6 =	vadd.f32 v7, v6  }
0x4fd: {  	s22 =	sand.u32 $0x7, s22;
	v43 =	vld [tilespmem:s28+$0x2300]  }
0x4fe: {  	s22 =	sshll.u32 s22, $0x4;
	v5 =	vmul.f32 v40, v5;
	v6 =	vadd.f32 v42, v6  }
0x4ff: {  	v44 =	vld [tilespmem:s28+$0x2380];
	s22 =	sadd.s32 s22, s26  }
0x500: {  	s22 =	sor.u32 $0x380, s22;
	v3 =	vmul.f32 v41, v3;
	v5 =	vadd.f32 v5, v6  }
0x501: {  	v45 =	vld [tilespmem:s22+$0x2080]  }
0x502: {  	v4 =	vmul.f32 v43, v4;
	v3 =	vadd.f32 v3, v5  }
0x503: {  	v46 =	vld [tilespmem:s28+$0x6080]  }
0x504: {  	v47 =	vmul.f32 v44, v8;
	v3 =	vadd.f32 v4, v3  }
0x505: {  	v48 =	vld [tilespmem:s28+$0x6100]  }
0x506: {  	v49 =	vmul.f32 v45, v10;
	v3 =	vadd.f32 v47, v3  }
0x507: {  	v50 =	vld [tilespmem:s28+$0x6180]  }
0x508: {  	v51 =	vmul.f32 v46, v11;
	v3 =	vadd.f32 v49, v3  }
0x509: {  	v52 =	vld [tilespmem:s28+$0x6200]  }
0x50a: {  	v53 =	vmul.f32 v48, v12;
	v3 =	vadd.f32 v51, v3  }
0x50b: {  	v54 =	vld [tilespmem:s28+$0x6280]  }
0x50c: {  	v55 =	vmul.f32 v50, v13;
	v3 =	vadd.f32 v53, v3  }
0x50d: {  	v56 =	vld [tilespmem:s28+$0x6300]  }
0x50e: {  	v57 =	vmul.f32 v52, v14;
	v3 =	vadd.f32 v55, v3  }
0x50f: {  	v58 =	vld [tilespmem:s28+$0x6380]  }
0x510: {  	v59 =	vmul.f32 v54, v15;
	v3 =	vadd.f32 v57, v3  }
0x511: {  	v60 =	vld [tilespmem:s28+$0x6400]  }
0x512: {  	v61 =	vmul.f32 v56, v16;
	v3 =	vadd.f32 v59, v3;
	_ =	sdelay $0x1  }
0x513: {  	v62 =	vmul.f32 v58, v17;
	v3 =	vadd.f32 v61, v3;
	_ =	sdelay $0x1  }
0x514: {  	v63 =	vmul.f32 v60, v18;
	v3 =	vadd.f32 v62, v3;
	_ =	sdelay $0x1  }
0x515: {  	v3 =	vadd.f32 v63, v3  }
0x516: {  	s24 =	simm.s32 $0x80  }
0x517: {  	s29 =	simm.s32 $0xA080;
	s26 =	rddreg [dreg:$0x10];
	[tilespmem:s30+$0x0] =	vst v3;
	s30 =	simm.s32 $0x400  }
0x518: {  	[hbm4b:s26+s24] =	stream.strided.scatter [tilespmem:s29], [sflag:$0x2], $0x800, s30, s24, $0x38;
	[tilespmem:$0xA880] =	vst v63  }
0x519: {  	_ =	swait.ge [sflag:s25], $0x800  }
0x51a: {  	s23 =	sadd.s32 $0x1, s23;
	s30 =	rddreg [dreg:$0x11]  }
0x51b: {  	p0 =	sne.s32 s23, s30  }
.Ltmp8:
0x51c: {  	_ = 	snop;
	(pc) =	sbr.rel @p0 .LBB2_1-.Ltmp8, $3  }
0x51d: {  	_ =	sdelay $0x1  }
0x51e: {  	[sflag:s25] =	ssyncset.done $0x0  }
0x51f: {  	s26 =	simm.s32 $0xA080;
	[sflag:s25] =	ssyncadd.s32 $0xFFFFF800  }
0x520: {  	_ =	sfence.sel $0x180000  }
0x521: {  	[bflag:$0x0] =	sbarrier.arrive $0xFFFF  }
0x522: {  	_ =	strace $0x90000047  }
0x523: {  	s0 =	stileid.u32;
	[bflag:$0x2] =	sbarrier.arrive $0xFFFF  }
0x524: {  	p0 =	sne.s32 s0, $0x0;
	s0 =	rddreg [dreg:$0x4]  }
0x525: {  	s0 =	sadd.s32 @!p0 $0x100000, s0  }
0x526: {  	[sflag:s0] =	ssyncadd.tile.s32 @!p0 $0x1;
	_ =	shalt  }
.Lfunc_end2:
_tile_overlayer_lowered:
.L_overlay_start_2:
0x527: {  	(tag) =	ssettag $0x2  }
0x528: {  	s0 =	rddreg [dreg:$0x0];
	s2 =	stileid.u32  }
0x529: {  	s1 =	rddreg [dreg:$0x1];
	p0 =	sne.s32 s2, $0x0  }
0x52a: {  	s3 =	rddreg [dreg:$0x2];
	[bflag:$0x3] =	sbarrier.arrive $0xFFFF;
	s2 =	simm.s32 @!p0 $0x1C02  }
0x52b: {  	[timem:s3], [sflag:s2] =	dma.local @!p0 [hbm:s0], s1  }
0x52c: {  	s0 =	simm.s32 @!p0 $0x2  }
0x52d: {  	_ =	swait.ge @!p0 [sflag:s0], s1  }
0x52e: {  	s1 =	ssub.s32 @!p0 $0x0, s1;
	[sflag:s0] =	ssyncset.done @!p0 $0x0  }
0x52f: {  	[sflag:s0] =	ssyncadd.s32 @!p0 s1  }
0x530: {  	[bflag:$0x3] =	sbarrier.arrive $0xFFFF  }
0x531: {  	_ =	shalt  }

</sc_bundles>
